<compile_context>
chip_gen: v7x
topology: tpu7x:2x2x1
jax: 0.10.2.dev20260603
libtpu: 0.0.44.dev20260713+nightly
codegen_flags: <defaults>
</compile_context>

<pallas_src>
import functools

import jax
import jax.numpy as jnp
from jax import lax
from jax.experimental import pallas as pl
from jax.experimental.pallas import tpu as pltpu
from jax.experimental.pallas import tpu_sc as plsc

N_ATOMS = 10000
N_PAD = 10240
E_ATOMS = 320000
N_FRAGS = 2000
E_FRAG = 8000
D = 128

NC = 2
NS = 16
NW = NC * NS
L = 16

EC_CHUNKS = 80
EPW = EC_CHUNKS * 128
E_PAD = NW * EPW
JUNK = 10008
Z_ROWS = 10112
Z_STRIPE = Z_ROWS // NS

A_CHUNKS = N_PAD // NS // 128
F_ROWS = 2048
F_STRIPE = F_ROWS // NS
JUNK_F = 2040
EF_PAD = 8192
EF_CHUNKS = EF_PAD // NS // 128

_MESH = plsc.VectorSubcoreMesh(core_axis_name="c", subcore_axis_name="s")
_SC_PARAMS = pltpu.CompilerParams(needs_layout_passes=False)


def _copy_idx(dst_ref, src_ref, base):
    for c in range(8):
        dst_ref[pl.ds(c * L, L)] = src_ref[pl.ds(base + c * L, L)]


@functools.partial(
    pl.kernel,
    out_type=jax.ShapeDtypeStruct((NW * N_PAD,), jnp.float32),
    mesh=_MESH,
    compiler_params=_SC_PARAMS,
    scratch_types=[
        pltpu.VMEM((EPW,), jnp.int32),
        pltpu.VMEM((N_PAD,), jnp.float32),
    ],
)
def _sc_hist(src_hbm, counts_hbm, src_v, counts_v):
    wid = lax.axis_index("s") * NC + lax.axis_index("c")
    pltpu.sync_copy(src_hbm.at[pl.ds(wid * EPW, EPW)], src_v)

    zeros = jnp.zeros((L,), jnp.float32)

    def zero_body(i, _):
        counts_v[pl.ds(i * L, L)] = zeros
        return 0

    lax.fori_loop(0, N_PAD // L, zero_body, 0)

    ones = jnp.ones((L,), jnp.float32)

    def hist_body(i, _):
        idx = src_v[pl.ds(i * L, L)]
        plsc.addupdate_scatter(counts_v, [idx], ones)
        return 0

    lax.fori_loop(0, EPW // L, hist_body, 0)
    pltpu.sync_copy(counts_v, counts_hbm.at[pl.ds(wid * N_PAD, N_PAD)])


def _tc_emb_body(x_ref, w_ref, b_ref, cnt_ref, y_ref, y16_ref, dinv_ref):
    deg = jnp.sum(cnt_ref[...], axis=1, keepdims=True) + 1.0
    dinv = lax.rsqrt(deg)
    dinv_ref[...] = dinv
    xw = jnp.dot(x_ref[...], w_ref[...], preferred_element_type=jnp.float32)
    yv = (xw + b_ref[...]) * dinv[:N_ATOMS]
    y_ref[:N_ATOMS] = yv
    y_ref[N_ATOMS:] = jnp.zeros((N_PAD - N_ATOMS, D), jnp.float32)
    y16_ref[:N_ATOMS] = yv.astype(jnp.bfloat16)
    y16_ref[N_ATOMS:] = jnp.zeros((N_PAD - N_ATOMS, D), jnp.bfloat16)


_tc_emb = pl.pallas_call(
    _tc_emb_body,
    out_shape=(
        jax.ShapeDtypeStruct((N_PAD, D), jnp.float32),
        jax.ShapeDtypeStruct((N_PAD, D), jnp.bfloat16),
        jax.ShapeDtypeStruct((N_PAD, 1), jnp.float32),
    ),
)


@functools.partial(
    pl.kernel,
    out_type=jax.ShapeDtypeStruct((NC, Z_ROWS, D), jnp.bfloat16),
    mesh=_MESH,
    compiler_params=pltpu.CompilerParams(needs_layout_passes=False,
                                         use_tc_tiling_on_sc=False),
    scratch_types=[
        pltpu.VMEM((EPW // 2,), jnp.int32),
        pltpu.VMEM((EPW // 2,), jnp.int32),
        pltpu.VMEM((128,), jnp.int32),
        pltpu.VMEM((128,), jnp.int32),
        pltpu.VMEM((128,), jnp.int32),
        pltpu.VMEM((128,), jnp.int32),
        pltpu.VMEM((128, D), jnp.bfloat16),
        pltpu.VMEM((128, D), jnp.bfloat16),
        pltpu.VMEM((128, D), jnp.bfloat16),
        pltpu.VMEM((128, D), jnp.bfloat16),
        pltpu.SemaphoreType.DMA,
        pltpu.SemaphoreType.DMA,
        pltpu.SemaphoreType.DMA,
        pltpu.SemaphoreType.DMA,
        pltpu.SemaphoreType.DMA,
        pltpu.SemaphoreType.DMA,
        pltpu.SemaphoreType.DMA,
        pltpu.SemaphoreType.DMA,
        pltpu.VMEM_SHARED((Z_ROWS, D), jnp.bfloat16),
    ],
)
def _sc_edges(y_hbm, srcp_hbm, tgtp_hbm, zeros_hbm, zpart_hbm,
              src_v, tgt_v, tcur0_v, tcur1_v, tcur2_v, tcur3_v,
              rows0_v, rows1_v, rows2_v, rows3_v,
              gsem0, gsem1, gsem2, gsem3, ssem0, ssem1, ssem2, ssem3,
              zacc):
    cid = lax.axis_index("c")
    sid = lax.axis_index("s")
    wid = sid * NC + cid

    pltpu.sync_copy(zeros_hbm,
                    zacc.at[pl.ds(sid * Z_STRIPE, Z_STRIPE)])
    plsc.subcore_barrier()

    rows = (rows0_v, rows1_v, rows2_v, rows3_v)
    gsems = (gsem0, gsem1, gsem2, gsem3)
    ssems = (ssem0, ssem1, ssem2, ssem3)
    tcurs = (tcur0_v, tcur1_v, tcur2_v, tcur3_v)

    def _gwait(b):
        pltpu.make_async_copy(y_hbm.at[src_v.at[pl.ds(0, 128)]],
                              rows[b], gsems[b]).wait()

    def _swait(b):
        pltpu.make_async_copy(rows[b], zacc.at[tcurs[b]], ssems[b]).wait()

    half = EC_CHUNKS // 2
    for p in range(2):
        base = wid * EPW + p * (EPW // 2)
        pltpu.sync_copy(srcp_hbm.at[pl.ds(base, EPW // 2)], src_v)
        pltpu.sync_copy(tgtp_hbm.at[pl.ds(base, EPW // 2)], tgt_v)

        pltpu.async_copy(y_hbm.at[src_v.at[pl.ds(0, 128)]], rows0_v, gsem0)
        pltpu.async_copy(y_hbm.at[src_v.at[pl.ds(128, 128)]], rows1_v, gsem1)

        def chunk_body(g, _):
            for b in range(4):
                j = 4 * g + b
                _gwait(b)
                _copy_idx(tcurs[b], tgt_v, j * 128)
                pltpu.async_copy(rows[b], zacc.at[tcurs[b]], ssems[b],
                                 add=True)
                b2 = (b + 2) % 4
                if b < 2:
                    @pl.when(g >= 1)
                    def _():
                        _swait(b2)
                    pltpu.async_copy(
                        y_hbm.at[src_v.at[pl.ds((j + 2) * 128, 128)]],
                        rows[b2], gsems[b2])
                else:
                    @pl.when(g < half // 4 - 1)
                    def _():
                        _swait(b2)
                        pltpu.async_copy(
                            y_hbm.at[src_v.at[pl.ds((j + 2) * 128, 128)]],
                            rows[b2], gsems[b2])
            return 0

        lax.fori_loop(0, half // 4, chunk_body, 0)
        for b in range(4):
            _swait(b)
    plsc.subcore_barrier()
    pltpu.sync_copy(zacc.at[pl.ds(sid * Z_STRIPE, Z_STRIPE)],
                    zpart_hbm.at[cid, pl.ds(sid * Z_STRIPE, Z_STRIPE)])


def _tc_fin_body(zpart_ref, y_ref, dinv_ref, out_ref):
    z = (zpart_ref[0, :N_ATOMS, :].astype(jnp.float32)
         + zpart_ref[1, :N_ATOMS, :].astype(jnp.float32))
    out_ref[...] = dinv_ref[:N_ATOMS] * (z + y_ref[:N_ATOMS])


_tc_fin = pl.pallas_call(
    _tc_fin_body,
    out_shape=jax.ShapeDtypeStruct((N_ATOMS, D), jnp.float32),
)


@functools.partial(
    pl.kernel,
    out_type=jax.ShapeDtypeStruct((F_ROWS, D), jnp.float32),
    mesh=_MESH,
    compiler_params=_SC_PARAMS,
    scratch_types=[
        pltpu.VMEM((A_CHUNKS * 128,), jnp.int32),
        pltpu.VMEM((A_CHUNKS * 128,), jnp.int32),
        pltpu.VMEM((EF_CHUNKS * 128,), jnp.int32),
        pltpu.VMEM((EF_CHUNKS * 128,), jnp.int32),
        pltpu.VMEM((128,), jnp.int32),
        pltpu.VMEM((128,), jnp.int32),
        pltpu.VMEM((128, D), jnp.float32),
        pltpu.VMEM((128, D), jnp.float32),
        pltpu.SemaphoreType.DMA,
        pltpu.SemaphoreType.DMA,
        pltpu.VMEM_SHARED((F_ROWS, D), jnp.float32),
        pltpu.VMEM_SHARED((F_ROWS, D), jnp.float32),
    ],
)
def _sc_frag(xnew_hbm, aid_hbm, a2f_hbm, fsrc_hbm, ftgt_hbm, zeros_hbm, ffs_hbm,
             aid_v, a2f_v, fsrc_v, ftgt_v, icur0_v, icur1_v, rows0_v, rows1_v,
             gsem0, gsem1, fragacc, ffs_acc):
    cid = lax.axis_index("c")
    sid = lax.axis_index("s")

    @pl.when(cid == 0)
    def _():
        napw = A_CHUNKS * 128
        nefw = EF_CHUNKS * 128
        pltpu.sync_copy(zeros_hbm.at[pl.ds(0, F_STRIPE)],
                        fragacc.at[pl.ds(sid * F_STRIPE, F_STRIPE)])
        pltpu.sync_copy(zeros_hbm.at[pl.ds(0, F_STRIPE)],
                        ffs_acc.at[pl.ds(sid * F_STRIPE, F_STRIPE)])
        pltpu.sync_copy(aid_hbm.at[pl.ds(sid * napw, napw)], aid_v)
        pltpu.sync_copy(a2f_hbm.at[pl.ds(sid * napw, napw)], a2f_v)
        pltpu.sync_copy(fsrc_hbm.at[pl.ds(sid * nefw, nefw)], fsrc_v)
        pltpu.sync_copy(ftgt_hbm.at[pl.ds(sid * nefw, nefw)], ftgt_v)
        plsc.subcore_barrier()

        bufs = ((rows0_v, gsem0, icur0_v), (rows1_v, gsem1, icur1_v))

        def _pipe(n_chunks, gather_src, gidx_v, sidx_v, acc):
            for b in range(2):
                pltpu.async_copy(
                    gather_src.at[gidx_v.at[pl.ds(b * 128, 128)]],
                    bufs[b][0], bufs[b][1])
            for j in range(n_chunks):
                rows_v, gsem, icur_v = bufs[j % 2]
                pltpu.make_async_copy(
                    gather_src.at[gidx_v.at[pl.ds(0, 128)]],
                    rows_v, gsem).wait()
                _copy_idx(icur_v, sidx_v, j * 128)
                pltpu.sync_copy(rows_v, acc.at[icur_v], add=True)
                if j + 2 < n_chunks:
                    pltpu.async_copy(
                        gather_src.at[gidx_v.at[pl.ds((j + 2) * 128, 128)]],
                        rows_v, gsem)

        _pipe(A_CHUNKS, xnew_hbm, aid_v, a2f_v, fragacc)
        plsc.subcore_barrier()

        _pipe(EF_CHUNKS, fragacc, fsrc_v, ftgt_v, ffs_acc)
        plsc.subcore_barrier()

        pltpu.sync_copy(ffs_acc.at[pl.ds(sid * F_STRIPE, F_STRIPE)],
                        ffs_hbm.at[pl.ds(sid * F_STRIPE, F_STRIPE)])


def _tc_mlp_body(ffs_ref, w1_ref, b1_ref, w2_ref, b2_ref, out_ref):
    h = jnp.dot(ffs_ref[:N_FRAGS], w1_ref[...],
                preferred_element_type=jnp.float32) + b1_ref[...]
    h = jnp.maximum(h, 0.0)
    out_ref[...] = jnp.dot(h, w2_ref[...],
                           preferred_element_type=jnp.float32) + b2_ref[...]


_tc_mlp = pl.pallas_call(
    _tc_mlp_body,
    out_shape=jax.ShapeDtypeStruct((N_FRAGS, D), jnp.float32),
)


def kernel(x_atoms, edge_index, edge_attr, frag_index, x_frags, atom_to_frag_ids,
           node_feautures_bond_graph, edge_index_bonds_graph, edge_attr_bond_graph,
           W_atom, b_atom, W_edge, b_edge, W_proj, b_proj, a_b,
           W_frag1, b_frag1, W_frag2, b_frag2):
    src = edge_index[0]
    tgt = edge_index[1]
    pad_idx = jnp.arange(E_PAD - E_ATOMS, dtype=jnp.int32)
    srcp = jnp.concatenate([src, N_ATOMS + pad_idx % (N_PAD - N_ATOMS)])
    tgtp = jnp.concatenate([tgt, N_ATOMS + pad_idx % (Z_ROWS - N_ATOMS)])

    counts = _sc_hist(srcp)
    y, y16, dinv = _tc_emb(x_atoms, W_atom, b_atom.reshape(1, D),
                           counts.reshape(NW, N_PAD).T)

    zeros_stripe = jnp.zeros((Z_STRIPE, D), jnp.float32)
    zeros16 = jnp.zeros((Z_STRIPE, D), jnp.bfloat16)
    zpart = _sc_edges(y16, srcp, tgtp, zeros16)
    x_atoms_new = _tc_fin(zpart, y, dinv)

    aidp = jnp.arange(N_PAD, dtype=jnp.int32) % N_ATOMS
    a2fp = jnp.pad(atom_to_frag_ids, (0, N_PAD - N_ATOMS),
                   constant_values=JUNK_F)
    fsrcp = jnp.pad(frag_index[0], (0, EF_PAD - E_FRAG), constant_values=JUNK_F)
    ftgtp = jnp.pad(frag_index[1], (0, EF_PAD - E_FRAG), constant_values=JUNK_F)

    ffs = _sc_frag(x_atoms_new, aidp, a2fp, fsrcp, ftgtp, zeros_stripe)
    x_frags_new = _tc_mlp(ffs, W_frag1, b_frag1.reshape(1, 2 * D),
                          W_frag2, b_frag2.reshape(1, D))
    return (x_atoms_new, x_frags_new)

# --- scband reference (transcript-rebuilt; emitter-appended) ---
"""Pipeline reference for scband-frag-net-layer-22771916603971 (READ-ONLY COPY).

The authoritative reference and input builder live on the scoring server;
editing this copy changes nothing except your own understanding.
"""

import jax, jax.numpy as jnp
import numpy as np

N_ATOMS = 10000
E_ATOMS = 320000
N_FRAGS = 2000
E_FRAG = 8000
NB = 320000
E_BG = 640000
ATOM_IN = 128
ATOM_OUT = 128
EDGE_IN = 12
EDGE_OUT = 128
HEADS = 3
HDIM = EDGE_IN // HEADS  # 4


def _scatter_softmax(logits, index, num_segments):
    seg_max = jax.ops.segment_max(logits, index, num_segments=num_segments)
    seg_max = jnp.where(jnp.isfinite(seg_max), seg_max, 0.0)
    ex = jnp.exp(logits - seg_max[index])
    seg_sum = jax.ops.segment_sum(ex, index, num_segments=num_segments)
    return ex / seg_sum[index]


def setup_inputs(seed: int = 0):
    key = jax.random.key(seed)
    ks = jax.random.split(key, 16)
    s = 0.05
    return {
        "x_atoms": jax.random.normal(ks[0], (N_ATOMS, ATOM_IN), dtype=jnp.float32),
        "edge_index": jax.random.randint(ks[1], (2, E_ATOMS), 0, N_ATOMS, dtype=jnp.int32),
        "edge_attr": jax.random.normal(ks[2], (E_ATOMS, EDGE_IN), dtype=jnp.float32),
        "frag_index": jax.random.randint(ks[3], (2, E_FRAG), 0, N_FRAGS, dtype=jnp.int32),
        "x_frags": jax.random.normal(ks[4], (N_FRAGS, 128), dtype=jnp.float32),
        "atom_to_frag_ids": jax.random.randint(ks[5], (N_ATOMS,), 0, N_FRAGS, dtype=jnp.int32),
        "node_feautures_bond_graph": jax.random.normal(ks[6], (NB, EDGE_IN), dtype=jnp.float32),
        "edge_index_bonds_graph": jax.random.randint(ks[7], (2, E_BG), 0, NB, dtype=jnp.int32),
        "edge_attr_bond_graph": jax.random.normal(ks[8], (E_BG, 1), dtype=jnp.float32),
        "W_atom": jax.random.normal(ks[9], (ATOM_IN, ATOM_OUT), dtype=jnp.float32) * s,
        "b_atom": jnp.zeros((ATOM_OUT,), dtype=jnp.float32),
        "W_edge": jax.random.normal(ks[10], (EDGE_IN, EDGE_OUT), dtype=jnp.float32) * s,
        "b_edge": jnp.zeros((EDGE_OUT,), dtype=jnp.float32),
        "W_proj": jax.random.normal(ks[11], (EDGE_IN, HDIM * HEADS), dtype=jnp.float32) * s,
        "b_proj": jnp.zeros((HDIM * HEADS,), dtype=jnp.float32),
        "a_b": jax.random.normal(ks[12], (HEADS, 2 * HDIM + 1), dtype=jnp.float32) * s,
        "W_frag1": jax.random.normal(ks[13], (ATOM_OUT, 2 * ATOM_OUT), dtype=jnp.float32) * s,
        "b_frag1": jnp.zeros((2 * ATOM_OUT,), dtype=jnp.float32),
        "W_frag2": jax.random.normal(ks[14], (2 * ATOM_OUT, ATOM_OUT), dtype=jnp.float32) * s,
        "b_frag2": jnp.zeros((ATOM_OUT,), dtype=jnp.float32),
    }


def reference(x_atoms, edge_index, edge_attr, frag_index, x_frags, atom_to_frag_ids,
              node_feautures_bond_graph, edge_index_bonds_graph, edge_attr_bond_graph,
              W_atom, b_atom, W_edge, b_edge, W_proj, b_proj, a_b,
              W_frag1, b_frag1, W_frag2, b_frag2):
    # ---- bond-graph attention (GAT-style) ----
    target, source = edge_index_bonds_graph[0], edge_index_bonds_graph[1]
    ea_bonds = jnp.transpose(jnp.tile(edge_attr_bond_graph[None, :, :], (HEADS, 1, 1)), (1, 0, 2))
    num_nodes_b = node_feautures_bond_graph.shape[0]
    node_feats_b = node_feautures_bond_graph @ W_proj + b_proj
    node_feats_b = node_feats_b.reshape(num_nodes_b, HEADS, -1)
    source_features = node_feats_b[source]
    target_features = node_feats_b[target]
    message = jnp.concatenate([target_features, ea_bonds, source_features], axis=-1)
    attn_logits = jnp.sum(message * a_b, axis=2)
    attn_logits = jnp.where(attn_logits >= 0, attn_logits, 0.2 * attn_logits)  # LeakyReLU(0.2)
    attn_probs = _scatter_softmax(attn_logits, target, num_nodes_b)
    hj = node_feats_b[source]
    weighted = attn_probs[..., None] * hj
    node_feats_sum_b = jax.ops.segment_sum(weighted, target, num_segments=num_nodes_b)
    summed_attn_weights_bonds = jax.ops.segment_sum(attn_probs, source, num_segments=num_nodes_b)  # unused, faithful
    new_bond_features = node_feats_sum_b.reshape(num_nodes_b, -1)
    # ---- atom graph GCN-style aggregation with self loops ----
    n_atoms = x_atoms.shape[0]
    loops = jnp.arange(n_atoms, dtype=edge_index.dtype)
    ei = jnp.concatenate([edge_index, jnp.stack([loops, loops], axis=0)], axis=1)
    self_loop_attr = jnp.zeros((n_atoms, 12), dtype=edge_attr.dtype)
    edge_attr_full = jnp.concatenate([new_bond_features, self_loop_attr], axis=0)
    x_emb = x_atoms @ W_atom + b_atom
    edge_attr_emb = edge_attr_full @ W_edge + b_edge  # computed but unused downstream (faithful)
    src2, tgt2 = ei[0], ei[1]
    src_feat = x_emb[src2]
    deg = jax.ops.segment_sum(jnp.ones(ei.shape[1], dtype=x_emb.dtype), src2, num_segments=n_atoms)
    deg_safe = jnp.where(deg > 0, deg, 1.0)
    deg_inv_sqrt = jnp.where(deg > 0, deg_safe ** -0.5, 0.0)
    norm = deg_inv_sqrt[src2] * deg_inv_sqrt[tgt2]
    msg = src_feat * norm[:, None]
    x_atoms_new = jax.ops.segment_sum(msg, tgt2, num_segments=n_atoms)
    # ---- fragment graph ----
    n_frags = x_frags.shape[0]
    x_frags_agg = jax.ops.segment_sum(x_atoms_new, atom_to_frag_ids, num_segments=n_frags)
    src3, tgt3 = frag_index[0], frag_index[1]
    frag_msg = x_frags_agg[src3]
    frag_feats_sum = jax.ops.segment_sum(frag_msg, tgt3, num_segments=n_frags)
    h = jnp.maximum(frag_feats_sum @ W_frag1 + b_frag1, 0.0)
    x_frags_new = h @ W_frag2 + b_frag2
    return (x_atoms_new, x_frags_new)

if __name__ == "__main__":
    import jax
    _d = setup_inputs()
    print(jax.jit(kernel)(*tuple(_d.values())))

</pallas_src>

<mosaic_0001>
#map = affine_map<(d0, d1) -> (0)>
module attributes {stable_mosaic.version = 14 : i64} {
  func.func @_sc_hist(%arg0: i32, %arg1: i32, %arg2: memref<327680xi32, #tpu.memory_space<hbm>>, %arg3: memref<327680xf32, #tpu.memory_space<hbm>>, %arg4: memref<10240xi32, #tpu.memory_space<vmem>>, %arg5: memref<10240xf32, #tpu.memory_space<vmem>>) attributes {dimension_semantics = [#tpu.dimension_semantics<core_parallel>, #tpu.dimension_semantics<subcore_parallel>], iteration_bounds = array<i64: 2, 16>, scalar_prefetch = 0 : i64, scratch_operands = 2 : i64, tpu.core_type = #tpu.core_type<sc_vector_subcore>, window_params = [{transform_indices = #map}, {transform_indices = #map}]} {
    %mul3A = arith.constant 2 : i32
    %mul3A_0 = arith.muli %arg1, %mul3A : i32
    %add3A = arith.addi %mul3A_0, %arg0 : i32
    %mul3A_1 = arith.constant 10240 : i32
    %mul3A_2 = arith.muli %add3A, %mul3A_1 : i32
    "tpu.region"() ({
      %run_scoped3A = tpu.sem_alloc : memref<!tpu.dma_semaphore, #tpu.memory_space<semaphore_mem>>
      %dma_start3A = tpu.memref_slice %arg2[%mul3A_2] : memref<327680xi32, #tpu.memory_space<hbm>> -> memref<10240xi32, #tpu.memory_space<hbm>>
      %dma_start3A_21 = tpu.memref_slice %arg2[%mul3A_2] : memref<327680xi32, #tpu.memory_space<hbm>> -> memref<10240xi32, #tpu.memory_space<hbm>>
      tpu.enqueue_dma source(%dma_start3A_21 : memref<10240xi32, #tpu.memory_space<hbm>>) target(%arg4 : memref<10240xi32, #tpu.memory_space<vmem>>) target_semaphore(%run_scoped3A : memref<!tpu.dma_semaphore, #tpu.memory_space<semaphore_mem>>)
      %dma_wait3A = tpu.memref_slice %arg2[%mul3A_2] : memref<327680xi32, #tpu.memory_space<hbm>> -> memref<10240xi32, #tpu.memory_space<hbm>>
      %dma_wait3A_22 = tpu.memref_slice %arg2[%mul3A_2] : memref<327680xi32, #tpu.memory_space<hbm>> -> memref<10240xi32, #tpu.memory_space<hbm>>
      tpu.wait_dma2 semaphore(%run_scoped3A : memref<!tpu.dma_semaphore, #tpu.memory_space<semaphore_mem>>) src(%dma_wait3A_22 : memref<10240xi32, #tpu.memory_space<hbm>>) dst(%arg4 : memref<10240xi32, #tpu.memory_space<vmem>>)
      tpu.yield
    }) : () -> ()
    %broadcast_in_dim3A = arith.constant 0.000000e+00 : f32
    %broadcast_in_dim3A_3 = vector.broadcast %broadcast_in_dim3A : f32 to vector<16xf32>
    %scan3A = arith.constant 0 : i32
    %scan3A_4 = arith.constant 0 : i32
    %scan3A_5 = arith.constant 640 : i32
    %scan3A_6 = arith.addi %scan3A_4, %scan3A_5 : i32
    %scan3A_7 = arith.constant 1 : i32
    %scan3A_8 = scf.for %scan3A_21 = %scan3A_4 to %scan3A_6 step %scan3A_7 iter_args(%scan3A_22 = %scan3A) -> (i32)  : i32 {
      %mul3A_23 = arith.constant 16 : i32
      %mul3A_24 = arith.muli %scan3A_21, %mul3A_23 : i32
      %swap3A = arith.index_cast %mul3A_24 : i32 to index
      %swap3A_25 = tpu.vector_load %arg5[%swap3A] {strides = array<i32>} : memref<10240xf32, #tpu.memory_space<vmem>>, vector<16xf32>,
      tpu.vector_store %arg5[%swap3A], %broadcast_in_dim3A_3 {strides = array<i32>} : memref<10240xf32, #tpu.memory_space<vmem>>, vector<16xf32>,
      %scan3A_26 = arith.constant 0 : i32
      scf.yield %scan3A_26 : i32
    }
    %scan3A_9 = arith.constant 640 : i32
    %broadcast_in_dim3A_10 = arith.constant 1.000000e+00 : f32
    %broadcast_in_dim3A_11 = vector.broadcast %broadcast_in_dim3A_10 : f32 to vector<16xf32>
    %scan3A_12 = arith.constant 0 : i32
    %scan3A_13 = arith.constant 0 : i32
    %scan3A_14 = arith.constant 640 : i32
    %scan3A_15 = arith.addi %scan3A_13, %scan3A_14 : i32
    %scan3A_16 = arith.constant 1 : i32
    %scan3A_17 = scf.for %scan3A_21 = %scan3A_13 to %scan3A_15 step %scan3A_16 iter_args(%scan3A_22 = %scan3A_12) -> (i32)  : i32 {
      %mul3A_23 = arith.constant 16 : i32
      %mul3A_24 = arith.muli %scan3A_21, %mul3A_23 : i32
      %get3A = arith.index_cast %mul3A_24 : i32 to index
      %get3A_25 = tpu.vector_load %arg4[%get3A] {strides = array<i32>} : memref<10240xi32, #tpu.memory_space<vmem>>, vector<16xi32>,
      tpu.vector_store_idx %arg5[%get3A_25], %broadcast_in_dim3A_11 {add = true} : memref<10240xf32, #tpu.memory_space<vmem>>[vector<16xi32>], vector<16xf32>,
      %scan3A_26 = arith.constant 0 : i32
      scf.yield %scan3A_26 : i32
    }
    %scan3A_18 = arith.constant 640 : i32
    %mul3A_19 = arith.constant 10240 : i32
    %mul3A_20 = arith.muli %add3A, %mul3A_19 : i32
    "tpu.region"() ({
      %run_scoped3A = tpu.sem_alloc : memref<!tpu.dma_semaphore, #tpu.memory_space<semaphore_mem>>
      %dma_start3A = tpu.memref_slice %arg3[%mul3A_20] : memref<327680xf32, #tpu.memory_space<hbm>> -> memref<10240xf32, #tpu.memory_space<hbm>>
      %dma_start3A_21 = tpu.memref_slice %arg3[%mul3A_20] : memref<327680xf32, #tpu.memory_space<hbm>> -> memref<10240xf32, #tpu.memory_space<hbm>>
      tpu.enqueue_dma source(%arg5 : memref<10240xf32, #tpu.memory_space<vmem>>) target(%dma_start3A_21 : memref<10240xf32, #tpu.memory_space<hbm>>) target_semaphore(%run_scoped3A : memref<!tpu.dma_semaphore, #tpu.memory_space<semaphore_mem>>)
      %dma_wait3A = tpu.memref_slice %arg3[%mul3A_20] : memref<327680xf32, #tpu.memory_space<hbm>> -> memref<10240xf32, #tpu.memory_space<hbm>>
      %dma_wait3A_22 = tpu.memref_slice %arg3[%mul3A_20] : memref<327680xf32, #tpu.memory_space<hbm>> -> memref<10240xf32, #tpu.memory_space<hbm>>
      tpu.wait_dma2 semaphore(%run_scoped3A : memref<!tpu.dma_semaphore, #tpu.memory_space<semaphore_mem>>) src(%arg5 : memref<10240xf32, #tpu.memory_space<vmem>>) dst(%dma_wait3A_22 : memref<10240xf32, #tpu.memory_space<hbm>>)
      tpu.yield
    }) : () -> ()
    return
  }
}

#map = affine_map<(d0, d1) -> (0, 0)>
#map1 = affine_map<(d0, d1) -> (0)>
module attributes {stable_mosaic.version = 14 : i64} {
  func.func @_sc_frag(%arg0: i32, %arg1: i32, %arg2: memref<10000x128xf32, #tpu.memory_space<hbm>>, %arg3: memref<10240xi32, #tpu.memory_space<hbm>>, %arg4: memref<10240xi32, #tpu.memory_space<hbm>>, %arg5: memref<8192xi32, #tpu.memory_space<hbm>>, %arg6: memref<8192xi32, #tpu.memory_space<hbm>>, %arg7: memref<632x128xf32, #tpu.memory_space<hbm>>, %arg8: memref<2048x128xf32, #tpu.memory_space<hbm>>, %arg9: memref<640xi32, #tpu.memory_space<vmem>>, %arg10: memref<640xi32, #tpu.memory_space<vmem>>, %arg11: memref<512xi32, #tpu.memory_space<vmem>>, %arg12: memref<512xi32, #tpu.memory_space<vmem>>, %arg13: memref<128xi32, #tpu.memory_space<vmem>>, %arg14: memref<128xi32, #tpu.memory_space<vmem>>, %arg15: memref<128x128xf32, #tpu.memory_space<vmem>>, %arg16: memref<128x128xf32, #tpu.memory_space<vmem>>, %arg17: memref<!tpu.dma_semaphore, #tpu.memory_space<semaphore_mem>>, %arg18: memref<!tpu.dma_semaphore, #tpu.memory_space<semaphore_mem>>, %arg19: memref<2048x128xf32, #tpu.memory_space<vmem_shared>>, %arg20: memref<2048x128xf32, #tpu.memory_space<vmem_shared>>) attributes {dimension_semantics = [#tpu.dimension_semantics<core_parallel>, #tpu.dimension_semantics<subcore_parallel>], iteration_bounds = array<i64: 2, 16>, scalar_prefetch = 0 : i64, scratch_operands = 12 : i64, tpu.core_type = #tpu.core_type<sc_vector_subcore>, window_params = [{transform_indices = #map}, {transform_indices = #map1}, {transform_indices = #map1}, {transform_indices = #map1}, {transform_indices = #map1}, {transform_indices = #map}, {transform_indices = #map}]} {
    %eq3A = arith.constant 0 : i32
    %eq3A_0 = arith.cmpi eq, %arg0, %eq3A : i32
    %convert_element_type3A = arith.extui %eq3A_0 : i1 to i32
    %cond3A = arith.constant 0 : i32
    %cond3A_1 = arith.cmpi ne, %convert_element_type3A, %cond3A : i32
    scf.if %cond3A_1 {
      %mul3A = arith.constant 128 : i32
      %mul3A_2 = arith.muli %arg1, %mul3A : i32
      "tpu.region"() ({
        %run_scoped3A = tpu.sem_alloc : memref<!tpu.dma_semaphore, #tpu.memory_space<semaphore_mem>>
        %dma_start3A_393 = arith.constant 0 : i32
        %dma_start3A_394 = tpu.memref_slice %arg19[%mul3A_2, %dma_start3A_393] : memref<2048x128xf32, #tpu.memory_space<vmem_shared>> -> memref<128x128xf32, #tpu.memory_space<vmem_shared>>
        %dma_start3A_395 = arith.constant 0 : i32
        %dma_start3A_396 = arith.constant 0 : i32
        %dma_start3A_397 = tpu.memref_slice %arg7[%dma_start3A_395, %dma_start3A_396] : memref<632x128xf32, #tpu.memory_space<hbm>> -> memref<128x128xf32, #tpu.memory_space<hbm>>
        tpu.enqueue_dma source(%dma_start3A_397 : memref<128x128xf32, #tpu.memory_space<hbm>>) target(%dma_start3A_394 : memref<128x128xf32, #tpu.memory_space<vmem_shared>>) target_semaphore(%run_scoped3A : memref<!tpu.dma_semaphore, #tpu.memory_space<semaphore_mem>>)
        %dma_wait3A_398 = arith.constant 0 : i32
        %dma_wait3A_399 = tpu.memref_slice %arg19[%mul3A_2, %dma_wait3A_398] : memref<2048x128xf32, #tpu.memory_space<vmem_shared>> -> memref<128x128xf32, #tpu.memory_space<vmem_shared>>
        %dma_wait3A_400 = arith.constant 0 : i32
        %dma_wait3A_401 = arith.constant 0 : i32
        %dma_wait3A_402 = tpu.memref_slice %arg7[%dma_wait3A_400, %dma_wait3A_401] : memref<632x128xf32, #tpu.memory_space<hbm>> -> memref<128x128xf32, #tpu.memory_space<hbm>>
        tpu.wait_dma2 semaphore(%run_scoped3A : memref<!tpu.dma_semaphore, #tpu.memory_space<semaphore_mem>>) src(%dma_wait3A_402 : memref<128x128xf32, #tpu.memory_space<hbm>>) dst(%dma_wait3A_399 : memref<128x128xf32, #tpu.memory_space<vmem_shared>>)
        tpu.yield
      }) : () -> ()
      %mul3A_3 = arith.constant 128 : i32
      %mul3A_4 = arith.muli %arg1, %mul3A_3 : i32
      "tpu.region"() ({
        %run_scoped3A = tpu.sem_alloc : memref<!tpu.dma_semaphore, #tpu.memory_space<semaphore_mem>>
        %dma_start3A_393 = arith.constant 0 : i32
        %dma_start3A_394 = tpu.memref_slice %arg20[%mul3A_4, %dma_start3A_393] : memref<2048x128xf32, #tpu.memory_space<vmem_shared>> -> memref<128x128xf32, #tpu.memory_space<vmem_shared>>
        %dma_start3A_395 = arith.constant 0 : i32
        %dma_start3A_396 = arith.constant 0 : i32
        %dma_start3A_397 = tpu.memref_slice %arg7[%dma_start3A_395, %dma_start3A_396] : memref<632x128xf32, #tpu.memory_space<hbm>> -> memref<128x128xf32, #tpu.memory_space<hbm>>
        tpu.enqueue_dma source(%dma_start3A_397 : memref<128x128xf32, #tpu.memory_space<hbm>>) target(%dma_start3A_394 : memref<128x128xf32, #tpu.memory_space<vmem_shared>>) target_semaphore(%run_scoped3A : memref<!tpu.dma_semaphore, #tpu.memory_space<semaphore_mem>>)
        %dma_wait3A_398 = arith.constant 0 : i32
        %dma_wait3A_399 = tpu.memref_slice %arg20[%mul3A_4, %dma_wait3A_398] : memref<2048x128xf32, #tpu.memory_space<vmem_shared>> -> memref<128x128xf32, #tpu.memory_space<vmem_shared>>
        %dma_wait3A_400 = arith.constant 0 : i32
        %dma_wait3A_401 = arith.constant 0 : i32
        %dma_wait3A_402 = tpu.memref_slice %arg7[%dma_wait3A_400, %dma_wait3A_401] : memref<632x128xf32, #tpu.memory_space<hbm>> -> memref<128x128xf32, #tpu.memory_space<hbm>>
        tpu.wait_dma2 semaphore(%run_scoped3A : memref<!tpu.dma_semaphore, #tpu.memory_space<semaphore_mem>>) src(%dma_wait3A_402 : memref<128x128xf32, #tpu.memory_space<hbm>>) dst(%dma_wait3A_399 : memref<128x128xf32, #tpu.memory_space<vmem_shared>>)
        tpu.yield
      }) : () -> ()
      %mul3A_5 = arith.constant 640 : i32
      %mul3A_6 = arith.muli %arg1, %mul3A_5 : i32
      "tpu.region"() ({
        %run_scoped3A = tpu.sem_alloc : memref<!tpu.dma_semaphore, #tpu.memory_space<semaphore_mem>>
        %dma_start3A_393 = tpu.memref_slice %arg3[%mul3A_6] : memref<10240xi32, #tpu.memory_space<hbm>> -> memref<640xi32, #tpu.memory_space<hbm>>
        %dma_start3A_394 = tpu.memref_slice %arg3[%mul3A_6] : memref<10240xi32, #tpu.memory_space<hbm>> -> memref<640xi32, #tpu.memory_space<hbm>>
        tpu.enqueue_dma source(%dma_start3A_394 : memref<640xi32, #tpu.memory_space<hbm>>) target(%arg9 : memref<640xi32, #tpu.memory_space<vmem>>) target_semaphore(%run_scoped3A : memref<!tpu.dma_semaphore, #tpu.memory_space<semaphore_mem>>)
        %dma_wait3A_395 = tpu.memref_slice %arg3[%mul3A_6] : memref<10240xi32, #tpu.memory_space<hbm>> -> memref<640xi32, #tpu.memory_space<hbm>>
        %dma_wait3A_396 = tpu.memref_slice %arg3[%mul3A_6] : memref<10240xi32, #tpu.memory_space<hbm>> -> memref<640xi32, #tpu.memory_space<hbm>>
        tpu.wait_dma2 semaphore(%run_scoped3A : memref<!tpu.dma_semaphore, #tpu.memory_space<semaphore_mem>>) src(%dma_wait3A_396 : memref<640xi32, #tpu.memory_space<hbm>>) dst(%arg9 : memref<640xi32, #tpu.memory_space<vmem>>)
        tpu.yield
      }) : () -> ()
      %mul3A_7 = arith.constant 640 : i32
      %mul3A_8 = arith.muli %arg1, %mul3A_7 : i32
      "tpu.region"() ({
        %run_scoped3A = tpu.sem_alloc : memref<!tpu.dma_semaphore, #tpu.memory_space<semaphore_mem>>
        %dma_start3A_393 = tpu.memref_slice %arg4[%mul3A_8] : memref<10240xi32, #tpu.memory_space<hbm>> -> memref<640xi32, #tpu.memory_space<hbm>>
        %dma_start3A_394 = tpu.memref_slice %arg4[%mul3A_8] : memref<10240xi32, #tpu.memory_space<hbm>> -> memref<640xi32, #tpu.memory_space<hbm>>
        tpu.enqueue_dma source(%dma_start3A_394 : memref<640xi32, #tpu.memory_space<hbm>>) target(%arg10 : memref<640xi32, #tpu.memory_space<vmem>>) target_semaphore(%run_scoped3A : memref<!tpu.dma_semaphore, #tpu.memory_space<semaphore_mem>>)
        %dma_wait3A_395 = tpu.memref_slice %arg4[%mul3A_8] : memref<10240xi32, #tpu.memory_space<hbm>> -> memref<640xi32, #tpu.memory_space<hbm>>
        %dma_wait3A_396 = tpu.memref_slice %arg4[%mul3A_8] : memref<10240xi32, #tpu.memory_space<hbm>> -> memref<640xi32, #tpu.memory_space<hbm>>
        tpu.wait_dma2 semaphore(%run_scoped3A : memref<!tpu.dma_semaphore, #tpu.memory_space<semaphore_mem>>) src(%dma_wait3A_396 : memref<640xi32, #tpu.memory_space<hbm>>) dst(%arg10 : memref<640xi32, #tpu.memory_space<vmem>>)
        tpu.yield
      }) : () -> ()
      %mul3A_9 = arith.constant 512 : i32
      %mul3A_10 = arith.muli %arg1, %mul3A_9 : i32
      "tpu.region"() ({
        %run_scoped3A = tpu.sem_alloc : memref<!tpu.dma_semaphore, #tpu.memory_space<semaphore_mem>>
        %dma_start3A_393 = tpu.memref_slice %arg5[%mul3A_10] : memref<8192xi32, #tpu.memory_space<hbm>> -> memref<512xi32, #tpu.memory_space<hbm>>
        %dma_start3A_394 = tpu.memref_slice %arg5[%mul3A_10] : memref<8192xi32, #tpu.memory_space<hbm>> -> memref<512xi32, #tpu.memory_space<hbm>>
        tpu.enqueue_dma source(%dma_start3A_394 : memref<512xi32, #tpu.memory_space<hbm>>) target(%arg11 : memref<512xi32, #tpu.memory_space<vmem>>) target_semaphore(%run_scoped3A : memref<!tpu.dma_semaphore, #tpu.memory_space<semaphore_mem>>)
        %dma_wait3A_395 = tpu.memref_slice %arg5[%mul3A_10] : memref<8192xi32, #tpu.memory_space<hbm>> -> memref<512xi32, #tpu.memory_space<hbm>>
        %dma_wait3A_396 = tpu.memref_slice %arg5[%mul3A_10] : memref<8192xi32, #tpu.memory_space<hbm>> -> memref<512xi32, #tpu.memory_space<hbm>>
        tpu.wait_dma2 semaphore(%run_scoped3A : memref<!tpu.dma_semaphore, #tpu.memory_space<semaphore_mem>>) src(%dma_wait3A_396 : memref<512xi32, #tpu.memory_space<hbm>>) dst(%arg11 : memref<512xi32, #tpu.memory_space<vmem>>)
        tpu.yield
      }) : () -> ()
      %mul3A_11 = arith.constant 512 : i32
      %mul3A_12 = arith.muli %arg1, %mul3A_11 : i32
      "tpu.region"() ({
        %run_scoped3A = tpu.sem_alloc : memref<!tpu.dma_semaphore, #tpu.memory_space<semaphore_mem>>
        %dma_start3A_393 = tpu.memref_slice %arg6[%mul3A_12] : memref<8192xi32, #tpu.memory_space<hbm>> -> memref<512xi32, #tpu.memory_space<hbm>>
        %dma_start3A_394 = tpu.memref_slice %arg6[%mul3A_12] : memref<8192xi32, #tpu.memory_space<hbm>> -> memref<512xi32, #tpu.memory_space<hbm>>
        tpu.enqueue_dma source(%dma_start3A_394 : memref<512xi32, #tpu.memory_space<hbm>>) target(%arg12 : memref<512xi32, #tpu.memory_space<vmem>>) target_semaphore(%run_scoped3A : memref<!tpu.dma_semaphore, #tpu.memory_space<semaphore_mem>>)
        %dma_wait3A_395 = tpu.memref_slice %arg6[%mul3A_12] : memref<8192xi32, #tpu.memory_space<hbm>> -> memref<512xi32, #tpu.memory_space<hbm>>
        %dma_wait3A_396 = tpu.memref_slice %arg6[%mul3A_12] : memref<8192xi32, #tpu.memory_space<hbm>> -> memref<512xi32, #tpu.memory_space<hbm>>
        tpu.wait_dma2 semaphore(%run_scoped3A : memref<!tpu.dma_semaphore, #tpu.memory_space<semaphore_mem>>) src(%dma_wait3A_396 : memref<512xi32, #tpu.memory_space<hbm>>) dst(%arg12 : memref<512xi32, #tpu.memory_space<vmem>>)
        tpu.yield
      }) : () -> ()
      %barrier3A = arith.constant 0 : index
      tpu.barrier barrier_id(%barrier3A)
      %dma_start3A = arith.constant 0 : i32
      %dma_start3A_13 = tpu.memref_slice %arg9[%dma_start3A] : memref<640xi32, #tpu.memory_space<vmem>> -> memref<128xi32, #tpu.memory_space<vmem>>
      %dma_start3A_14 = arith.constant 0 : i32
      %dma_start3A_15 = arith.constant 0 : i32
      %dma_start3A_16 = tpu.memref_slice %arg2[%dma_start3A_14, %dma_start3A_15] : memref<10000x128xf32, #tpu.memory_space<hbm>> -> memref<10000x128xf32, #tpu.memory_space<hbm>>
      tpu.enqueue_indirect_dma source(%dma_start3A_16 : memref<10000x128xf32, #tpu.memory_space<hbm>>) target(%arg15 : memref<128x128xf32, #tpu.memory_space<vmem>>) offsets(%dma_start3A_13 : memref<128xi32, #tpu.memory_space<vmem>>) semaphore(%arg17 : memref<!tpu.dma_semaphore, #tpu.memory_space<semaphore_mem>>)
      %dma_start3A_17 = arith.constant 128 : i32
      %dma_start3A_18 = tpu.memref_slice %arg9[%dma_start3A_17] : memref<640xi32, #tpu.memory_space<vmem>> -> memref<128xi32, #tpu.memory_space<vmem>>
      %dma_start3A_19 = arith.constant 0 : i32
      %dma_start3A_20 = arith.constant 0 : i32
      %dma_start3A_21 = tpu.memref_slice %arg2[%dma_start3A_19, %dma_start3A_20] : memref<10000x128xf32, #tpu.memory_space<hbm>> -> memref<10000x128xf32, #tpu.memory_space<hbm>>
      tpu.enqueue_indirect_dma source(%dma_start3A_21 : memref<10000x128xf32, #tpu.memory_space<hbm>>) target(%arg16 : memref<128x128xf32, #tpu.memory_space<vmem>>) offsets(%dma_start3A_18 : memref<128xi32, #tpu.memory_space<vmem>>) semaphore(%arg18 : memref<!tpu.dma_semaphore, #tpu.memory_space<semaphore_mem>>)
      %dma_wait3A = arith.constant 0 : i32
      %dma_wait3A_22 = tpu.memref_slice %arg9[%dma_wait3A] : memref<640xi32, #tpu.memory_space<vmem>> -> memref<128xi32, #tpu.memory_space<vmem>>
      %dma_wait3A_23 = arith.constant 0 : i32
      %dma_wait3A_24 = arith.constant 0 : i32
      %dma_wait3A_25 = tpu.memref_slice %arg2[%dma_wait3A_23, %dma_wait3A_24] : memref<10000x128xf32, #tpu.memory_space<hbm>> -> memref<10000x128xf32, #tpu.memory_space<hbm>>
      tpu.wait_indirect_dma semaphore(%arg17 : memref<!tpu.dma_semaphore, #tpu.memory_space<semaphore_mem>>) src(%dma_wait3A_25 : memref<10000x128xf32, #tpu.memory_space<hbm>>) dst(%arg15 : memref<128x128xf32, #tpu.memory_space<vmem>>)
      %get3A = arith.constant 0 : index
      %get3A_26 = tpu.vector_load %arg10[%get3A] {strides = array<i32>} : memref<640xi32, #tpu.memory_space<vmem>>, vector<16xi32>,
      %swap3A = arith.constant 0 : index
      %swap3A_27 = tpu.vector_load %arg13[%swap3A] {strides = array<i32>} : memref<128xi32, #tpu.memory_space<vmem>>, vector<16xi32>,
      tpu.vector_store %arg13[%swap3A], %get3A_26 {strides = array<i32>} : memref<128xi32, #tpu.memory_space<vmem>>, vector<16xi32>,
      %get3A_28 = arith.constant 16 : index
      %get3A_29 = tpu.vector_load %arg10[%get3A_28] {strides = array<i32>} : memref<640xi32, #tpu.memory_space<vmem>>, vector<16xi32>,
      %swap3A_30 = arith.constant 16 : index
      %swap3A_31 = tpu.vector_load %arg13[%swap3A_30] {strides = array<i32>} : memref<128xi32, #tpu.memory_space<vmem>>, vector<16xi32>,
      tpu.vector_store %arg13[%swap3A_30], %get3A_29 {strides = array<i32>} : memref<128xi32, #tpu.memory_space<vmem>>, vector<16xi32>,
      %get3A_32 = arith.constant 32 : index
      %get3A_33 = tpu.vector_load %arg10[%get3A_32] {strides = array<i32>} : memref<640xi32, #tpu.memory_space<vmem>>, vector<16xi32>,
      %swap3A_34 = arith.constant 32 : index
      %swap3A_35 = tpu.vector_load %arg13[%swap3A_34] {strides = array<i32>} : memref<128xi32, #tpu.memory_space<vmem>>, vector<16xi32>,
      tpu.vector_store %arg13[%swap3A_34], %get3A_33 {strides = array<i32>} : memref<128xi32, #tpu.memory_space<vmem>>, vector<16xi32>,
      %get3A_36 = arith.constant 48 : index
      %get3A_37 = tpu.vector_load %arg10[%get3A_36] {strides = array<i32>} : memref<640xi32, #tpu.memory_space<vmem>>, vector<16xi32>,
      %swap3A_38 = arith.constant 48 : index
      %swap3A_39 = tpu.vector_load %arg13[%swap3A_38] {strides = array<i32>} : memref<128xi32, #tpu.memory_space<vmem>>, vector<16xi32>,
      tpu.vector_store %arg13[%swap3A_38], %get3A_37 {strides = array<i32>} : memref<128xi32, #tpu.memory_space<vmem>>, vector<16xi32>,
      %get3A_40 = arith.constant 64 : index
      %get3A_41 = tpu.vector_load %arg10[%get3A_40] {strides = array<i32>} : memref<640xi32, #tpu.memory_space<vmem>>, vector<16xi32>,
      %swap3A_42 = arith.constant 64 : index
      %swap3A_43 = tpu.vector_load %arg13[%swap3A_42] {strides = array<i32>} : memref<128xi32, #tpu.memory_space<vmem>>, vector<16xi32>,
      tpu.vector_store %arg13[%swap3A_42], %get3A_41 {strides = array<i32>} : memref<128xi32, #tpu.memory_space<vmem>>, vector<16xi32>,
      %get3A_44 = arith.constant 80 : index
      %get3A_45 = tpu.vector_load %arg10[%get3A_44] {strides = array<i32>} : memref<640xi32, #tpu.memory_space<vmem>>, vector<16xi32>,
      %swap3A_46 = arith.constant 80 : index
      %swap3A_47 = tpu.vector_load %arg13[%swap3A_46] {strides = array<i32>} : memref<128xi32, #tpu.memory_space<vmem>>, vector<16xi32>,
      tpu.vector_store %arg13[%swap3A_46], %get3A_45 {strides = array<i32>} : memref<128xi32, #tpu.memory_space<vmem>>, vector<16xi32>,
      %get3A_48 = arith.constant 96 : index
      %get3A_49 = tpu.vector_load %arg10[%get3A_48] {strides = array<i32>} : memref<640xi32, #tpu.memory_space<vmem>>, vector<16xi32>,
      %swap3A_50 = arith.constant 96 : index
      %swap3A_51 = tpu.vector_load %arg13[%swap3A_50] {strides = array<i32>} : memref<128xi32, #tpu.memory_space<vmem>>, vector<16xi32>,
      tpu.vector_store %arg13[%swap3A_50], %get3A_49 {strides = array<i32>} : memref<128xi32, #tpu.memory_space<vmem>>, vector<16xi32>,
      %get3A_52 = arith.constant 112 : index
      %get3A_53 = tpu.vector_load %arg10[%get3A_52] {strides = array<i32>} : memref<640xi32, #tpu.memory_space<vmem>>, vector<16xi32>,
      %swap3A_54 = arith.constant 112 : index
      %swap3A_55 = tpu.vector_load %arg13[%swap3A_54] {strides = array<i32>} : memref<128xi32, #tpu.memory_space<vmem>>, vector<16xi32>,
      tpu.vector_store %arg13[%swap3A_54], %get3A_53 {strides = array<i32>} : memref<128xi32, #tpu.memory_space<vmem>>, vector<16xi32>,
      "tpu.region"() ({
        %run_scoped3A = tpu.sem_alloc : memref<!tpu.dma_semaphore, #tpu.memory_space<semaphore_mem>>
        %dma_start3A_393 = arith.constant 0 : i32
        %dma_start3A_394 = arith.constant 0 : i32
        %dma_start3A_395 = tpu.memref_slice %arg19[%dma_start3A_393, %dma_start3A_394] : memref<2048x128xf32, #tpu.memory_space<vmem_shared>> -> memref<2048x128xf32, #tpu.memory_space<vmem_shared>>
        tpu.enqueue_indirect_dma source(%arg15 : memref<128x128xf32, #tpu.memory_space<vmem>>) target(%dma_start3A_395 : memref<2048x128xf32, #tpu.memory_space<vmem_shared>>) offsets(%arg13 : memref<128xi32, #tpu.memory_space<vmem>>) semaphore(%run_scoped3A : memref<!tpu.dma_semaphore, #tpu.memory_space<semaphore_mem>>) {add = true}
        %dma_wait3A_396 = arith.constant 0 : i32
        %dma_wait3A_397 = arith.constant 0 : i32
        %dma_wait3A_398 = tpu.memref_slice %arg19[%dma_wait3A_396, %dma_wait3A_397] : memref<2048x128xf32, #tpu.memory_space<vmem_shared>> -> memref<2048x128xf32, #tpu.memory_space<vmem_shared>>
        tpu.wait_indirect_dma semaphore(%run_scoped3A : memref<!tpu.dma_semaphore, #tpu.memory_space<semaphore_mem>>) src(%arg15 : memref<128x128xf32, #tpu.memory_space<vmem>>) dst(%dma_wait3A_398 : memref<2048x128xf32, #tpu.memory_space<vmem_shared>>)
        tpu.yield
      }) : () -> ()
      %dma_start3A_56 = arith.constant 256 : i32
      %dma_start3A_57 = tpu.memref_slice %arg9[%dma_start3A_56] : memref<640xi32, #tpu.memory_space<vmem>> -> memref<128xi32, #tpu.memory_space<vmem>>
      %dma_start3A_58 = arith.constant 0 : i32
      %dma_start3A_59 = arith.constant 0 : i32
      %dma_start3A_60 = tpu.memref_slice %arg2[%dma_start3A_58, %dma_start3A_59] : memref<10000x128xf32, #tpu.memory_space<hbm>> -> memref<10000x128xf32, #tpu.memory_space<hbm>>
      tpu.enqueue_indirect_dma source(%dma_start3A_60 : memref<10000x128xf32, #tpu.memory_space<hbm>>) target(%arg15 : memref<128x128xf32, #tpu.memory_space<vmem>>) offsets(%dma_start3A_57 : memref<128xi32, #tpu.memory_space<vmem>>) semaphore(%arg17 : memref<!tpu.dma_semaphore, #tpu.memory_space<semaphore_mem>>)
      %dma_wait3A_61 = arith.constant 0 : i32
      %dma_wait3A_62 = tpu.memref_slice %arg9[%dma_wait3A_61] : memref<640xi32, #tpu.memory_space<vmem>> -> memref<128xi32, #tpu.memory_space<vmem>>
      %dma_wait3A_63 = arith.constant 0 : i32
      %dma_wait3A_64 = arith.constant 0 : i32
      %dma_wait3A_65 = tpu.memref_slice %arg2[%dma_wait3A_63, %dma_wait3A_64] : memref<10000x128xf32, #tpu.memory_space<hbm>> -> memref<10000x128xf32, #tpu.memory_space<hbm>>
      tpu.wait_indirect_dma semaphore(%arg18 : memref<!tpu.dma_semaphore, #tpu.memory_space<semaphore_mem>>) src(%dma_wait3A_65 : memref<10000x128xf32, #tpu.memory_space<hbm>>) dst(%arg16 : memref<128x128xf32, #tpu.memory_space<vmem>>)
      %get3A_66 = arith.constant 128 : index
      %get3A_67 = tpu.vector_load %arg10[%get3A_66] {strides = array<i32>} : memref<640xi32, #tpu.memory_space<vmem>>, vector<16xi32>,
      %swap3A_68 = arith.constant 0 : index
      %swap3A_69 = tpu.vector_load %arg14[%swap3A_68] {strides = array<i32>} : memref<128xi32, #tpu.memory_space<vmem>>, vector<16xi32>,
      tpu.vector_store %arg14[%swap3A_68], %get3A_67 {strides = array<i32>} : memref<128xi32, #tpu.memory_space<vmem>>, vector<16xi32>,
      %get3A_70 = arith.constant 144 : index
      %get3A_71 = tpu.vector_load %arg10[%get3A_70] {strides = array<i32>} : memref<640xi32, #tpu.memory_space<vmem>>, vector<16xi32>,
      %swap3A_72 = arith.constant 16 : index
      %swap3A_73 = tpu.vector_load %arg14[%swap3A_72] {strides = array<i32>} : memref<128xi32, #tpu.memory_space<vmem>>, vector<16xi32>,
      tpu.vector_store %arg14[%swap3A_72], %get3A_71 {strides = array<i32>} : memref<128xi32, #tpu.memory_space<vmem>>, vector<16xi32>,
      %get3A_74 = arith.constant 160 : index
      %get3A_75 = tpu.vector_load %arg10[%get3A_74] {strides = array<i32>} : memref<640xi32, #tpu.memory_space<vmem>>, vector<16xi32>,
      %swap3A_76 = arith.constant 32 : index
      %swap3A_77 = tpu.vector_load %arg14[%swap3A_76] {strides = array<i32>} : memref<128xi32, #tpu.memory_space<vmem>>, vector<16xi32>,
      tpu.vector_store %arg14[%swap3A_76], %get3A_75 {strides = array<i32>} : memref<128xi32, #tpu.memory_space<vmem>>, vector<16xi32>,
      %get3A_78 = arith.constant 176 : index
      %get3A_79 = tpu.vector_load %arg10[%get3A_78] {strides = array<i32>} : memref<640xi32, #tpu.memory_space<vmem>>, vector<16xi32>,
      %swap3A_80 = arith.constant 48 : index
      %swap3A_81 = tpu.vector_load %arg14[%swap3A_80] {strides = array<i32>} : memref<128xi32, #tpu.memory_space<vmem>>, vector<16xi32>,
      tpu.vector_store %arg14[%swap3A_80], %get3A_79 {strides = array<i32>} : memref<128xi32, #tpu.memory_space<vmem>>, vector<16xi32>,
      %get3A_82 = arith.constant 192 : index
      %get3A_83 = tpu.vector_load %arg10[%get3A_82] {strides = array<i32>} : memref<640xi32, #tpu.memory_space<vmem>>, vector<16xi32>,
      %swap3A_84 = arith.constant 64 : index
      %swap3A_85 = tpu.vector_load %arg14[%swap3A_84] {strides = array<i32>} : memref<128xi32, #tpu.memory_space<vmem>>, vector<16xi32>,
      tpu.vector_store %arg14[%swap3A_84], %get3A_83 {strides = array<i32>} : memref<128xi32, #tpu.memory_space<vmem>>, vector<16xi32>,
      %get3A_86 = arith.constant 208 : index
      %get3A_87 = tpu.vector_load %arg10[%get3A_86] {strides = array<i32>} : memref<640xi32, #tpu.memory_space<vmem>>, vector<16xi32>,
      %swap3A_88 = arith.constant 80 : index
      %swap3A_89 = tpu.vector_load %arg14[%swap3A_88] {strides = array<i32>} : memref<128xi32, #tpu.memory_space<vmem>>, vector<16xi32>,
      tpu.vector_store %arg14[%swap3A_88], %get3A_87 {strides = array<i32>} : memref<128xi32, #tpu.memory_space<vmem>>, vector<16xi32>,
      %get3A_90 = arith.constant 224 : index
      %get3A_91 = tpu.vector_load %arg10[%get3A_90] {strides = array<i32>} : memref<640xi32, #tpu.memory_space<vmem>>, vector<16xi32>,
      %swap3A_92 = arith.constant 96 : index
      %swap3A_93 = tpu.vector_load %arg14[%swap3A_92] {strides = array<i32>} : memref<128xi32, #tpu.memory_space<vmem>>, vector<16xi32>,
      tpu.vector_store %arg14[%swap3A_92], %get3A_91 {strides = array<i32>} : memref<128xi32, #tpu.memory_space<vmem>>, vector<16xi32>,
      %get3A_94 = arith.constant 240 : index
      %get3A_95 = tpu.vector_load %arg10[%get3A_94] {strides = array<i32>} : memref<640xi32, #tpu.memory_space<vmem>>, vector<16xi32>,
      %swap3A_96 = arith.constant 112 : index
      %swap3A_97 = tpu.vector_load %arg14[%swap3A_96] {strides = array<i32>} : memref<128xi32, #tpu.memory_space<vmem>>, vector<16xi32>,
      tpu.vector_store %arg14[%swap3A_96], %get3A_95 {strides = array<i32>} : memref<128xi32, #tpu.memory_space<vmem>>, vector<16xi32>,
      "tpu.region"() ({
        %run_scoped3A = tpu.sem_alloc : memref<!tpu.dma_semaphore, #tpu.memory_space<semaphore_mem>>
        %dma_start3A_393 = arith.constant 0 : i32
        %dma_start3A_394 = arith.constant 0 : i32
        %dma_start3A_395 = tpu.memref_slice %arg19[%dma_start3A_393, %dma_start3A_394] : memref<2048x128xf32, #tpu.memory_space<vmem_shared>> -> memref<2048x128xf32, #tpu.memory_space<vmem_shared>>
        tpu.enqueue_indirect_dma source(%arg16 : memref<128x128xf32, #tpu.memory_space<vmem>>) target(%dma_start3A_395 : memref<2048x128xf32, #tpu.memory_space<vmem_shared>>) offsets(%arg14 : memref<128xi32, #tpu.memory_space<vmem>>) semaphore(%run_scoped3A : memref<!tpu.dma_semaphore, #tpu.memory_space<semaphore_mem>>) {add = true}
        %dma_wait3A_396 = arith.constant 0 : i32
        %dma_wait3A_397 = arith.constant 0 : i32
        %dma_wait3A_398 = tpu.memref_slice %arg19[%dma_wait3A_396, %dma_wait3A_397] : memref<2048x128xf32, #tpu.memory_space<vmem_shared>> -> memref<2048x128xf32, #tpu.memory_space<vmem_shared>>
        tpu.wait_indirect_dma semaphore(%run_scoped3A : memref<!tpu.dma_semaphore, #tpu.memory_space<semaphore_mem>>) src(%arg16 : memref<128x128xf32, #tpu.memory_space<vmem>>) dst(%dma_wait3A_398 : memref<2048x128xf32, #tpu.memory_space<vmem_shared>>)
        tpu.yield
      }) : () -> ()
      %dma_start3A_98 = arith.constant 384 : i32
      %dma_start3A_99 = tpu.memref_slice %arg9[%dma_start3A_98] : memref<640xi32, #tpu.memory_space<vmem>> -> memref<128xi32, #tpu.memory_space<vmem>>
      %dma_start3A_100 = arith.constant 0 : i32
      %dma_start3A_101 = arith.constant 0 : i32
      %dma_start3A_102 = tpu.memref_slice %arg2[%dma_start3A_100, %dma_start3A_101] : memref<10000x128xf32, #tpu.memory_space<hbm>> -> memref<10000x128xf32, #tpu.memory_space<hbm>>
      tpu.enqueue_indirect_dma source(%dma_start3A_102 : memref<10000x128xf32, #tpu.memory_space<hbm>>) target(%arg16 : memref<128x128xf32, #tpu.memory_space<vmem>>) offsets(%dma_start3A_99 : memref<128xi32, #tpu.memory_space<vmem>>) semaphore(%arg18 : memref<!tpu.dma_semaphore, #tpu.memory_space<semaphore_mem>>)
      %dma_wait3A_103 = arith.constant 0 : i32
      %dma_wait3A_104 = tpu.memref_slice %arg9[%dma_wait3A_103] : memref<640xi32, #tpu.memory_space<vmem>> -> memref<128xi32, #tpu.memory_space<vmem>>
      %dma_wait3A_105 = arith.constant 0 : i32
      %dma_wait3A_106 = arith.constant 0 : i32
      %dma_wait3A_107 = tpu.memref_slice %arg2[%dma_wait3A_105, %dma_wait3A_106] : memref<10000x128xf32, #tpu.memory_space<hbm>> -> memref<10000x128xf32, #tpu.memory_space<hbm>>
      tpu.wait_indirect_dma semaphore(%arg17 : memref<!tpu.dma_semaphore, #tpu.memory_space<semaphore_mem>>) src(%dma_wait3A_107 : memref<10000x128xf32, #tpu.memory_space<hbm>>) dst(%arg15 : memref<128x128xf32, #tpu.memory_space<vmem>>)
      %get3A_108 = arith.constant 256 : index
      %get3A_109 = tpu.vector_load %arg10[%get3A_108] {strides = array<i32>} : memref<640xi32, #tpu.memory_space<vmem>>, vector<16xi32>,
      %swap3A_110 = arith.constant 0 : index
      %swap3A_111 = tpu.vector_load %arg13[%swap3A_110] {strides = array<i32>} : memref<128xi32, #tpu.memory_space<vmem>>, vector<16xi32>,
      tpu.vector_store %arg13[%swap3A_110], %get3A_109 {strides = array<i32>} : memref<128xi32, #tpu.memory_space<vmem>>, vector<16xi32>,
      %get3A_112 = arith.constant 272 : index
      %get3A_113 = tpu.vector_load %arg10[%get3A_112] {strides = array<i32>} : memref<640xi32, #tpu.memory_space<vmem>>, vector<16xi32>,
      %swap3A_114 = arith.constant 16 : index
      %swap3A_115 = tpu.vector_load %arg13[%swap3A_114] {strides = array<i32>} : memref<128xi32, #tpu.memory_space<vmem>>, vector<16xi32>,
      tpu.vector_store %arg13[%swap3A_114], %get3A_113 {strides = array<i32>} : memref<128xi32, #tpu.memory_space<vmem>>, vector<16xi32>,
      %get3A_116 = arith.constant 288 : index
      %get3A_117 = tpu.vector_load %arg10[%get3A_116] {strides = array<i32>} : memref<640xi32, #tpu.memory_space<vmem>>, vector<16xi32>,
      %swap3A_118 = arith.constant 32 : index
      %swap3A_119 = tpu.vector_load %arg13[%swap3A_118] {strides = array<i32>} : memref<128xi32, #tpu.memory_space<vmem>>, vector<16xi32>,
      tpu.vector_store %arg13[%swap3A_118], %get3A_117 {strides = array<i32>} : memref<128xi32, #tpu.memory_space<vmem>>, vector<16xi32>,
      %get3A_120 = arith.constant 304 : index
      %get3A_121 = tpu.vector_load %arg10[%get3A_120] {strides = array<i32>} : memref<640xi32, #tpu.memory_space<vmem>>, vector<16xi32>,
      %swap3A_122 = arith.constant 48 : index
      %swap3A_123 = tpu.vector_load %arg13[%swap3A_122] {strides = array<i32>} : memref<128xi32, #tpu.memory_space<vmem>>, vector<16xi32>,
      tpu.vector_store %arg13[%swap3A_122], %get3A_121 {strides = array<i32>} : memref<128xi32, #tpu.memory_space<vmem>>, vector<16xi32>,
      %get3A_124 = arith.constant 320 : index
      %get3A_125 = tpu.vector_load %arg10[%get3A_124] {strides = array<i32>} : memref<640xi32, #tpu.memory_space<vmem>>, vector<16xi32>,
      %swap3A_126 = arith.constant 64 : index
      %swap3A_127 = tpu.vector_load %arg13[%swap3A_126] {strides = array<i32>} : memref<128xi32, #tpu.memory_space<vmem>>, vector<16xi32>,
      tpu.vector_store %arg13[%swap3A_126], %get3A_125 {strides = array<i32>} : memref<128xi32, #tpu.memory_space<vmem>>, vector<16xi32>,
      %get3A_128 = arith.constant 336 : index
      %get3A_129 = tpu.vector_load %arg10[%get3A_128] {strides = array<i32>} : memref<640xi32, #tpu.memory_space<vmem>>, vector<16xi32>,
      %swap3A_130 = arith.constant 80 : index
      %swap3A_131 = tpu.vector_load %arg13[%swap3A_130] {strides = array<i32>} : memref<128xi32, #tpu.memory_space<vmem>>, vector<16xi32>,
      tpu.vector_store %arg13[%swap3A_130], %get3A_129 {strides = array<i32>} : memref<128xi32, #tpu.memory_space<vmem>>, vector<16xi32>,
      %get3A_132 = arith.constant 352 : index
      %get3A_133 = tpu.vector_load %arg10[%get3A_132] {strides = array<i32>} : memref<640xi32, #tpu.memory_space<vmem>>, vector<16xi32>,
      %swap3A_134 = arith.constant 96 : index
      %swap3A_135 = tpu.vector_load %arg13[%swap3A_134] {strides = array<i32>} : memref<128xi32, #tpu.memory_space<vmem>>, vector<16xi32>,
      tpu.vector_store %arg13[%swap3A_134], %get3A_133 {strides = array<i32>} : memref<128xi32, #tpu.memory_space<vmem>>, vector<16xi32>,
      %get3A_136 = arith.constant 368 : index
      %get3A_137 = tpu.vector_load %arg10[%get3A_136] {strides = array<i32>} : memref<640xi32, #tpu.memory_space<vmem>>, vector<16xi32>,
      %swap3A_138 = arith.constant 112 : index
      %swap3A_139 = tpu.vector_load %arg13[%swap3A_138] {strides = array<i32>} : memref<128xi32, #tpu.memory_space<vmem>>, vector<16xi32>,
      tpu.vector_store %arg13[%swap3A_138], %get3A_137 {strides = array<i32>} : memref<128xi32, #tpu.memory_space<vmem>>, vector<16xi32>,
      "tpu.region"() ({
        %run_scoped3A = tpu.sem_alloc : memref<!tpu.dma_semaphore, #tpu.memory_space<semaphore_mem>>
        %dma_start3A_393 = arith.constant 0 : i32
        %dma_start3A_394 = arith.constant 0 : i32
        %dma_start3A_395 = tpu.memref_slice %arg19[%dma_start3A_393, %dma_start3A_394] : memref<2048x128xf32, #tpu.memory_space<vmem_shared>> -> memref<2048x128xf32, #tpu.memory_space<vmem_shared>>
        tpu.enqueue_indirect_dma source(%arg15 : memref<128x128xf32, #tpu.memory_space<vmem>>) target(%dma_start3A_395 : memref<2048x128xf32, #tpu.memory_space<vmem_shared>>) offsets(%arg13 : memref<128xi32, #tpu.memory_space<vmem>>) semaphore(%run_scoped3A : memref<!tpu.dma_semaphore, #tpu.memory_space<semaphore_mem>>) {add = true}
        %dma_wait3A_396 = arith.constant 0 : i32
        %dma_wait3A_397 = arith.constant 0 : i32
        %dma_wait3A_398 = tpu.memref_slice %arg19[%dma_wait3A_396, %dma_wait3A_397] : memref<2048x128xf32, #tpu.memory_space<vmem_shared>> -> memref<2048x128xf32, #tpu.memory_space<vmem_shared>>
        tpu.wait_indirect_dma semaphore(%run_scoped3A : memref<!tpu.dma_semaphore, #tpu.memory_space<semaphore_mem>>) src(%arg15 : memref<128x128xf32, #tpu.memory_space<vmem>>) dst(%dma_wait3A_398 : memref<2048x128xf32, #tpu.memory_space<vmem_shared>>)
        tpu.yield
      }) : () -> ()
      %dma_start3A_140 = arith.constant 512 : i32
      %dma_start3A_141 = tpu.memref_slice %arg9[%dma_start3A_140] : memref<640xi32, #tpu.memory_space<vmem>> -> memref<128xi32, #tpu.memory_space<vmem>>
      %dma_start3A_142 = arith.constant 0 : i32
      %dma_start3A_143 = arith.constant 0 : i32
      %dma_start3A_144 = tpu.memref_slice %arg2[%dma_start3A_142, %dma_start3A_143] : memref<10000x128xf32, #tpu.memory_space<hbm>> -> memref<10000x128xf32, #tpu.memory_space<hbm>>
      tpu.enqueue_indirect_dma source(%dma_start3A_144 : memref<10000x128xf32, #tpu.memory_space<hbm>>) target(%arg15 : memref<128x128xf32, #tpu.memory_space<vmem>>) offsets(%dma_start3A_141 : memref<128xi32, #tpu.memory_space<vmem>>) semaphore(%arg17 : memref<!tpu.dma_semaphore, #tpu.memory_space<semaphore_mem>>)
      %dma_wait3A_145 = arith.constant 0 : i32
      %dma_wait3A_146 = tpu.memref_slice %arg9[%dma_wait3A_145] : memref<640xi32, #tpu.memory_space<vmem>> -> memref<128xi32, #tpu.memory_space<vmem>>
      %dma_wait3A_147 = arith.constant 0 : i32
      %dma_wait3A_148 = arith.constant 0 : i32
      %dma_wait3A_149 = tpu.memref_slice %arg2[%dma_wait3A_147, %dma_wait3A_148] : memref<10000x128xf32, #tpu.memory_space<hbm>> -> memref<10000x128xf32, #tpu.memory_space<hbm>>
      tpu.wait_indirect_dma semaphore(%arg18 : memref<!tpu.dma_semaphore, #tpu.memory_space<semaphore_mem>>) src(%dma_wait3A_149 : memref<10000x128xf32, #tpu.memory_space<hbm>>) dst(%arg16 : memref<128x128xf32, #tpu.memory_space<vmem>>)
      %get3A_150 = arith.constant 384 : index
      %get3A_151 = tpu.vector_load %arg10[%get3A_150] {strides = array<i32>} : memref<640xi32, #tpu.memory_space<vmem>>, vector<16xi32>,
      %swap3A_152 = arith.constant 0 : index
      %swap3A_153 = tpu.vector_load %arg14[%swap3A_152] {strides = array<i32>} : memref<128xi32, #tpu.memory_space<vmem>>, vector<16xi32>,
      tpu.vector_store %arg14[%swap3A_152], %get3A_151 {strides = array<i32>} : memref<128xi32, #tpu.memory_space<vmem>>, vector<16xi32>,
      %get3A_154 = arith.constant 400 : index
      %get3A_155 = tpu.vector_load %arg10[%get3A_154] {strides = array<i32>} : memref<640xi32, #tpu.memory_space<vmem>>, vector<16xi32>,
      %swap3A_156 = arith.constant 16 : index
      %swap3A_157 = tpu.vector_load %arg14[%swap3A_156] {strides = array<i32>} : memref<128xi32, #tpu.memory_space<vmem>>, vector<16xi32>,
      tpu.vector_store %arg14[%swap3A_156], %get3A_155 {strides = array<i32>} : memref<128xi32, #tpu.memory_space<vmem>>, vector<16xi32>,
      %get3A_158 = arith.constant 416 : index
      %get3A_159 = tpu.vector_load %arg10[%get3A_158] {strides = array<i32>} : memref<640xi32, #tpu.memory_space<vmem>>, vector<16xi32>,
      %swap3A_160 = arith.constant 32 : index
      %swap3A_161 = tpu.vector_load %arg14[%swap3A_160] {strides = array<i32>} : memref<128xi32, #tpu.memory_space<vmem>>, vector<16xi32>,
      tpu.vector_store %arg14[%swap3A_160], %get3A_159 {strides = array<i32>} : memref<128xi32, #tpu.memory_space<vmem>>, vector<16xi32>,
      %get3A_162 = arith.constant 432 : index
      %get3A_163 = tpu.vector_load %arg10[%get3A_162] {strides = array<i32>} : memref<640xi32, #tpu.memory_space<vmem>>, vector<16xi32>,
      %swap3A_164 = arith.constant 48 : index
      %swap3A_165 = tpu.vector_load %arg14[%swap3A_164] {strides = array<i32>} : memref<128xi32, #tpu.memory_space<vmem>>, vector<16xi32>,
      tpu.vector_store %arg14[%swap3A_164], %get3A_163 {strides = array<i32>} : memref<128xi32, #tpu.memory_space<vmem>>, vector<16xi32>,
      %get3A_166 = arith.constant 448 : index
      %get3A_167 = tpu.vector_load %arg10[%get3A_166] {strides = array<i32>} : memref<640xi32, #tpu.memory_space<vmem>>, vector<16xi32>,
      %swap3A_168 = arith.constant 64 : index
      %swap3A_169 = tpu.vector_load %arg14[%swap3A_168] {strides = array<i32>} : memref<128xi32, #tpu.memory_space<vmem>>, vector<16xi32>,
      tpu.vector_store %arg14[%swap3A_168], %get3A_167 {strides = array<i32>} : memref<128xi32, #tpu.memory_space<vmem>>, vector<16xi32>,
      %get3A_170 = arith.constant 464 : index
      %get3A_171 = tpu.vector_load %arg10[%get3A_170] {strides = array<i32>} : memref<640xi32, #tpu.memory_space<vmem>>, vector<16xi32>,
      %swap3A_172 = arith.constant 80 : index
      %swap3A_173 = tpu.vector_load %arg14[%swap3A_172] {strides = array<i32>} : memref<128xi32, #tpu.memory_space<vmem>>, vector<16xi32>,
      tpu.vector_store %arg14[%swap3A_172], %get3A_171 {strides = array<i32>} : memref<128xi32, #tpu.memory_space<vmem>>, vector<16xi32>,
      %get3A_174 = arith.constant 480 : index
      %get3A_175 = tpu.vector_load %arg10[%get3A_174] {strides = array<i32>} : memref<640xi32, #tpu.memory_space<vmem>>, vector<16xi32>,
      %swap3A_176 = arith.constant 96 : index
      %swap3A_177 = tpu.vector_load %arg14[%swap3A_176] {strides = array<i32>} : memref<128xi32, #tpu.memory_space<vmem>>, vector<16xi32>,
      tpu.vector_store %arg14[%swap3A_176], %get3A_175 {strides = array<i32>} : memref<128xi32, #tpu.memory_space<vmem>>, vector<16xi32>,
      %get3A_178 = arith.constant 496 : index
      %get3A_179 = tpu.vector_load %arg10[%get3A_178] {strides = array<i32>} : memref<640xi32, #tpu.memory_space<vmem>>, vector<16xi32>,
      %swap3A_180 = arith.constant 112 : index
      %swap3A_181 = tpu.vector_load %arg14[%swap3A_180] {strides = array<i32>} : memref<128xi32, #tpu.memory_space<vmem>>, vector<16xi32>,
      tpu.vector_store %arg14[%swap3A_180], %get3A_179 {strides = array<i32>} : memref<128xi32, #tpu.memory_space<vmem>>, vector<16xi32>,
      "tpu.region"() ({
        %run_scoped3A = tpu.sem_alloc : memref<!tpu.dma_semaphore, #tpu.memory_space<semaphore_mem>>
        %dma_start3A_393 = arith.constant 0 : i32
        %dma_start3A_394 = arith.constant 0 : i32
        %dma_start3A_395 = tpu.memref_slice %arg19[%dma_start3A_393, %dma_start3A_394] : memref<2048x128xf32, #tpu.memory_space<vmem_shared>> -> memref<2048x128xf32, #tpu.memory_space<vmem_shared>>
        tpu.enqueue_indirect_dma source(%arg16 : memref<128x128xf32, #tpu.memory_space<vmem>>) target(%dma_start3A_395 : memref<2048x128xf32, #tpu.memory_space<vmem_shared>>) offsets(%arg14 : memref<128xi32, #tpu.memory_space<vmem>>) semaphore(%run_scoped3A : memref<!tpu.dma_semaphore, #tpu.memory_space<semaphore_mem>>) {add = true}
        %dma_wait3A_396 = arith.constant 0 : i32
        %dma_wait3A_397 = arith.constant 0 : i32
        %dma_wait3A_398 = tpu.memref_slice %arg19[%dma_wait3A_396, %dma_wait3A_397] : memref<2048x128xf32, #tpu.memory_space<vmem_shared>> -> memref<2048x128xf32, #tpu.memory_space<vmem_shared>>
        tpu.wait_indirect_dma semaphore(%run_scoped3A : memref<!tpu.dma_semaphore, #tpu.memory_space<semaphore_mem>>) src(%arg16 : memref<128x128xf32, #tpu.memory_space<vmem>>) dst(%dma_wait3A_398 : memref<2048x128xf32, #tpu.memory_space<vmem_shared>>)
        tpu.yield
      }) : () -> ()
      %dma_wait3A_182 = arith.constant 0 : i32
      %dma_wait3A_183 = tpu.memref_slice %arg9[%dma_wait3A_182] : memref<640xi32, #tpu.memory_space<vmem>> -> memref<128xi32, #tpu.memory_space<vmem>>
      %dma_wait3A_184 = arith.constant 0 : i32
      %dma_wait3A_185 = arith.constant 0 : i32
      %dma_wait3A_186 = tpu.memref_slice %arg2[%dma_wait3A_184, %dma_wait3A_185] : memref<10000x128xf32, #tpu.memory_space<hbm>> -> memref<10000x128xf32, #tpu.memory_space<hbm>>
      tpu.wait_indirect_dma semaphore(%arg17 : memref<!tpu.dma_semaphore, #tpu.memory_space<semaphore_mem>>) src(%dma_wait3A_186 : memref<10000x128xf32, #tpu.memory_space<hbm>>) dst(%arg15 : memref<128x128xf32, #tpu.memory_space<vmem>>)
      %get3A_187 = arith.constant 512 : index
      %get3A_188 = tpu.vector_load %arg10[%get3A_187] {strides = array<i32>} : memref<640xi32, #tpu.memory_space<vmem>>, vector<16xi32>,
      %swap3A_189 = arith.constant 0 : index
      %swap3A_190 = tpu.vector_load %arg13[%swap3A_189] {strides = array<i32>} : memref<128xi32, #tpu.memory_space<vmem>>, vector<16xi32>,
      tpu.vector_store %arg13[%swap3A_189], %get3A_188 {strides = array<i32>} : memref<128xi32, #tpu.memory_space<vmem>>, vector<16xi32>,
      %get3A_191 = arith.constant 528 : index
      %get3A_192 = tpu.vector_load %arg10[%get3A_191] {strides = array<i32>} : memref<640xi32, #tpu.memory_space<vmem>>, vector<16xi32>,
      %swap3A_193 = arith.constant 16 : index
      %swap3A_194 = tpu.vector_load %arg13[%swap3A_193] {strides = array<i32>} : memref<128xi32, #tpu.memory_space<vmem>>, vector<16xi32>,
      tpu.vector_store %arg13[%swap3A_193], %get3A_192 {strides = array<i32>} : memref<128xi32, #tpu.memory_space<vmem>>, vector<16xi32>,
      %get3A_195 = arith.constant 544 : index
      %get3A_196 = tpu.vector_load %arg10[%get3A_195] {strides = array<i32>} : memref<640xi32, #tpu.memory_space<vmem>>, vector<16xi32>,
      %swap3A_197 = arith.constant 32 : index
      %swap3A_198 = tpu.vector_load %arg13[%swap3A_197] {strides = array<i32>} : memref<128xi32, #tpu.memory_space<vmem>>, vector<16xi32>,
      tpu.vector_store %arg13[%swap3A_197], %get3A_196 {strides = array<i32>} : memref<128xi32, #tpu.memory_space<vmem>>, vector<16xi32>,
      %get3A_199 = arith.constant 560 : index
      %get3A_200 = tpu.vector_load %arg10[%get3A_199] {strides = array<i32>} : memref<640xi32, #tpu.memory_space<vmem>>, vector<16xi32>,
      %swap3A_201 = arith.constant 48 : index
      %swap3A_202 = tpu.vector_load %arg13[%swap3A_201] {strides = array<i32>} : memref<128xi32, #tpu.memory_space<vmem>>, vector<16xi32>,
      tpu.vector_store %arg13[%swap3A_201], %get3A_200 {strides = array<i32>} : memref<128xi32, #tpu.memory_space<vmem>>, vector<16xi32>,
      %get3A_203 = arith.constant 576 : index
      %get3A_204 = tpu.vector_load %arg10[%get3A_203] {strides = array<i32>} : memref<640xi32, #tpu.memory_space<vmem>>, vector<16xi32>,
      %swap3A_205 = arith.constant 64 : index
      %swap3A_206 = tpu.vector_load %arg13[%swap3A_205] {strides = array<i32>} : memref<128xi32, #tpu.memory_space<vmem>>, vector<16xi32>,
      tpu.vector_store %arg13[%swap3A_205], %get3A_204 {strides = array<i32>} : memref<128xi32, #tpu.memory_space<vmem>>, vector<16xi32>,
      %get3A_207 = arith.constant 592 : index
      %get3A_208 = tpu.vector_load %arg10[%get3A_207] {strides = array<i32>} : memref<640xi32, #tpu.memory_space<vmem>>, vector<16xi32>,
      %swap3A_209 = arith.constant 80 : index
      %swap3A_210 = tpu.vector_load %arg13[%swap3A_209] {strides = array<i32>} : memref<128xi32, #tpu.memory_space<vmem>>, vector<16xi32>,
      tpu.vector_store %arg13[%swap3A_209], %get3A_208 {strides = array<i32>} : memref<128xi32, #tpu.memory_space<vmem>>, vector<16xi32>,
      %get3A_211 = arith.constant 608 : index
      %get3A_212 = tpu.vector_load %arg10[%get3A_211] {strides = array<i32>} : memref<640xi32, #tpu.memory_space<vmem>>, vector<16xi32>,
      %swap3A_213 = arith.constant 96 : index
      %swap3A_214 = tpu.vector_load %arg13[%swap3A_213] {strides = array<i32>} : memref<128xi32, #tpu.memory_space<vmem>>, vector<16xi32>,
      tpu.vector_store %arg13[%swap3A_213], %get3A_212 {strides = array<i32>} : memref<128xi32, #tpu.memory_space<vmem>>, vector<16xi32>,
      %get3A_215 = arith.constant 624 : index
      %get3A_216 = tpu.vector_load %arg10[%get3A_215] {strides = array<i32>} : memref<640xi32, #tpu.memory_space<vmem>>, vector<16xi32>,
      %swap3A_217 = arith.constant 112 : index
      %swap3A_218 = tpu.vector_load %arg13[%swap3A_217] {strides = array<i32>} : memref<128xi32, #tpu.memory_space<vmem>>, vector<16xi32>,
      tpu.vector_store %arg13[%swap3A_217], %get3A_216 {strides = array<i32>} : memref<128xi32, #tpu.memory_space<vmem>>, vector<16xi32>,
      "tpu.region"() ({
        %run_scoped3A = tpu.sem_alloc : memref<!tpu.dma_semaphore, #tpu.memory_space<semaphore_mem>>
        %dma_start3A_393 = arith.constant 0 : i32
        %dma_start3A_394 = arith.constant 0 : i32
        %dma_start3A_395 = tpu.memref_slice %arg19[%dma_start3A_393, %dma_start3A_394] : memref<2048x128xf32, #tpu.memory_space<vmem_shared>> -> memref<2048x128xf32, #tpu.memory_space<vmem_shared>>
        tpu.enqueue_indirect_dma source(%arg15 : memref<128x128xf32, #tpu.memory_space<vmem>>) target(%dma_start3A_395 : memref<2048x128xf32, #tpu.memory_space<vmem_shared>>) offsets(%arg13 : memref<128xi32, #tpu.memory_space<vmem>>) semaphore(%run_scoped3A : memref<!tpu.dma_semaphore, #tpu.memory_space<semaphore_mem>>) {add = true}
        %dma_wait3A_396 = arith.constant 0 : i32
        %dma_wait3A_397 = arith.constant 0 : i32
        %dma_wait3A_398 = tpu.memref_slice %arg19[%dma_wait3A_396, %dma_wait3A_397] : memref<2048x128xf32, #tpu.memory_space<vmem_shared>> -> memref<2048x128xf32, #tpu.memory_space<vmem_shared>>
        tpu.wait_indirect_dma semaphore(%run_scoped3A : memref<!tpu.dma_semaphore, #tpu.memory_space<semaphore_mem>>) src(%arg15 : memref<128x128xf32, #tpu.memory_space<vmem>>) dst(%dma_wait3A_398 : memref<2048x128xf32, #tpu.memory_space<vmem_shared>>)
        tpu.yield
      }) : () -> ()
      %barrier3A_219 = arith.constant 0 : index
      tpu.barrier barrier_id(%barrier3A_219)
      %dma_start3A_220 = arith.constant 0 : i32
      %dma_start3A_221 = tpu.memref_slice %arg11[%dma_start3A_220] : memref<512xi32, #tpu.memory_space<vmem>> -> memref<128xi32, #tpu.memory_space<vmem>>
      %dma_start3A_222 = arith.constant 0 : i32
      %dma_start3A_223 = arith.constant 0 : i32
      %dma_start3A_224 = tpu.memref_slice %arg19[%dma_start3A_222, %dma_start3A_223] : memref<2048x128xf32, #tpu.memory_space<vmem_shared>> -> memref<2048x128xf32, #tpu.memory_space<vmem_shared>>
      tpu.enqueue_indirect_dma source(%dma_start3A_224 : memref<2048x128xf32, #tpu.memory_space<vmem_shared>>) target(%arg15 : memref<128x128xf32, #tpu.memory_space<vmem>>) offsets(%dma_start3A_221 : memref<128xi32, #tpu.memory_space<vmem>>) semaphore(%arg17 : memref<!tpu.dma_semaphore, #tpu.memory_space<semaphore_mem>>)
      %dma_start3A_225 = arith.constant 128 : i32
      %dma_start3A_226 = tpu.memref_slice %arg11[%dma_start3A_225] : memref<512xi32, #tpu.memory_space<vmem>> -> memref<128xi32, #tpu.memory_space<vmem>>
      %dma_start3A_227 = arith.constant 0 : i32
      %dma_start3A_228 = arith.constant 0 : i32
      %dma_start3A_229 = tpu.memref_slice %arg19[%dma_start3A_227, %dma_start3A_228] : memref<2048x128xf32, #tpu.memory_space<vmem_shared>> -> memref<2048x128xf32, #tpu.memory_space<vmem_shared>>
      tpu.enqueue_indirect_dma source(%dma_start3A_229 : memref<2048x128xf32, #tpu.memory_space<vmem_shared>>) target(%arg16 : memref<128x128xf32, #tpu.memory_space<vmem>>) offsets(%dma_start3A_226 : memref<128xi32, #tpu.memory_space<vmem>>) semaphore(%arg18 : memref<!tpu.dma_semaphore, #tpu.memory_space<semaphore_mem>>)
      %dma_wait3A_230 = arith.constant 0 : i32
      %dma_wait3A_231 = tpu.memref_slice %arg11[%dma_wait3A_230] : memref<512xi32, #tpu.memory_space<vmem>> -> memref<128xi32, #tpu.memory_space<vmem>>
      %dma_wait3A_232 = arith.constant 0 : i32
      %dma_wait3A_233 = arith.constant 0 : i32
      %dma_wait3A_234 = tpu.memref_slice %arg19[%dma_wait3A_232, %dma_wait3A_233] : memref<2048x128xf32, #tpu.memory_space<vmem_shared>> -> memref<2048x128xf32, #tpu.memory_space<vmem_shared>>
      tpu.wait_indirect_dma semaphore(%arg17 : memref<!tpu.dma_semaphore, #tpu.memory_space<semaphore_mem>>) src(%dma_wait3A_234 : memref<2048x128xf32, #tpu.memory_space<vmem_shared>>) dst(%arg15 : memref<128x128xf32, #tpu.memory_space<vmem>>)
      %get3A_235 = arith.constant 0 : index
      %get3A_236 = tpu.vector_load %arg12[%get3A_235] {strides = array<i32>} : memref<512xi32, #tpu.memory_space<vmem>>, vector<16xi32>,
      %swap3A_237 = arith.constant 0 : index
      %swap3A_238 = tpu.vector_load %arg13[%swap3A_237] {strides = array<i32>} : memref<128xi32, #tpu.memory_space<vmem>>, vector<16xi32>,
      tpu.vector_store %arg13[%swap3A_237], %get3A_236 {strides = array<i32>} : memref<128xi32, #tpu.memory_space<vmem>>, vector<16xi32>,
      %get3A_239 = arith.constant 16 : index
      %get3A_240 = tpu.vector_load %arg12[%get3A_239] {strides = array<i32>} : memref<512xi32, #tpu.memory_space<vmem>>, vector<16xi32>,
      %swap3A_241 = arith.constant 16 : index
      %swap3A_242 = tpu.vector_load %arg13[%swap3A_241] {strides = array<i32>} : memref<128xi32, #tpu.memory_space<vmem>>, vector<16xi32>,
      tpu.vector_store %arg13[%swap3A_241], %get3A_240 {strides = array<i32>} : memref<128xi32, #tpu.memory_space<vmem>>, vector<16xi32>,
      %get3A_243 = arith.constant 32 : index
      %get3A_244 = tpu.vector_load %arg12[%get3A_243] {strides = array<i32>} : memref<512xi32, #tpu.memory_space<vmem>>, vector<16xi32>,
      %swap3A_245 = arith.constant 32 : index
      %swap3A_246 = tpu.vector_load %arg13[%swap3A_245] {strides = array<i32>} : memref<128xi32, #tpu.memory_space<vmem>>, vector<16xi32>,
      tpu.vector_store %arg13[%swap3A_245], %get3A_244 {strides = array<i32>} : memref<128xi32, #tpu.memory_space<vmem>>, vector<16xi32>,
      %get3A_247 = arith.constant 48 : index
      %get3A_248 = tpu.vector_load %arg12[%get3A_247] {strides = array<i32>} : memref<512xi32, #tpu.memory_space<vmem>>, vector<16xi32>,
      %swap3A_249 = arith.constant 48 : index
      %swap3A_250 = tpu.vector_load %arg13[%swap3A_249] {strides = array<i32>} : memref<128xi32, #tpu.memory_space<vmem>>, vector<16xi32>,
      tpu.vector_store %arg13[%swap3A_249], %get3A_248 {strides = array<i32>} : memref<128xi32, #tpu.memory_space<vmem>>, vector<16xi32>,
      %get3A_251 = arith.constant 64 : index
      %get3A_252 = tpu.vector_load %arg12[%get3A_251] {strides = array<i32>} : memref<512xi32, #tpu.memory_space<vmem>>, vector<16xi32>,
      %swap3A_253 = arith.constant 64 : index
      %swap3A_254 = tpu.vector_load %arg13[%swap3A_253] {strides = array<i32>} : memref<128xi32, #tpu.memory_space<vmem>>, vector<16xi32>,
      tpu.vector_store %arg13[%swap3A_253], %get3A_252 {strides = array<i32>} : memref<128xi32, #tpu.memory_space<vmem>>, vector<16xi32>,
      %get3A_255 = arith.constant 80 : index
      %get3A_256 = tpu.vector_load %arg12[%get3A_255] {strides = array<i32>} : memref<512xi32, #tpu.memory_space<vmem>>, vector<16xi32>,
      %swap3A_257 = arith.constant 80 : index
      %swap3A_258 = tpu.vector_load %arg13[%swap3A_257] {strides = array<i32>} : memref<128xi32, #tpu.memory_space<vmem>>, vector<16xi32>,
      tpu.vector_store %arg13[%swap3A_257], %get3A_256 {strides = array<i32>} : memref<128xi32, #tpu.memory_space<vmem>>, vector<16xi32>,
      %get3A_259 = arith.constant 96 : index
      %get3A_260 = tpu.vector_load %arg12[%get3A_259] {strides = array<i32>} : memref<512xi32, #tpu.memory_space<vmem>>, vector<16xi32>,
      %swap3A_261 = arith.constant 96 : index
      %swap3A_262 = tpu.vector_load %arg13[%swap3A_261] {strides = array<i32>} : memref<128xi32, #tpu.memory_space<vmem>>, vector<16xi32>,
      tpu.vector_store %arg13[%swap3A_261], %get3A_260 {strides = array<i32>} : memref<128xi32, #tpu.memory_space<vmem>>, vector<16xi32>,
      %get3A_263 = arith.constant 112 : index
      %get3A_264 = tpu.vector_load %arg12[%get3A_263] {strides = array<i32>} : memref<512xi32, #tpu.memory_space<vmem>>, vector<16xi32>,
      %swap3A_265 = arith.constant 112 : index
      %swap3A_266 = tpu.vector_load %arg13[%swap3A_265] {strides = array<i32>} : memref<128xi32, #tpu.memory_space<vmem>>, vector<16xi32>,
      tpu.vector_store %arg13[%swap3A_265], %get3A_264 {strides = array<i32>} : memref<128xi32, #tpu.memory_space<vmem>>, vector<16xi32>,
      "tpu.region"() ({
        %run_scoped3A = tpu.sem_alloc : memref<!tpu.dma_semaphore, #tpu.memory_space<semaphore_mem>>
        %dma_start3A_393 = arith.constant 0 : i32
        %dma_start3A_394 = arith.constant 0 : i32
        %dma_start3A_395 = tpu.memref_slice %arg20[%dma_start3A_393, %dma_start3A_394] : memref<2048x128xf32, #tpu.memory_space<vmem_shared>> -> memref<2048x128xf32, #tpu.memory_space<vmem_shared>>
        tpu.enqueue_indirect_dma source(%arg15 : memref<128x128xf32, #tpu.memory_space<vmem>>) target(%dma_start3A_395 : memref<2048x128xf32, #tpu.memory_space<vmem_shared>>) offsets(%arg13 : memref<128xi32, #tpu.memory_space<vmem>>) semaphore(%run_scoped3A : memref<!tpu.dma_semaphore, #tpu.memory_space<semaphore_mem>>) {add = true}
        %dma_wait3A_396 = arith.constant 0 : i32
        %dma_wait3A_397 = arith.constant 0 : i32
        %dma_wait3A_398 = tpu.memref_slice %arg20[%dma_wait3A_396, %dma_wait3A_397] : memref<2048x128xf32, #tpu.memory_space<vmem_shared>> -> memref<2048x128xf32, #tpu.memory_space<vmem_shared>>
        tpu.wait_indirect_dma semaphore(%run_scoped3A : memref<!tpu.dma_semaphore, #tpu.memory_space<semaphore_mem>>) src(%arg15 : memref<128x128xf32, #tpu.memory_space<vmem>>) dst(%dma_wait3A_398 : memref<2048x128xf32, #tpu.memory_space<vmem_shared>>)
        tpu.yield
      }) : () -> ()
      %dma_start3A_267 = arith.constant 256 : i32
      %dma_start3A_268 = tpu.memref_slice %arg11[%dma_start3A_267] : memref<512xi32, #tpu.memory_space<vmem>> -> memref<128xi32, #tpu.memory_space<vmem>>
      %dma_start3A_269 = arith.constant 0 : i32
      %dma_start3A_270 = arith.constant 0 : i32
      %dma_start3A_271 = tpu.memref_slice %arg19[%dma_start3A_269, %dma_start3A_270] : memref<2048x128xf32, #tpu.memory_space<vmem_shared>> -> memref<2048x128xf32, #tpu.memory_space<vmem_shared>>
      tpu.enqueue_indirect_dma source(%dma_start3A_271 : memref<2048x128xf32, #tpu.memory_space<vmem_shared>>) target(%arg15 : memref<128x128xf32, #tpu.memory_space<vmem>>) offsets(%dma_start3A_268 : memref<128xi32, #tpu.memory_space<vmem>>) semaphore(%arg17 : memref<!tpu.dma_semaphore, #tpu.memory_space<semaphore_mem>>)
      %dma_wait3A_272 = arith.constant 0 : i32
      %dma_wait3A_273 = tpu.memref_slice %arg11[%dma_wait3A_272] : memref<512xi32, #tpu.memory_space<vmem>> -> memref<128xi32, #tpu.memory_space<vmem>>
      %dma_wait3A_274 = arith.constant 0 : i32
      %dma_wait3A_275 = arith.constant 0 : i32
      %dma_wait3A_276 = tpu.memref_slice %arg19[%dma_wait3A_274, %dma_wait3A_275] : memref<2048x128xf32, #tpu.memory_space<vmem_shared>> -> memref<2048x128xf32, #tpu.memory_space<vmem_shared>>
      tpu.wait_indirect_dma semaphore(%arg18 : memref<!tpu.dma_semaphore, #tpu.memory_space<semaphore_mem>>) src(%dma_wait3A_276 : memref<2048x128xf32, #tpu.memory_space<vmem_shared>>) dst(%arg16 : memref<128x128xf32, #tpu.memory_space<vmem>>)
      %get3A_277 = arith.constant 128 : index
      %get3A_278 = tpu.vector_load %arg12[%get3A_277] {strides = array<i32>} : memref<512xi32, #tpu.memory_space<vmem>>, vector<16xi32>,
      %swap3A_279 = arith.constant 0 : index
      %swap3A_280 = tpu.vector_load %arg14[%swap3A_279] {strides = array<i32>} : memref<128xi32, #tpu.memory_space<vmem>>, vector<16xi32>,
      tpu.vector_store %arg14[%swap3A_279], %get3A_278 {strides = array<i32>} : memref<128xi32, #tpu.memory_space<vmem>>, vector<16xi32>,
      %get3A_281 = arith.constant 144 : index
      %get3A_282 = tpu.vector_load %arg12[%get3A_281] {strides = array<i32>} : memref<512xi32, #tpu.memory_space<vmem>>, vector<16xi32>,
      %swap3A_283 = arith.constant 16 : index
      %swap3A_284 = tpu.vector_load %arg14[%swap3A_283] {strides = array<i32>} : memref<128xi32, #tpu.memory_space<vmem>>, vector<16xi32>,
      tpu.vector_store %arg14[%swap3A_283], %get3A_282 {strides = array<i32>} : memref<128xi32, #tpu.memory_space<vmem>>, vector<16xi32>,
      %get3A_285 = arith.constant 160 : index
      %get3A_286 = tpu.vector_load %arg12[%get3A_285] {strides = array<i32>} : memref<512xi32, #tpu.memory_space<vmem>>, vector<16xi32>,
      %swap3A_287 = arith.constant 32 : index
      %swap3A_288 = tpu.vector_load %arg14[%swap3A_287] {strides = array<i32>} : memref<128xi32, #tpu.memory_space<vmem>>, vector<16xi32>,
      tpu.vector_store %arg14[%swap3A_287], %get3A_286 {strides = array<i32>} : memref<128xi32, #tpu.memory_space<vmem>>, vector<16xi32>,
      %get3A_289 = arith.constant 176 : index
      %get3A_290 = tpu.vector_load %arg12[%get3A_289] {strides = array<i32>} : memref<512xi32, #tpu.memory_space<vmem>>, vector<16xi32>,
      %swap3A_291 = arith.constant 48 : index
      %swap3A_292 = tpu.vector_load %arg14[%swap3A_291] {strides = array<i32>} : memref<128xi32, #tpu.memory_space<vmem>>, vector<16xi32>,
      tpu.vector_store %arg14[%swap3A_291], %get3A_290 {strides = array<i32>} : memref<128xi32, #tpu.memory_space<vmem>>, vector<16xi32>,
      %get3A_293 = arith.constant 192 : index
      %get3A_294 = tpu.vector_load %arg12[%get3A_293] {strides = array<i32>} : memref<512xi32, #tpu.memory_space<vmem>>, vector<16xi32>,
      %swap3A_295 = arith.constant 64 : index
      %swap3A_296 = tpu.vector_load %arg14[%swap3A_295] {strides = array<i32>} : memref<128xi32, #tpu.memory_space<vmem>>, vector<16xi32>,
      tpu.vector_store %arg14[%swap3A_295], %get3A_294 {strides = array<i32>} : memref<128xi32, #tpu.memory_space<vmem>>, vector<16xi32>,
      %get3A_297 = arith.constant 208 : index
      %get3A_298 = tpu.vector_load %arg12[%get3A_297] {strides = array<i32>} : memref<512xi32, #tpu.memory_space<vmem>>, vector<16xi32>,
      %swap3A_299 = arith.constant 80 : index
      %swap3A_300 = tpu.vector_load %arg14[%swap3A_299] {strides = array<i32>} : memref<128xi32, #tpu.memory_space<vmem>>, vector<16xi32>,
      tpu.vector_store %arg14[%swap3A_299], %get3A_298 {strides = array<i32>} : memref<128xi32, #tpu.memory_space<vmem>>, vector<16xi32>,
      %get3A_301 = arith.constant 224 : index
      %get3A_302 = tpu.vector_load %arg12[%get3A_301] {strides = array<i32>} : memref<512xi32, #tpu.memory_space<vmem>>, vector<16xi32>,
      %swap3A_303 = arith.constant 96 : index
      %swap3A_304 = tpu.vector_load %arg14[%swap3A_303] {strides = array<i32>} : memref<128xi32, #tpu.memory_space<vmem>>, vector<16xi32>,
      tpu.vector_store %arg14[%swap3A_303], %get3A_302 {strides = array<i32>} : memref<128xi32, #tpu.memory_space<vmem>>, vector<16xi32>,
      %get3A_305 = arith.constant 240 : index
      %get3A_306 = tpu.vector_load %arg12[%get3A_305] {strides = array<i32>} : memref<512xi32, #tpu.memory_space<vmem>>, vector<16xi32>,
      %swap3A_307 = arith.constant 112 : index
      %swap3A_308 = tpu.vector_load %arg14[%swap3A_307] {strides = array<i32>} : memref<128xi32, #tpu.memory_space<vmem>>, vector<16xi32>,
      tpu.vector_store %arg14[%swap3A_307], %get3A_306 {strides = array<i32>} : memref<128xi32, #tpu.memory_space<vmem>>, vector<16xi32>,
      "tpu.region"() ({
        %run_scoped3A = tpu.sem_alloc : memref<!tpu.dma_semaphore, #tpu.memory_space<semaphore_mem>>
        %dma_start3A_393 = arith.constant 0 : i32
        %dma_start3A_394 = arith.constant 0 : i32
        %dma_start3A_395 = tpu.memref_slice %arg20[%dma_start3A_393, %dma_start3A_394] : memref<2048x128xf32, #tpu.memory_space<vmem_shared>> -> memref<2048x128xf32, #tpu.memory_space<vmem_shared>>
        tpu.enqueue_indirect_dma source(%arg16 : memref<128x128xf32, #tpu.memory_space<vmem>>) target(%dma_start3A_395 : memref<2048x128xf32, #tpu.memory_space<vmem_shared>>) offsets(%arg14 : memref<128xi32, #tpu.memory_space<vmem>>) semaphore(%run_scoped3A : memref<!tpu.dma_semaphore, #tpu.memory_space<semaphore_mem>>) {add = true}
        %dma_wait3A_396 = arith.constant 0 : i32
        %dma_wait3A_397 = arith.constant 0 : i32
        %dma_wait3A_398 = tpu.memref_slice %arg20[%dma_wait3A_396, %dma_wait3A_397] : memref<2048x128xf32, #tpu.memory_space<vmem_shared>> -> memref<2048x128xf32, #tpu.memory_space<vmem_shared>>
        tpu.wait_indirect_dma semaphore(%run_scoped3A : memref<!tpu.dma_semaphore, #tpu.memory_space<semaphore_mem>>) src(%arg16 : memref<128x128xf32, #tpu.memory_space<vmem>>) dst(%dma_wait3A_398 : memref<2048x128xf32, #tpu.memory_space<vmem_shared>>)
        tpu.yield
      }) : () -> ()
      %dma_start3A_309 = arith.constant 384 : i32
      %dma_start3A_310 = tpu.memref_slice %arg11[%dma_start3A_309] : memref<512xi32, #tpu.memory_space<vmem>> -> memref<128xi32, #tpu.memory_space<vmem>>
      %dma_start3A_311 = arith.constant 0 : i32
      %dma_start3A_312 = arith.constant 0 : i32
      %dma_start3A_313 = tpu.memref_slice %arg19[%dma_start3A_311, %dma_start3A_312] : memref<2048x128xf32, #tpu.memory_space<vmem_shared>> -> memref<2048x128xf32, #tpu.memory_space<vmem_shared>>
      tpu.enqueue_indirect_dma source(%dma_start3A_313 : memref<2048x128xf32, #tpu.memory_space<vmem_shared>>) target(%arg16 : memref<128x128xf32, #tpu.memory_space<vmem>>) offsets(%dma_start3A_310 : memref<128xi32, #tpu.memory_space<vmem>>) semaphore(%arg18 : memref<!tpu.dma_semaphore, #tpu.memory_space<semaphore_mem>>)
      %dma_wait3A_314 = arith.constant 0 : i32
      %dma_wait3A_315 = tpu.memref_slice %arg11[%dma_wait3A_314] : memref<512xi32, #tpu.memory_space<vmem>> -> memref<128xi32, #tpu.memory_space<vmem>>
      %dma_wait3A_316 = arith.constant 0 : i32
      %dma_wait3A_317 = arith.constant 0 : i32
      %dma_wait3A_318 = tpu.memref_slice %arg19[%dma_wait3A_316, %dma_wait3A_317] : memref<2048x128xf32, #tpu.memory_space<vmem_shared>> -> memref<2048x128xf32, #tpu.memory_space<vmem_shared>>
      tpu.wait_indirect_dma semaphore(%arg17 : memref<!tpu.dma_semaphore, #tpu.memory_space<semaphore_mem>>) src(%dma_wait3A_318 : memref<2048x128xf32, #tpu.memory_space<vmem_shared>>) dst(%arg15 : memref<128x128xf32, #tpu.memory_space<vmem>>)
      %get3A_319 = arith.constant 256 : index
      %get3A_320 = tpu.vector_load %arg12[%get3A_319] {strides = array<i32>} : memref<512xi32, #tpu.memory_space<vmem>>, vector<16xi32>,
      %swap3A_321 = arith.constant 0 : index
      %swap3A_322 = tpu.vector_load %arg13[%swap3A_321] {strides = array<i32>} : memref<128xi32, #tpu.memory_space<vmem>>, vector<16xi32>,
      tpu.vector_store %arg13[%swap3A_321], %get3A_320 {strides = array<i32>} : memref<128xi32, #tpu.memory_space<vmem>>, vector<16xi32>,
      %get3A_323 = arith.constant 272 : index
      %get3A_324 = tpu.vector_load %arg12[%get3A_323] {strides = array<i32>} : memref<512xi32, #tpu.memory_space<vmem>>, vector<16xi32>,
      %swap3A_325 = arith.constant 16 : index
      %swap3A_326 = tpu.vector_load %arg13[%swap3A_325] {strides = array<i32>} : memref<128xi32, #tpu.memory_space<vmem>>, vector<16xi32>,
      tpu.vector_store %arg13[%swap3A_325], %get3A_324 {strides = array<i32>} : memref<128xi32, #tpu.memory_space<vmem>>, vector<16xi32>,
      %get3A_327 = arith.constant 288 : index
      %get3A_328 = tpu.vector_load %arg12[%get3A_327] {strides = array<i32>} : memref<512xi32, #tpu.memory_space<vmem>>, vector<16xi32>,
      %swap3A_329 = arith.constant 32 : index
      %swap3A_330 = tpu.vector_load %arg13[%swap3A_329] {strides = array<i32>} : memref<128xi32, #tpu.memory_space<vmem>>, vector<16xi32>,
      tpu.vector_store %arg13[%swap3A_329], %get3A_328 {strides = array<i32>} : memref<128xi32, #tpu.memory_space<vmem>>, vector<16xi32>,
      %get3A_331 = arith.constant 304 : index
      %get3A_332 = tpu.vector_load %arg12[%get3A_331] {strides = array<i32>} : memref<512xi32, #tpu.memory_space<vmem>>, vector<16xi32>,
      %swap3A_333 = arith.constant 48 : index
      %swap3A_334 = tpu.vector_load %arg13[%swap3A_333] {strides = array<i32>} : memref<128xi32, #tpu.memory_space<vmem>>, vector<16xi32>,
      tpu.vector_store %arg13[%swap3A_333], %get3A_332 {strides = array<i32>} : memref<128xi32, #tpu.memory_space<vmem>>, vector<16xi32>,
      %get3A_335 = arith.constant 320 : index
      %get3A_336 = tpu.vector_load %arg12[%get3A_335] {strides = array<i32>} : memref<512xi32, #tpu.memory_space<vmem>>, vector<16xi32>,
      %swap3A_337 = arith.constant 64 : index
      %swap3A_338 = tpu.vector_load %arg13[%swap3A_337] {strides = array<i32>} : memref<128xi32, #tpu.memory_space<vmem>>, vector<16xi32>,
      tpu.vector_store %arg13[%swap3A_337], %get3A_336 {strides = array<i32>} : memref<128xi32, #tpu.memory_space<vmem>>, vector<16xi32>,
      %get3A_339 = arith.constant 336 : index
      %get3A_340 = tpu.vector_load %arg12[%get3A_339] {strides = array<i32>} : memref<512xi32, #tpu.memory_space<vmem>>, vector<16xi32>,
      %swap3A_341 = arith.constant 80 : index
      %swap3A_342 = tpu.vector_load %arg13[%swap3A_341] {strides = array<i32>} : memref<128xi32, #tpu.memory_space<vmem>>, vector<16xi32>,
      tpu.vector_store %arg13[%swap3A_341], %get3A_340 {strides = array<i32>} : memref<128xi32, #tpu.memory_space<vmem>>, vector<16xi32>,
      %get3A_343 = arith.constant 352 : index
      %get3A_344 = tpu.vector_load %arg12[%get3A_343] {strides = array<i32>} : memref<512xi32, #tpu.memory_space<vmem>>, vector<16xi32>,
      %swap3A_345 = arith.constant 96 : index
      %swap3A_346 = tpu.vector_load %arg13[%swap3A_345] {strides = array<i32>} : memref<128xi32, #tpu.memory_space<vmem>>, vector<16xi32>,
      tpu.vector_store %arg13[%swap3A_345], %get3A_344 {strides = array<i32>} : memref<128xi32, #tpu.memory_space<vmem>>, vector<16xi32>,
      %get3A_347 = arith.constant 368 : index
      %get3A_348 = tpu.vector_load %arg12[%get3A_347] {strides = array<i32>} : memref<512xi32, #tpu.memory_space<vmem>>, vector<16xi32>,
      %swap3A_349 = arith.constant 112 : index
      %swap3A_350 = tpu.vector_load %arg13[%swap3A_349] {strides = array<i32>} : memref<128xi32, #tpu.memory_space<vmem>>, vector<16xi32>,
      tpu.vector_store %arg13[%swap3A_349], %get3A_348 {strides = array<i32>} : memref<128xi32, #tpu.memory_space<vmem>>, vector<16xi32>,
      "tpu.region"() ({
        %run_scoped3A = tpu.sem_alloc : memref<!tpu.dma_semaphore, #tpu.memory_space<semaphore_mem>>
        %dma_start3A_393 = arith.constant 0 : i32
        %dma_start3A_394 = arith.constant 0 : i32
        %dma_start3A_395 = tpu.memref_slice %arg20[%dma_start3A_393, %dma_start3A_394] : memref<2048x128xf32, #tpu.memory_space<vmem_shared>> -> memref<2048x128xf32, #tpu.memory_space<vmem_shared>>
        tpu.enqueue_indirect_dma source(%arg15 : memref<128x128xf32, #tpu.memory_space<vmem>>) target(%dma_start3A_395 : memref<2048x128xf32, #tpu.memory_space<vmem_shared>>) offsets(%arg13 : memref<128xi32, #tpu.memory_space<vmem>>) semaphore(%run_scoped3A : memref<!tpu.dma_semaphore, #tpu.memory_space<semaphore_mem>>) {add = true}
        %dma_wait3A_396 = arith.constant 0 : i32
        %dma_wait3A_397 = arith.constant 0 : i32
        %dma_wait3A_398 = tpu.memref_slice %arg20[%dma_wait3A_396, %dma_wait3A_397] : memref<2048x128xf32, #tpu.memory_space<vmem_shared>> -> memref<2048x128xf32, #tpu.memory_space<vmem_shared>>
        tpu.wait_indirect_dma semaphore(%run_scoped3A : memref<!tpu.dma_semaphore, #tpu.memory_space<semaphore_mem>>) src(%arg15 : memref<128x128xf32, #tpu.memory_space<vmem>>) dst(%dma_wait3A_398 : memref<2048x128xf32, #tpu.memory_space<vmem_shared>>)
        tpu.yield
      }) : () -> ()
      %dma_wait3A_351 = arith.constant 0 : i32
      %dma_wait3A_352 = tpu.memref_slice %arg11[%dma_wait3A_351] : memref<512xi32, #tpu.memory_space<vmem>> -> memref<128xi32, #tpu.memory_space<vmem>>
      %dma_wait3A_353 = arith.constant 0 : i32
      %dma_wait3A_354 = arith.constant 0 : i32
      %dma_wait3A_355 = tpu.memref_slice %arg19[%dma_wait3A_353, %dma_wait3A_354] : memref<2048x128xf32, #tpu.memory_space<vmem_shared>> -> memref<2048x128xf32, #tpu.memory_space<vmem_shared>>
      tpu.wait_indirect_dma semaphore(%arg18 : memref<!tpu.dma_semaphore, #tpu.memory_space<semaphore_mem>>) src(%dma_wait3A_355 : memref<2048x128xf32, #tpu.memory_space<vmem_shared>>) dst(%arg16 : memref<128x128xf32, #tpu.memory_space<vmem>>)
      %get3A_356 = arith.constant 384 : index
      %get3A_357 = tpu.vector_load %arg12[%get3A_356] {strides = array<i32>} : memref<512xi32, #tpu.memory_space<vmem>>, vector<16xi32>,
      %swap3A_358 = arith.constant 0 : index
      %swap3A_359 = tpu.vector_load %arg14[%swap3A_358] {strides = array<i32>} : memref<128xi32, #tpu.memory_space<vmem>>, vector<16xi32>,
      tpu.vector_store %arg14[%swap3A_358], %get3A_357 {strides = array<i32>} : memref<128xi32, #tpu.memory_space<vmem>>, vector<16xi32>,
      %get3A_360 = arith.constant 400 : index
      %get3A_361 = tpu.vector_load %arg12[%get3A_360] {strides = array<i32>} : memref<512xi32, #tpu.memory_space<vmem>>, vector<16xi32>,
      %swap3A_362 = arith.constant 16 : index
      %swap3A_363 = tpu.vector_load %arg14[%swap3A_362] {strides = array<i32>} : memref<128xi32, #tpu.memory_space<vmem>>, vector<16xi32>,
      tpu.vector_store %arg14[%swap3A_362], %get3A_361 {strides = array<i32>} : memref<128xi32, #tpu.memory_space<vmem>>, vector<16xi32>,
      %get3A_364 = arith.constant 416 : index
      %get3A_365 = tpu.vector_load %arg12[%get3A_364] {strides = array<i32>} : memref<512xi32, #tpu.memory_space<vmem>>, vector<16xi32>,
      %swap3A_366 = arith.constant 32 : index
      %swap3A_367 = tpu.vector_load %arg14[%swap3A_366] {strides = array<i32>} : memref<128xi32, #tpu.memory_space<vmem>>, vector<16xi32>,
      tpu.vector_store %arg14[%swap3A_366], %get3A_365 {strides = array<i32>} : memref<128xi32, #tpu.memory_space<vmem>>, vector<16xi32>,
      %get3A_368 = arith.constant 432 : index
      %get3A_369 = tpu.vector_load %arg12[%get3A_368] {strides = array<i32>} : memref<512xi32, #tpu.memory_space<vmem>>, vector<16xi32>,
      %swap3A_370 = arith.constant 48 : index
      %swap3A_371 = tpu.vector_load %arg14[%swap3A_370] {strides = array<i32>} : memref<128xi32, #tpu.memory_space<vmem>>, vector<16xi32>,
      tpu.vector_store %arg14[%swap3A_370], %get3A_369 {strides = array<i32>} : memref<128xi32, #tpu.memory_space<vmem>>, vector<16xi32>,
      %get3A_372 = arith.constant 448 : index
      %get3A_373 = tpu.vector_load %arg12[%get3A_372] {strides = array<i32>} : memref<512xi32, #tpu.memory_space<vmem>>, vector<16xi32>,
      %swap3A_374 = arith.constant 64 : index
      %swap3A_375 = tpu.vector_load %arg14[%swap3A_374] {strides = array<i32>} : memref<128xi32, #tpu.memory_space<vmem>>, vector<16xi32>,
      tpu.vector_store %arg14[%swap3A_374], %get3A_373 {strides = array<i32>} : memref<128xi32, #tpu.memory_space<vmem>>, vector<16xi32>,
      %get3A_376 = arith.constant 464 : index
      %get3A_377 = tpu.vector_load %arg12[%get3A_376] {strides = array<i32>} : memref<512xi32, #tpu.memory_space<vmem>>, vector<16xi32>,
      %swap3A_378 = arith.constant 80 : index
      %swap3A_379 = tpu.vector_load %arg14[%swap3A_378] {strides = array<i32>} : memref<128xi32, #tpu.memory_space<vmem>>, vector<16xi32>,
      tpu.vector_store %arg14[%swap3A_378], %get3A_377 {strides = array<i32>} : memref<128xi32, #tpu.memory_space<vmem>>, vector<16xi32>,
      %get3A_380 = arith.constant 480 : index
      %get3A_381 = tpu.vector_load %arg12[%get3A_380] {strides = array<i32>} : memref<512xi32, #tpu.memory_space<vmem>>, vector<16xi32>,
      %swap3A_382 = arith.constant 96 : index
      %swap3A_383 = tpu.vector_load %arg14[%swap3A_382] {strides = array<i32>} : memref<128xi32, #tpu.memory_space<vmem>>, vector<16xi32>,
      tpu.vector_store %arg14[%swap3A_382], %get3A_381 {strides = array<i32>} : memref<128xi32, #tpu.memory_space<vmem>>, vector<16xi32>,
      %get3A_384 = arith.constant 496 : index
      %get3A_385 = tpu.vector_load %arg12[%get3A_384] {strides = array<i32>} : memref<512xi32, #tpu.memory_space<vmem>>, vector<16xi32>,
      %swap3A_386 = arith.constant 112 : index
      %swap3A_387 = tpu.vector_load %arg14[%swap3A_386] {strides = array<i32>} : memref<128xi32, #tpu.memory_space<vmem>>, vector<16xi32>,
      tpu.vector_store %arg14[%swap3A_386], %get3A_385 {strides = array<i32>} : memref<128xi32, #tpu.memory_space<vmem>>, vector<16xi32>,
      "tpu.region"() ({
        %run_scoped3A = tpu.sem_alloc : memref<!tpu.dma_semaphore, #tpu.memory_space<semaphore_mem>>
        %dma_start3A_393 = arith.constant 0 : i32
        %dma_start3A_394 = arith.constant 0 : i32
        %dma_start3A_395 = tpu.memref_slice %arg20[%dma_start3A_393, %dma_start3A_394] : memref<2048x128xf32, #tpu.memory_space<vmem_shared>> -> memref<2048x128xf32, #tpu.memory_space<vmem_shared>>
        tpu.enqueue_indirect_dma source(%arg16 : memref<128x128xf32, #tpu.memory_space<vmem>>) target(%dma_start3A_395 : memref<2048x128xf32, #tpu.memory_space<vmem_shared>>) offsets(%arg14 : memref<128xi32, #tpu.memory_space<vmem>>) semaphore(%run_scoped3A : memref<!tpu.dma_semaphore, #tpu.memory_space<semaphore_mem>>) {add = true}
        %dma_wait3A_396 = arith.constant 0 : i32
        %dma_wait3A_397 = arith.constant 0 : i32
        %dma_wait3A_398 = tpu.memref_slice %arg20[%dma_wait3A_396, %dma_wait3A_397] : memref<2048x128xf32, #tpu.memory_space<vmem_shared>> -> memref<2048x128xf32, #tpu.memory_space<vmem_shared>>
        tpu.wait_indirect_dma semaphore(%run_scoped3A : memref<!tpu.dma_semaphore, #tpu.memory_space<semaphore_mem>>) src(%arg16 : memref<128x128xf32, #tpu.memory_space<vmem>>) dst(%dma_wait3A_398 : memref<2048x128xf32, #tpu.memory_space<vmem_shared>>)
        tpu.yield
      }) : () -> ()
      %barrier3A_388 = arith.constant 0 : index
      tpu.barrier barrier_id(%barrier3A_388)
      %mul3A_389 = arith.constant 128 : i32
      %mul3A_390 = arith.muli %arg1, %mul3A_389 : i32
      %mul3A_391 = arith.constant 128 : i32
      %mul3A_392 = arith.muli %arg1, %mul3A_391 : i32
      "tpu.region"() ({
        %run_scoped3A = tpu.sem_alloc : memref<!tpu.dma_semaphore, #tpu.memory_space<semaphore_mem>>
        %dma_start3A_393 = arith.constant 0 : i32
        %dma_start3A_394 = tpu.memref_slice %arg8[%mul3A_392, %dma_start3A_393] : memref<2048x128xf32, #tpu.memory_space<hbm>> -> memref<128x128xf32, #tpu.memory_space<hbm>>
        %dma_start3A_395 = arith.constant 0 : i32
        %dma_start3A_396 = tpu.memref_slice %arg20[%mul3A_390, %dma_start3A_395] : memref<2048x128xf32, #tpu.memory_space<vmem_shared>> -> memref<128x128xf32, #tpu.memory_space<vmem_shared>>
        tpu.enqueue_dma source(%dma_start3A_396 : memref<128x128xf32, #tpu.memory_space<vmem_shared>>) target(%dma_start3A_394 : memref<128x128xf32, #tpu.memory_space<hbm>>) target_semaphore(%run_scoped3A : memref<!tpu.dma_semaphore, #tpu.memory_space<semaphore_mem>>)
        %dma_wait3A_397 = arith.constant 0 : i32
        %dma_wait3A_398 = tpu.memref_slice %arg8[%mul3A_392, %dma_wait3A_397] : memref<2048x128xf32, #tpu.memory_space<hbm>> -> memref<128x128xf32, #tpu.memory_space<hbm>>
        %dma_wait3A_399 = arith.constant 0 : i32
        %dma_wait3A_400 = tpu.memref_slice %arg20[%mul3A_390, %dma_wait3A_399] : memref<2048x128xf32, #tpu.memory_space<vmem_shared>> -> memref<128x128xf32, #tpu.memory_space<vmem_shared>>
        tpu.wait_dma2 semaphore(%run_scoped3A : memref<!tpu.dma_semaphore, #tpu.memory_space<semaphore_mem>>) src(%dma_wait3A_400 : memref<128x128xf32, #tpu.memory_space<vmem_shared>>) dst(%dma_wait3A_398 : memref<128x128xf32, #tpu.memory_space<hbm>>)
        tpu.yield
      }) : () -> ()
    } else {
    }
    return
  }
}

#map = affine_map<(d0, d1) -> (0, 0)>
#map1 = affine_map<(d0, d1) -> (0)>
#map2 = affine_map<(d0, d1) -> (0, 0, 0)>
module attributes {stable_mosaic.version = 14 : i64} {
  func.func @_sc_edges(%arg0: i32, %arg1: i32, %arg2: memref<10240x128xbf16, #tpu.memory_space<hbm>>, %arg3: memref<327680xi32, #tpu.memory_space<hbm>>, %arg4: memref<327680xi32, #tpu.memory_space<hbm>>, %arg5: memref<632x128xbf16, #tpu.memory_space<hbm>>, %arg6: memref<2x10112x128xbf16, #tpu.memory_space<hbm>>, %arg7: memref<5120xi32, #tpu.memory_space<vmem>>, %arg8: memref<5120xi32, #tpu.memory_space<vmem>>, %arg9: memref<128xi32, #tpu.memory_space<vmem>>, %arg10: memref<128xi32, #tpu.memory_space<vmem>>, %arg11: memref<128xi32, #tpu.memory_space<vmem>>, %arg12: memref<128xi32, #tpu.memory_space<vmem>>, %arg13: memref<128x128xbf16, #tpu.memory_space<vmem>>, %arg14: memref<128x128xbf16, #tpu.memory_space<vmem>>, %arg15: memref<128x128xbf16, #tpu.memory_space<vmem>>, %arg16: memref<128x128xbf16, #tpu.memory_space<vmem>>, %arg17: memref<!tpu.dma_semaphore, #tpu.memory_space<semaphore_mem>>, %arg18: memref<!tpu.dma_semaphore, #tpu.memory_space<semaphore_mem>>, %arg19: memref<!tpu.dma_semaphore, #tpu.memory_space<semaphore_mem>>, %arg20: memref<!tpu.dma_semaphore, #tpu.memory_space<semaphore_mem>>, %arg21: memref<!tpu.dma_semaphore, #tpu.memory_space<semaphore_mem>>, %arg22: memref<!tpu.dma_semaphore, #tpu.memory_space<semaphore_mem>>, %arg23: memref<!tpu.dma_semaphore, #tpu.memory_space<semaphore_mem>>, %arg24: memref<!tpu.dma_semaphore, #tpu.memory_space<semaphore_mem>>, %arg25: memref<10112x128xbf16, #tpu.memory_space<vmem_shared>>) attributes {dimension_semantics = [#tpu.dimension_semantics<core_parallel>, #tpu.dimension_semantics<subcore_parallel>], iteration_bounds = array<i64: 2, 16>, scalar_prefetch = 0 : i64, scratch_operands = 19 : i64, tpu.core_type = #tpu.core_type<sc_vector_subcore>, window_params = [{transform_indices = #map}, {transform_indices = #map1}, {transform_indices = #map1}, {transform_indices = #map}, {transform_indices = #map2}]} {
    %mul3A = arith.constant 2 : i32
    %mul3A_0 = arith.muli %arg1, %mul3A : i32
    %add3A = arith.addi %mul3A_0, %arg0 : i32
    %mul3A_1 = arith.constant 632 : i32
    %mul3A_2 = arith.muli %arg1, %mul3A_1 : i32
    "tpu.region"() ({
      %run_scoped3A = tpu.sem_alloc : memref<!tpu.dma_semaphore, #tpu.memory_space<semaphore_mem>>
      %dma_start3A_71 = arith.constant 0 : i32
      %dma_start3A_72 = tpu.memref_slice %arg25[%mul3A_2, %dma_start3A_71] : memref<10112x128xbf16, #tpu.memory_space<vmem_shared>> -> memref<632x128xbf16, #tpu.memory_space<vmem_shared>>
      tpu.enqueue_dma source(%arg5 : memref<632x128xbf16, #tpu.memory_space<hbm>>) target(%dma_start3A_72 : memref<632x128xbf16, #tpu.memory_space<vmem_shared>>) target_semaphore(%run_scoped3A : memref<!tpu.dma_semaphore, #tpu.memory_space<semaphore_mem>>)
      %dma_wait3A_73 = arith.constant 0 : i32
      %dma_wait3A_74 = tpu.memref_slice %arg25[%mul3A_2, %dma_wait3A_73] : memref<10112x128xbf16, #tpu.memory_space<vmem_shared>> -> memref<632x128xbf16, #tpu.memory_space<vmem_shared>>
      tpu.wait_dma2 semaphore(%run_scoped3A : memref<!tpu.dma_semaphore, #tpu.memory_space<semaphore_mem>>) src(%arg5 : memref<632x128xbf16, #tpu.memory_space<hbm>>) dst(%dma_wait3A_74 : memref<632x128xbf16, #tpu.memory_space<vmem_shared>>)
      tpu.yield
    }) : () -> ()
    %barrier3A = arith.constant 0 : index
    tpu.barrier barrier_id(%barrier3A)
    %mul3A_3 = arith.constant 10240 : i32
    %mul3A_4 = arith.muli %add3A, %mul3A_3 : i32
    %add3A_5 = arith.constant 0 : i32
    %add3A_6 = arith.addi %mul3A_4, %add3A_5 : i32
    "tpu.region"() ({
      %run_scoped3A = tpu.sem_alloc : memref<!tpu.dma_semaphore, #tpu.memory_space<semaphore_mem>>
      %dma_start3A_71 = tpu.memref_slice %arg3[%add3A_6] : memref<327680xi32, #tpu.memory_space<hbm>> -> memref<5120xi32, #tpu.memory_space<hbm>>
      %dma_start3A_72 = tpu.memref_slice %arg3[%add3A_6] : memref<327680xi32, #tpu.memory_space<hbm>> -> memref<5120xi32, #tpu.memory_space<hbm>>
      tpu.enqueue_dma source(%dma_start3A_72 : memref<5120xi32, #tpu.memory_space<hbm>>) target(%arg7 : memref<5120xi32, #tpu.memory_space<vmem>>) target_semaphore(%run_scoped3A : memref<!tpu.dma_semaphore, #tpu.memory_space<semaphore_mem>>)
      %dma_wait3A_73 = tpu.memref_slice %arg3[%add3A_6] : memref<327680xi32, #tpu.memory_space<hbm>> -> memref<5120xi32, #tpu.memory_space<hbm>>
      %dma_wait3A_74 = tpu.memref_slice %arg3[%add3A_6] : memref<327680xi32, #tpu.memory_space<hbm>> -> memref<5120xi32, #tpu.memory_space<hbm>>
      tpu.wait_dma2 semaphore(%run_scoped3A : memref<!tpu.dma_semaphore, #tpu.memory_space<semaphore_mem>>) src(%dma_wait3A_74 : memref<5120xi32, #tpu.memory_space<hbm>>) dst(%arg7 : memref<5120xi32, #tpu.memory_space<vmem>>)
      tpu.yield
    }) : () -> ()
    "tpu.region"() ({
      %run_scoped3A = tpu.sem_alloc : memref<!tpu.dma_semaphore, #tpu.memory_space<semaphore_mem>>
      %dma_start3A_71 = tpu.memref_slice %arg4[%add3A_6] : memref<327680xi32, #tpu.memory_space<hbm>> -> memref<5120xi32, #tpu.memory_space<hbm>>
      %dma_start3A_72 = tpu.memref_slice %arg4[%add3A_6] : memref<327680xi32, #tpu.memory_space<hbm>> -> memref<5120xi32, #tpu.memory_space<hbm>>
      tpu.enqueue_dma source(%dma_start3A_72 : memref<5120xi32, #tpu.memory_space<hbm>>) target(%arg8 : memref<5120xi32, #tpu.memory_space<vmem>>) target_semaphore(%run_scoped3A : memref<!tpu.dma_semaphore, #tpu.memory_space<semaphore_mem>>)
      %dma_wait3A_73 = tpu.memref_slice %arg4[%add3A_6] : memref<327680xi32, #tpu.memory_space<hbm>> -> memref<5120xi32, #tpu.memory_space<hbm>>
      %dma_wait3A_74 = tpu.memref_slice %arg4[%add3A_6] : memref<327680xi32, #tpu.memory_space<hbm>> -> memref<5120xi32, #tpu.memory_space<hbm>>
      tpu.wait_dma2 semaphore(%run_scoped3A : memref<!tpu.dma_semaphore, #tpu.memory_space<semaphore_mem>>) src(%dma_wait3A_74 : memref<5120xi32, #tpu.memory_space<hbm>>) dst(%arg8 : memref<5120xi32, #tpu.memory_space<vmem>>)
      tpu.yield
    }) : () -> ()
    %dma_start3A = arith.constant 0 : i32
    %dma_start3A_7 = tpu.memref_slice %arg7[%dma_start3A] : memref<5120xi32, #tpu.memory_space<vmem>> -> memref<128xi32, #tpu.memory_space<vmem>>
    %dma_start3A_8 = arith.constant 0 : i32
    %dma_start3A_9 = arith.constant 0 : i32
    %dma_start3A_10 = tpu.memref_slice %arg2[%dma_start3A_8, %dma_start3A_9] : memref<10240x128xbf16, #tpu.memory_space<hbm>> -> memref<10240x128xbf16, #tpu.memory_space<hbm>>
    tpu.enqueue_indirect_dma source(%dma_start3A_10 : memref<10240x128xbf16, #tpu.memory_space<hbm>>) target(%arg13 : memref<128x128xbf16, #tpu.memory_space<vmem>>) offsets(%dma_start3A_7 : memref<128xi32, #tpu.memory_space<vmem>>) semaphore(%arg17 : memref<!tpu.dma_semaphore, #tpu.memory_space<semaphore_mem>>)
    %dma_start3A_11 = arith.constant 128 : i32
    %dma_start3A_12 = tpu.memref_slice %arg7[%dma_start3A_11] : memref<5120xi32, #tpu.memory_space<vmem>> -> memref<128xi32, #tpu.memory_space<vmem>>
    %dma_start3A_13 = arith.constant 0 : i32
    %dma_start3A_14 = arith.constant 0 : i32
    %dma_start3A_15 = tpu.memref_slice %arg2[%dma_start3A_13, %dma_start3A_14] : memref<10240x128xbf16, #tpu.memory_space<hbm>> -> memref<10240x128xbf16, #tpu.memory_space<hbm>>
    tpu.enqueue_indirect_dma source(%dma_start3A_15 : memref<10240x128xbf16, #tpu.memory_space<hbm>>) target(%arg14 : memref<128x128xbf16, #tpu.memory_space<vmem>>) offsets(%dma_start3A_12 : memref<128xi32, #tpu.memory_space<vmem>>) semaphore(%arg18 : memref<!tpu.dma_semaphore, #tpu.memory_space<semaphore_mem>>)
    %scan3A = arith.constant 0 : i32
    %scan3A_16 = arith.constant 0 : i32
    %scan3A_17 = arith.constant 10 : i32
    %scan3A_18 = arith.addi %scan3A_16, %scan3A_17 : i32
    %scan3A_19 = arith.constant 1 : i32
    %scan3A_20 = scf.for %scan3A_71 = %scan3A_16 to %scan3A_18 step %scan3A_19 iter_args(%scan3A_72 = %scan3A) -> (i32)  : i32 {
      %mul3A_73 = arith.constant 4 : i32
      %mul3A_74 = arith.muli %mul3A_73, %scan3A_71 : i32
      %add3A_75 = arith.constant 0 : i32
      %add3A_76 = arith.addi %mul3A_74, %add3A_75 : i32
      %dma_wait3A_77 = arith.constant 0 : i32
      %dma_wait3A_78 = tpu.memref_slice %arg7[%dma_wait3A_77] : memref<5120xi32, #tpu.memory_space<vmem>> -> memref<128xi32, #tpu.memory_space<vmem>>
      %dma_wait3A_79 = arith.constant 0 : i32
      %dma_wait3A_80 = arith.constant 0 : i32
      %dma_wait3A_81 = tpu.memref_slice %arg2[%dma_wait3A_79, %dma_wait3A_80] : memref<10240x128xbf16, #tpu.memory_space<hbm>> -> memref<10240x128xbf16, #tpu.memory_space<hbm>>
      tpu.wait_indirect_dma semaphore(%arg17 : memref<!tpu.dma_semaphore, #tpu.memory_space<semaphore_mem>>) src(%dma_wait3A_81 : memref<10240x128xbf16, #tpu.memory_space<hbm>>) dst(%arg13 : memref<128x128xbf16, #tpu.memory_space<vmem>>)
      %mul3A_82 = arith.constant 128 : i32
      %mul3A_83 = arith.muli %add3A_76, %mul3A_82 : i32
      %add3A_84 = arith.constant 0 : i32
      %add3A_85 = arith.addi %mul3A_83, %add3A_84 : i32
      %get3A = arith.index_cast %add3A_85 : i32 to index
      %get3A_86 = tpu.vector_load %arg8[%get3A] {strides = array<i32>} : memref<5120xi32, #tpu.memory_space<vmem>>, vector<16xi32>,
      %swap3A = arith.constant 0 : index
      %swap3A_87 = tpu.vector_load %arg9[%swap3A] {strides = array<i32>} : memref<128xi32, #tpu.memory_space<vmem>>, vector<16xi32>,
      tpu.vector_store %arg9[%swap3A], %get3A_86 {strides = array<i32>} : memref<128xi32, #tpu.memory_space<vmem>>, vector<16xi32>,
      %add3A_88 = arith.constant 16 : i32
      %add3A_89 = arith.addi %mul3A_83, %add3A_88 : i32
      %get3A_90 = arith.index_cast %add3A_89 : i32 to index
      %get3A_91 = tpu.vector_load %arg8[%get3A_90] {strides = array<i32>} : memref<5120xi32, #tpu.memory_space<vmem>>, vector<16xi32>,
      %swap3A_92 = arith.constant 16 : index
      %swap3A_93 = tpu.vector_load %arg9[%swap3A_92] {strides = array<i32>} : memref<128xi32, #tpu.memory_space<vmem>>, vector<16xi32>,
      tpu.vector_store %arg9[%swap3A_92], %get3A_91 {strides = array<i32>} : memref<128xi32, #tpu.memory_space<vmem>>, vector<16xi32>,
      %add3A_94 = arith.constant 32 : i32
      %add3A_95 = arith.addi %mul3A_83, %add3A_94 : i32
      %get3A_96 = arith.index_cast %add3A_95 : i32 to index
      %get3A_97 = tpu.vector_load %arg8[%get3A_96] {strides = array<i32>} : memref<5120xi32, #tpu.memory_space<vmem>>, vector<16xi32>,
      %swap3A_98 = arith.constant 32 : index
      %swap3A_99 = tpu.vector_load %arg9[%swap3A_98] {strides = array<i32>} : memref<128xi32, #tpu.memory_space<vmem>>, vector<16xi32>,
      tpu.vector_store %arg9[%swap3A_98], %get3A_97 {strides = array<i32>} : memref<128xi32, #tpu.memory_space<vmem>>, vector<16xi32>,
      %add3A_100 = arith.constant 48 : i32
      %add3A_101 = arith.addi %mul3A_83, %add3A_100 : i32
      %get3A_102 = arith.index_cast %add3A_101 : i32 to index
      %get3A_103 = tpu.vector_load %arg8[%get3A_102] {strides = array<i32>} : memref<5120xi32, #tpu.memory_space<vmem>>, vector<16xi32>,
      %swap3A_104 = arith.constant 48 : index
      %swap3A_105 = tpu.vector_load %arg9[%swap3A_104] {strides = array<i32>} : memref<128xi32, #tpu.memory_space<vmem>>, vector<16xi32>,
      tpu.vector_store %arg9[%swap3A_104], %get3A_103 {strides = array<i32>} : memref<128xi32, #tpu.memory_space<vmem>>, vector<16xi32>,
      %add3A_106 = arith.constant 64 : i32
      %add3A_107 = arith.addi %mul3A_83, %add3A_106 : i32
      %get3A_108 = arith.index_cast %add3A_107 : i32 to index
      %get3A_109 = tpu.vector_load %arg8[%get3A_108] {strides = array<i32>} : memref<5120xi32, #tpu.memory_space<vmem>>, vector<16xi32>,
      %swap3A_110 = arith.constant 64 : index
      %swap3A_111 = tpu.vector_load %arg9[%swap3A_110] {strides = array<i32>} : memref<128xi32, #tpu.memory_space<vmem>>, vector<16xi32>,
      tpu.vector_store %arg9[%swap3A_110], %get3A_109 {strides = array<i32>} : memref<128xi32, #tpu.memory_space<vmem>>, vector<16xi32>,
      %add3A_112 = arith.constant 80 : i32
      %add3A_113 = arith.addi %mul3A_83, %add3A_112 : i32
      %get3A_114 = arith.index_cast %add3A_113 : i32 to index
      %get3A_115 = tpu.vector_load %arg8[%get3A_114] {strides = array<i32>} : memref<5120xi32, #tpu.memory_space<vmem>>, vector<16xi32>,
      %swap3A_116 = arith.constant 80 : index
      %swap3A_117 = tpu.vector_load %arg9[%swap3A_116] {strides = array<i32>} : memref<128xi32, #tpu.memory_space<vmem>>, vector<16xi32>,
      tpu.vector_store %arg9[%swap3A_116], %get3A_115 {strides = array<i32>} : memref<128xi32, #tpu.memory_space<vmem>>, vector<16xi32>,
      %add3A_118 = arith.constant 96 : i32
      %add3A_119 = arith.addi %mul3A_83, %add3A_118 : i32
      %get3A_120 = arith.index_cast %add3A_119 : i32 to index
      %get3A_121 = tpu.vector_load %arg8[%get3A_120] {strides = array<i32>} : memref<5120xi32, #tpu.memory_space<vmem>>, vector<16xi32>,
      %swap3A_122 = arith.constant 96 : index
      %swap3A_123 = tpu.vector_load %arg9[%swap3A_122] {strides = array<i32>} : memref<128xi32, #tpu.memory_space<vmem>>, vector<16xi32>,
      tpu.vector_store %arg9[%swap3A_122], %get3A_121 {strides = array<i32>} : memref<128xi32, #tpu.memory_space<vmem>>, vector<16xi32>,
      %add3A_124 = arith.constant 112 : i32
      %add3A_125 = arith.addi %mul3A_83, %add3A_124 : i32
      %get3A_126 = arith.index_cast %add3A_125 : i32 to index
      %get3A_127 = tpu.vector_load %arg8[%get3A_126] {strides = array<i32>} : memref<5120xi32, #tpu.memory_space<vmem>>, vector<16xi32>,
      %swap3A_128 = arith.constant 112 : index
      %swap3A_129 = tpu.vector_load %arg9[%swap3A_128] {strides = array<i32>} : memref<128xi32, #tpu.memory_space<vmem>>, vector<16xi32>,
      tpu.vector_store %arg9[%swap3A_128], %get3A_127 {strides = array<i32>} : memref<128xi32, #tpu.memory_space<vmem>>, vector<16xi32>,
      %dma_start3A_130 = arith.constant 0 : i32
      %dma_start3A_131 = arith.constant 0 : i32
      %dma_start3A_132 = tpu.memref_slice %arg25[%dma_start3A_130, %dma_start3A_131] : memref<10112x128xbf16, #tpu.memory_space<vmem_shared>> -> memref<10112x128xbf16, #tpu.memory_space<vmem_shared>>
      tpu.enqueue_indirect_dma source(%arg13 : memref<128x128xbf16, #tpu.memory_space<vmem>>) target(%dma_start3A_132 : memref<10112x128xbf16, #tpu.memory_space<vmem_shared>>) offsets(%arg9 : memref<128xi32, #tpu.memory_space<vmem>>) semaphore(%arg21 : memref<!tpu.dma_semaphore, #tpu.memory_space<semaphore_mem>>) {add = true}
      %ge3A = arith.constant 1 : i32
      %ge3A_133 = arith.cmpi sge, %scan3A_71, %ge3A : i32
      %convert_element_type3A = arith.extui %ge3A_133 : i1 to i32
      %cond3A = arith.constant 0 : i32
      %cond3A_134 = arith.cmpi ne, %convert_element_type3A, %cond3A : i32
      scf.if %cond3A_134 {
        %dma_wait3A_352 = arith.constant 0 : i32
        %dma_wait3A_353 = arith.constant 0 : i32
        %dma_wait3A_354 = tpu.memref_slice %arg25[%dma_wait3A_352, %dma_wait3A_353] : memref<10112x128xbf16, #tpu.memory_space<vmem_shared>> -> memref<10112x128xbf16, #tpu.memory_space<vmem_shared>>
        tpu.wait_indirect_dma semaphore(%arg23 : memref<!tpu.dma_semaphore, #tpu.memory_space<semaphore_mem>>) src(%arg15 : memref<128x128xbf16, #tpu.memory_space<vmem>>) dst(%dma_wait3A_354 : memref<10112x128xbf16, #tpu.memory_space<vmem_shared>>)
      } else {
      }
      %add3A_135 = arith.constant 2 : i32
      %add3A_136 = arith.addi %add3A_76, %add3A_135 : i32
      %mul3A_137 = arith.constant 128 : i32
      %mul3A_138 = arith.muli %add3A_136, %mul3A_137 : i32
      %dma_start3A_139 = tpu.memref_slice %arg7[%mul3A_138] : memref<5120xi32, #tpu.memory_space<vmem>> -> memref<128xi32, #tpu.memory_space<vmem>>
      %dma_start3A_140 = arith.constant 0 : i32
      %dma_start3A_141 = arith.constant 0 : i32
      %dma_start3A_142 = tpu.memref_slice %arg2[%dma_start3A_140, %dma_start3A_141] : memref<10240x128xbf16, #tpu.memory_space<hbm>> -> memref<10240x128xbf16, #tpu.memory_space<hbm>>
      tpu.enqueue_indirect_dma source(%dma_start3A_142 : memref<10240x128xbf16, #tpu.memory_space<hbm>>) target(%arg15 : memref<128x128xbf16, #tpu.memory_space<vmem>>) offsets(%dma_start3A_139 : memref<128xi32, #tpu.memory_space<vmem>>) semaphore(%arg19 : memref<!tpu.dma_semaphore, #tpu.memory_space<semaphore_mem>>)
      %mul3A_143 = arith.constant 4 : i32
      %mul3A_144 = arith.muli %mul3A_143, %scan3A_71 : i32
      %add3A_145 = arith.constant 1 : i32
      %add3A_146 = arith.addi %mul3A_144, %add3A_145 : i32
      %dma_wait3A_147 = arith.constant 0 : i32
      %dma_wait3A_148 = tpu.memref_slice %arg7[%dma_wait3A_147] : memref<5120xi32, #tpu.memory_space<vmem>> -> memref<128xi32, #tpu.memory_space<vmem>>
      %dma_wait3A_149 = arith.constant 0 : i32
      %dma_wait3A_150 = arith.constant 0 : i32
      %dma_wait3A_151 = tpu.memref_slice %arg2[%dma_wait3A_149, %dma_wait3A_150] : memref<10240x128xbf16, #tpu.memory_space<hbm>> -> memref<10240x128xbf16, #tpu.memory_space<hbm>>
      tpu.wait_indirect_dma semaphore(%arg18 : memref<!tpu.dma_semaphore, #tpu.memory_space<semaphore_mem>>) src(%dma_wait3A_151 : memref<10240x128xbf16, #tpu.memory_space<hbm>>) dst(%arg14 : memref<128x128xbf16, #tpu.memory_space<vmem>>)
      %mul3A_152 = arith.constant 128 : i32
      %mul3A_153 = arith.muli %add3A_146, %mul3A_152 : i32
      %add3A_154 = arith.constant 0 : i32
      %add3A_155 = arith.addi %mul3A_153, %add3A_154 : i32
      %get3A_156 = arith.index_cast %add3A_155 : i32 to index
      %get3A_157 = tpu.vector_load %arg8[%get3A_156] {strides = array<i32>} : memref<5120xi32, #tpu.memory_space<vmem>>, vector<16xi32>,
      %swap3A_158 = arith.constant 0 : index
      %swap3A_159 = tpu.vector_load %arg10[%swap3A_158] {strides = array<i32>} : memref<128xi32, #tpu.memory_space<vmem>>, vector<16xi32>,
      tpu.vector_store %arg10[%swap3A_158], %get3A_157 {strides = array<i32>} : memref<128xi32, #tpu.memory_space<vmem>>, vector<16xi32>,
      %add3A_160 = arith.constant 16 : i32
      %add3A_161 = arith.addi %mul3A_153, %add3A_160 : i32
      %get3A_162 = arith.index_cast %add3A_161 : i32 to index
      %get3A_163 = tpu.vector_load %arg8[%get3A_162] {strides = array<i32>} : memref<5120xi32, #tpu.memory_space<vmem>>, vector<16xi32>,
      %swap3A_164 = arith.constant 16 : index
      %swap3A_165 = tpu.vector_load %arg10[%swap3A_164] {strides = array<i32>} : memref<128xi32, #tpu.memory_space<vmem>>, vector<16xi32>,
      tpu.vector_store %arg10[%swap3A_164], %get3A_163 {strides = array<i32>} : memref<128xi32, #tpu.memory_space<vmem>>, vector<16xi32>,
      %add3A_166 = arith.constant 32 : i32
      %add3A_167 = arith.addi %mul3A_153, %add3A_166 : i32
      %get3A_168 = arith.index_cast %add3A_167 : i32 to index
      %get3A_169 = tpu.vector_load %arg8[%get3A_168] {strides = array<i32>} : memref<5120xi32, #tpu.memory_space<vmem>>, vector<16xi32>,
      %swap3A_170 = arith.constant 32 : index
      %swap3A_171 = tpu.vector_load %arg10[%swap3A_170] {strides = array<i32>} : memref<128xi32, #tpu.memory_space<vmem>>, vector<16xi32>,
      tpu.vector_store %arg10[%swap3A_170], %get3A_169 {strides = array<i32>} : memref<128xi32, #tpu.memory_space<vmem>>, vector<16xi32>,
      %add3A_172 = arith.constant 48 : i32
      %add3A_173 = arith.addi %mul3A_153, %add3A_172 : i32
      %get3A_174 = arith.index_cast %add3A_173 : i32 to index
      %get3A_175 = tpu.vector_load %arg8[%get3A_174] {strides = array<i32>} : memref<5120xi32, #tpu.memory_space<vmem>>, vector<16xi32>,
      %swap3A_176 = arith.constant 48 : index
      %swap3A_177 = tpu.vector_load %arg10[%swap3A_176] {strides = array<i32>} : memref<128xi32, #tpu.memory_space<vmem>>, vector<16xi32>,
      tpu.vector_store %arg10[%swap3A_176], %get3A_175 {strides = array<i32>} : memref<128xi32, #tpu.memory_space<vmem>>, vector<16xi32>,
      %add3A_178 = arith.constant 64 : i32
      %add3A_179 = arith.addi %mul3A_153, %add3A_178 : i32
      %get3A_180 = arith.index_cast %add3A_179 : i32 to index
      %get3A_181 = tpu.vector_load %arg8[%get3A_180] {strides = array<i32>} : memref<5120xi32, #tpu.memory_space<vmem>>, vector<16xi32>,
      %swap3A_182 = arith.constant 64 : index
      %swap3A_183 = tpu.vector_load %arg10[%swap3A_182] {strides = array<i32>} : memref<128xi32, #tpu.memory_space<vmem>>, vector<16xi32>,
      tpu.vector_store %arg10[%swap3A_182], %get3A_181 {strides = array<i32>} : memref<128xi32, #tpu.memory_space<vmem>>, vector<16xi32>,
      %add3A_184 = arith.constant 80 : i32
      %add3A_185 = arith.addi %mul3A_153, %add3A_184 : i32
      %get3A_186 = arith.index_cast %add3A_185 : i32 to index
      %get3A_187 = tpu.vector_load %arg8[%get3A_186] {strides = array<i32>} : memref<5120xi32, #tpu.memory_space<vmem>>, vector<16xi32>,
      %swap3A_188 = arith.constant 80 : index
      %swap3A_189 = tpu.vector_load %arg10[%swap3A_188] {strides = array<i32>} : memref<128xi32, #tpu.memory_space<vmem>>, vector<16xi32>,
      tpu.vector_store %arg10[%swap3A_188], %get3A_187 {strides = array<i32>} : memref<128xi32, #tpu.memory_space<vmem>>, vector<16xi32>,
      %add3A_190 = arith.constant 96 : i32
      %add3A_191 = arith.addi %mul3A_153, %add3A_190 : i32
      %get3A_192 = arith.index_cast %add3A_191 : i32 to index
      %get3A_193 = tpu.vector_load %arg8[%get3A_192] {strides = array<i32>} : memref<5120xi32, #tpu.memory_space<vmem>>, vector<16xi32>,
      %swap3A_194 = arith.constant 96 : index
      %swap3A_195 = tpu.vector_load %arg10[%swap3A_194] {strides = array<i32>} : memref<128xi32, #tpu.memory_space<vmem>>, vector<16xi32>,
      tpu.vector_store %arg10[%swap3A_194], %get3A_193 {strides = array<i32>} : memref<128xi32, #tpu.memory_space<vmem>>, vector<16xi32>,
      %add3A_196 = arith.constant 112 : i32
      %add3A_197 = arith.addi %mul3A_153, %add3A_196 : i32
      %get3A_198 = arith.index_cast %add3A_197 : i32 to index
      %get3A_199 = tpu.vector_load %arg8[%get3A_198] {strides = array<i32>} : memref<5120xi32, #tpu.memory_space<vmem>>, vector<16xi32>,
      %swap3A_200 = arith.constant 112 : index
      %swap3A_201 = tpu.vector_load %arg10[%swap3A_200] {strides = array<i32>} : memref<128xi32, #tpu.memory_space<vmem>>, vector<16xi32>,
      tpu.vector_store %arg10[%swap3A_200], %get3A_199 {strides = array<i32>} : memref<128xi32, #tpu.memory_space<vmem>>, vector<16xi32>,
      %dma_start3A_202 = arith.constant 0 : i32
      %dma_start3A_203 = arith.constant 0 : i32
      %dma_start3A_204 = tpu.memref_slice %arg25[%dma_start3A_202, %dma_start3A_203] : memref<10112x128xbf16, #tpu.memory_space<vmem_shared>> -> memref<10112x128xbf16, #tpu.memory_space<vmem_shared>>
      tpu.enqueue_indirect_dma source(%arg14 : memref<128x128xbf16, #tpu.memory_space<vmem>>) target(%dma_start3A_204 : memref<10112x128xbf16, #tpu.memory_space<vmem_shared>>) offsets(%arg10 : memref<128xi32, #tpu.memory_space<vmem>>) semaphore(%arg22 : memref<!tpu.dma_semaphore, #tpu.memory_space<semaphore_mem>>) {add = true}
      %ge3A_205 = arith.constant 1 : i32
      %ge3A_206 = arith.cmpi sge, %scan3A_71, %ge3A_205 : i32
      %convert_element_type3A_207 = arith.extui %ge3A_206 : i1 to i32
      %cond3A_208 = arith.constant 0 : i32
      %cond3A_209 = arith.cmpi ne, %convert_element_type3A_207, %cond3A_208 : i32
      scf.if %cond3A_209 {
        %dma_wait3A_352 = arith.constant 0 : i32
        %dma_wait3A_353 = arith.constant 0 : i32
        %dma_wait3A_354 = tpu.memref_slice %arg25[%dma_wait3A_352, %dma_wait3A_353] : memref<10112x128xbf16, #tpu.memory_space<vmem_shared>> -> memref<10112x128xbf16, #tpu.memory_space<vmem_shared>>
        tpu.wait_indirect_dma semaphore(%arg24 : memref<!tpu.dma_semaphore, #tpu.memory_space<semaphore_mem>>) src(%arg16 : memref<128x128xbf16, #tpu.memory_space<vmem>>) dst(%dma_wait3A_354 : memref<10112x128xbf16, #tpu.memory_space<vmem_shared>>)
      } else {
      }
      %add3A_210 = arith.constant 2 : i32
      %add3A_211 = arith.addi %add3A_146, %add3A_210 : i32
      %mul3A_212 = arith.constant 128 : i32
      %mul3A_213 = arith.muli %add3A_211, %mul3A_212 : i32
      %dma_start3A_214 = tpu.memref_slice %arg7[%mul3A_213] : memref<5120xi32, #tpu.memory_space<vmem>> -> memref<128xi32, #tpu.memory_space<vmem>>
      %dma_start3A_215 = arith.constant 0 : i32
      %dma_start3A_216 = arith.constant 0 : i32
      %dma_start3A_217 = tpu.memref_slice %arg2[%dma_start3A_215, %dma_start3A_216] : memref<10240x128xbf16, #tpu.memory_space<hbm>> -> memref<10240x128xbf16, #tpu.memory_space<hbm>>
      tpu.enqueue_indirect_dma source(%dma_start3A_217 : memref<10240x128xbf16, #tpu.memory_space<hbm>>) target(%arg16 : memref<128x128xbf16, #tpu.memory_space<vmem>>) offsets(%dma_start3A_214 : memref<128xi32, #tpu.memory_space<vmem>>) semaphore(%arg20 : memref<!tpu.dma_semaphore, #tpu.memory_space<semaphore_mem>>)
      %mul3A_218 = arith.constant 4 : i32
      %mul3A_219 = arith.muli %mul3A_218, %scan3A_71 : i32
      %add3A_220 = arith.constant 2 : i32
      %add3A_221 = arith.addi %mul3A_219, %add3A_220 : i32
      %dma_wait3A_222 = arith.constant 0 : i32
      %dma_wait3A_223 = tpu.memref_slice %arg7[%dma_wait3A_222] : memref<5120xi32, #tpu.memory_space<vmem>> -> memref<128xi32, #tpu.memory_space<vmem>>
      %dma_wait3A_224 = arith.constant 0 : i32
      %dma_wait3A_225 = arith.constant 0 : i32
      %dma_wait3A_226 = tpu.memref_slice %arg2[%dma_wait3A_224, %dma_wait3A_225] : memref<10240x128xbf16, #tpu.memory_space<hbm>> -> memref<10240x128xbf16, #tpu.memory_space<hbm>>
      tpu.wait_indirect_dma semaphore(%arg19 : memref<!tpu.dma_semaphore, #tpu.memory_space<semaphore_mem>>) src(%dma_wait3A_226 : memref<10240x128xbf16, #tpu.memory_space<hbm>>) dst(%arg15 : memref<128x128xbf16, #tpu.memory_space<vmem>>)
      %mul3A_227 = arith.constant 128 : i32
      %mul3A_228 = arith.muli %add3A_221, %mul3A_227 : i32
      %add3A_229 = arith.constant 0 : i32
      %add3A_230 = arith.addi %mul3A_228, %add3A_229 : i32
      %get3A_231 = arith.index_cast %add3A_230 : i32 to index
      %get3A_232 = tpu.vector_load %arg8[%get3A_231] {strides = array<i32>} : memref<5120xi32, #tpu.memory_space<vmem>>, vector<16xi32>,
      %swap3A_233 = arith.constant 0 : index
      %swap3A_234 = tpu.vector_load %arg11[%swap3A_233] {strides = array<i32>} : memref<128xi32, #tpu.memory_space<vmem>>, vector<16xi32>,
      tpu.vector_store %arg11[%swap3A_233], %get3A_232 {strides = array<i32>} : memref<128xi32, #tpu.memory_space<vmem>>, vector<16xi32>,
      %add3A_235 = arith.constant 16 : i32
      %add3A_236 = arith.addi %mul3A_228, %add3A_235 : i32
      %get3A_237 = arith.index_cast %add3A_236 : i32 to index
      %get3A_238 = tpu.vector_load %arg8[%get3A_237] {strides = array<i32>} : memref<5120xi32, #tpu.memory_space<vmem>>, vector<16xi32>,
      %swap3A_239 = arith.constant 16 : index
      %swap3A_240 = tpu.vector_load %arg11[%swap3A_239] {strides = array<i32>} : memref<128xi32, #tpu.memory_space<vmem>>, vector<16xi32>,
      tpu.vector_store %arg11[%swap3A_239], %get3A_238 {strides = array<i32>} : memref<128xi32, #tpu.memory_space<vmem>>, vector<16xi32>,
      %add3A_241 = arith.constant 32 : i32
      %add3A_242 = arith.addi %mul3A_228, %add3A_241 : i32
      %get3A_243 = arith.index_cast %add3A_242 : i32 to index
      %get3A_244 = tpu.vector_load %arg8[%get3A_243] {strides = array<i32>} : memref<5120xi32, #tpu.memory_space<vmem>>, vector<16xi32>,
      %swap3A_245 = arith.constant 32 : index
      %swap3A_246 = tpu.vector_load %arg11[%swap3A_245] {strides = array<i32>} : memref<128xi32, #tpu.memory_space<vmem>>, vector<16xi32>,
      tpu.vector_store %arg11[%swap3A_245], %get3A_244 {strides = array<i32>} : memref<128xi32, #tpu.memory_space<vmem>>, vector<16xi32>,
      %add3A_247 = arith.constant 48 : i32
      %add3A_248 = arith.addi %mul3A_228, %add3A_247 : i32
      %get3A_249 = arith.index_cast %add3A_248 : i32 to index
      %get3A_250 = tpu.vector_load %arg8[%get3A_249] {strides = array<i32>} : memref<5120xi32, #tpu.memory_space<vmem>>, vector<16xi32>,
      %swap3A_251 = arith.constant 48 : index
      %swap3A_252 = tpu.vector_load %arg11[%swap3A_251] {strides = array<i32>} : memref<128xi32, #tpu.memory_space<vmem>>, vector<16xi32>,
      tpu.vector_store %arg11[%swap3A_251], %get3A_250 {strides = array<i32>} : memref<128xi32, #tpu.memory_space<vmem>>, vector<16xi32>,
      %add3A_253 = arith.constant 64 : i32
      %add3A_254 = arith.addi %mul3A_228, %add3A_253 : i32
      %get3A_255 = arith.index_cast %add3A_254 : i32 to index
      %get3A_256 = tpu.vector_load %arg8[%get3A_255] {strides = array<i32>} : memref<5120xi32, #tpu.memory_space<vmem>>, vector<16xi32>,
      %swap3A_257 = arith.constant 64 : index
      %swap3A_258 = tpu.vector_load %arg11[%swap3A_257] {strides = array<i32>} : memref<128xi32, #tpu.memory_space<vmem>>, vector<16xi32>,
      tpu.vector_store %arg11[%swap3A_257], %get3A_256 {strides = array<i32>} : memref<128xi32, #tpu.memory_space<vmem>>, vector<16xi32>,
      %add3A_259 = arith.constant 80 : i32
      %add3A_260 = arith.addi %mul3A_228, %add3A_259 : i32
      %get3A_261 = arith.index_cast %add3A_260 : i32 to index
      %get3A_262 = tpu.vector_load %arg8[%get3A_261] {strides = array<i32>} : memref<5120xi32, #tpu.memory_space<vmem>>, vector<16xi32>,
      %swap3A_263 = arith.constant 80 : index
      %swap3A_264 = tpu.vector_load %arg11[%swap3A_263] {strides = array<i32>} : memref<128xi32, #tpu.memory_space<vmem>>, vector<16xi32>,
      tpu.vector_store %arg11[%swap3A_263], %get3A_262 {strides = array<i32>} : memref<128xi32, #tpu.memory_space<vmem>>, vector<16xi32>,
      %add3A_265 = arith.constant 96 : i32
      %add3A_266 = arith.addi %mul3A_228, %add3A_265 : i32
      %get3A_267 = arith.index_cast %add3A_266 : i32 to index
      %get3A_268 = tpu.vector_load %arg8[%get3A_267] {strides = array<i32>} : memref<5120xi32, #tpu.memory_space<vmem>>, vector<16xi32>,
      %swap3A_269 = arith.constant 96 : index
      %swap3A_270 = tpu.vector_load %arg11[%swap3A_269] {strides = array<i32>} : memref<128xi32, #tpu.memory_space<vmem>>, vector<16xi32>,
      tpu.vector_store %arg11[%swap3A_269], %get3A_268 {strides = array<i32>} : memref<128xi32, #tpu.memory_space<vmem>>, vector<16xi32>,
      %add3A_271 = arith.constant 112 : i32
      %add3A_272 = arith.addi %mul3A_228, %add3A_271 : i32
      %get3A_273 = arith.index_cast %add3A_272 : i32 to index
      %get3A_274 = tpu.vector_load %arg8[%get3A_273] {strides = array<i32>} : memref<5120xi32, #tpu.memory_space<vmem>>, vector<16xi32>,
      %swap3A_275 = arith.constant 112 : index
      %swap3A_276 = tpu.vector_load %arg11[%swap3A_275] {strides = array<i32>} : memref<128xi32, #tpu.memory_space<vmem>>, vector<16xi32>,
      tpu.vector_store %arg11[%swap3A_275], %get3A_274 {strides = array<i32>} : memref<128xi32, #tpu.memory_space<vmem>>, vector<16xi32>,
      %dma_start3A_277 = arith.constant 0 : i32
      %dma_start3A_278 = arith.constant 0 : i32
      %dma_start3A_279 = tpu.memref_slice %arg25[%dma_start3A_277, %dma_start3A_278] : memref<10112x128xbf16, #tpu.memory_space<vmem_shared>> -> memref<10112x128xbf16, #tpu.memory_space<vmem_shared>>
      tpu.enqueue_indirect_dma source(%arg15 : memref<128x128xbf16, #tpu.memory_space<vmem>>) target(%dma_start3A_279 : memref<10112x128xbf16, #tpu.memory_space<vmem_shared>>) offsets(%arg11 : memref<128xi32, #tpu.memory_space<vmem>>) semaphore(%arg23 : memref<!tpu.dma_semaphore, #tpu.memory_space<semaphore_mem>>) {add = true}
      %lt3A = arith.constant 9 : i32
      %lt3A_280 = arith.cmpi slt, %scan3A_71, %lt3A : i32
      %convert_element_type3A_281 = arith.extui %lt3A_280 : i1 to i32
      %cond3A_282 = arith.constant 0 : i32
      %cond3A_283 = arith.cmpi ne, %convert_element_type3A_281, %cond3A_282 : i32
      scf.if %cond3A_283 {
        %dma_wait3A_352 = arith.constant 0 : i32
        %dma_wait3A_353 = arith.constant 0 : i32
        %dma_wait3A_354 = tpu.memref_slice %arg25[%dma_wait3A_352, %dma_wait3A_353] : memref<10112x128xbf16, #tpu.memory_space<vmem_shared>> -> memref<10112x128xbf16, #tpu.memory_space<vmem_shared>>
        tpu.wait_indirect_dma semaphore(%arg21 : memref<!tpu.dma_semaphore, #tpu.memory_space<semaphore_mem>>) src(%arg13 : memref<128x128xbf16, #tpu.memory_space<vmem>>) dst(%dma_wait3A_354 : memref<10112x128xbf16, #tpu.memory_space<vmem_shared>>)
        %add3A_355 = arith.constant 2 : i32
        %add3A_356 = arith.addi %add3A_221, %add3A_355 : i32
        %mul3A_357 = arith.constant 128 : i32
        %mul3A_358 = arith.muli %add3A_356, %mul3A_357 : i32
        %dma_start3A_359 = tpu.memref_slice %arg7[%mul3A_358] : memref<5120xi32, #tpu.memory_space<vmem>> -> memref<128xi32, #tpu.memory_space<vmem>>
        %dma_start3A_360 = arith.constant 0 : i32
        %dma_start3A_361 = arith.constant 0 : i32
        %dma_start3A_362 = tpu.memref_slice %arg2[%dma_start3A_360, %dma_start3A_361] : memref<10240x128xbf16, #tpu.memory_space<hbm>> -> memref<10240x128xbf16, #tpu.memory_space<hbm>>
        tpu.enqueue_indirect_dma source(%dma_start3A_362 : memref<10240x128xbf16, #tpu.memory_space<hbm>>) target(%arg13 : memref<128x128xbf16, #tpu.memory_space<vmem>>) offsets(%dma_start3A_359 : memref<128xi32, #tpu.memory_space<vmem>>) semaphore(%arg17 : memref<!tpu.dma_semaphore, #tpu.memory_space<semaphore_mem>>)
      } else {
      }
      %mul3A_284 = arith.constant 4 : i32
      %mul3A_285 = arith.muli %mul3A_284, %scan3A_71 : i32
      %add3A_286 = arith.constant 3 : i32
      %add3A_287 = arith.addi %mul3A_285, %add3A_286 : i32
      %dma_wait3A_288 = arith.constant 0 : i32
      %dma_wait3A_289 = tpu.memref_slice %arg7[%dma_wait3A_288] : memref<5120xi32, #tpu.memory_space<vmem>> -> memref<128xi32, #tpu.memory_space<vmem>>
      %dma_wait3A_290 = arith.constant 0 : i32
      %dma_wait3A_291 = arith.constant 0 : i32
      %dma_wait3A_292 = tpu.memref_slice %arg2[%dma_wait3A_290, %dma_wait3A_291] : memref<10240x128xbf16, #tpu.memory_space<hbm>> -> memref<10240x128xbf16, #tpu.memory_space<hbm>>
      tpu.wait_indirect_dma semaphore(%arg20 : memref<!tpu.dma_semaphore, #tpu.memory_space<semaphore_mem>>) src(%dma_wait3A_292 : memref<10240x128xbf16, #tpu.memory_space<hbm>>) dst(%arg16 : memref<128x128xbf16, #tpu.memory_space<vmem>>)
      %mul3A_293 = arith.constant 128 : i32
      %mul3A_294 = arith.muli %add3A_287, %mul3A_293 : i32
      %add3A_295 = arith.constant 0 : i32
      %add3A_296 = arith.addi %mul3A_294, %add3A_295 : i32
      %get3A_297 = arith.index_cast %add3A_296 : i32 to index
      %get3A_298 = tpu.vector_load %arg8[%get3A_297] {strides = array<i32>} : memref<5120xi32, #tpu.memory_space<vmem>>, vector<16xi32>,
      %swap3A_299 = arith.constant 0 : index
      %swap3A_300 = tpu.vector_load %arg12[%swap3A_299] {strides = array<i32>} : memref<128xi32, #tpu.memory_space<vmem>>, vector<16xi32>,
      tpu.vector_store %arg12[%swap3A_299], %get3A_298 {strides = array<i32>} : memref<128xi32, #tpu.memory_space<vmem>>, vector<16xi32>,
      %add3A_301 = arith.constant 16 : i32
      %add3A_302 = arith.addi %mul3A_294, %add3A_301 : i32
      %get3A_303 = arith.index_cast %add3A_302 : i32 to index
      %get3A_304 = tpu.vector_load %arg8[%get3A_303] {strides = array<i32>} : memref<5120xi32, #tpu.memory_space<vmem>>, vector<16xi32>,
      %swap3A_305 = arith.constant 16 : index
      %swap3A_306 = tpu.vector_load %arg12[%swap3A_305] {strides = array<i32>} : memref<128xi32, #tpu.memory_space<vmem>>, vector<16xi32>,
      tpu.vector_store %arg12[%swap3A_305], %get3A_304 {strides = array<i32>} : memref<128xi32, #tpu.memory_space<vmem>>, vector<16xi32>,
      %add3A_307 = arith.constant 32 : i32
      %add3A_308 = arith.addi %mul3A_294, %add3A_307 : i32
      %get3A_309 = arith.index_cast %add3A_308 : i32 to index
      %get3A_310 = tpu.vector_load %arg8[%get3A_309] {strides = array<i32>} : memref<5120xi32, #tpu.memory_space<vmem>>, vector<16xi32>,
      %swap3A_311 = arith.constant 32 : index
      %swap3A_312 = tpu.vector_load %arg12[%swap3A_311] {strides = array<i32>} : memref<128xi32, #tpu.memory_space<vmem>>, vector<16xi32>,
      tpu.vector_store %arg12[%swap3A_311], %get3A_310 {strides = array<i32>} : memref<128xi32, #tpu.memory_space<vmem>>, vector<16xi32>,
      %add3A_313 = arith.constant 48 : i32
      %add3A_314 = arith.addi %mul3A_294, %add3A_313 : i32
      %get3A_315 = arith.index_cast %add3A_314 : i32 to index
      %get3A_316 = tpu.vector_load %arg8[%get3A_315] {strides = array<i32>} : memref<5120xi32, #tpu.memory_space<vmem>>, vector<16xi32>,
      %swap3A_317 = arith.constant 48 : index
      %swap3A_318 = tpu.vector_load %arg12[%swap3A_317] {strides = array<i32>} : memref<128xi32, #tpu.memory_space<vmem>>, vector<16xi32>,
      tpu.vector_store %arg12[%swap3A_317], %get3A_316 {strides = array<i32>} : memref<128xi32, #tpu.memory_space<vmem>>, vector<16xi32>,
      %add3A_319 = arith.constant 64 : i32
      %add3A_320 = arith.addi %mul3A_294, %add3A_319 : i32
      %get3A_321 = arith.index_cast %add3A_320 : i32 to index
      %get3A_322 = tpu.vector_load %arg8[%get3A_321] {strides = array<i32>} : memref<5120xi32, #tpu.memory_space<vmem>>, vector<16xi32>,
      %swap3A_323 = arith.constant 64 : index
      %swap3A_324 = tpu.vector_load %arg12[%swap3A_323] {strides = array<i32>} : memref<128xi32, #tpu.memory_space<vmem>>, vector<16xi32>,
      tpu.vector_store %arg12[%swap3A_323], %get3A_322 {strides = array<i32>} : memref<128xi32, #tpu.memory_space<vmem>>, vector<16xi32>,
      %add3A_325 = arith.constant 80 : i32
      %add3A_326 = arith.addi %mul3A_294, %add3A_325 : i32
      %get3A_327 = arith.index_cast %add3A_326 : i32 to index
      %get3A_328 = tpu.vector_load %arg8[%get3A_327] {strides = array<i32>} : memref<5120xi32, #tpu.memory_space<vmem>>, vector<16xi32>,
      %swap3A_329 = arith.constant 80 : index
      %swap3A_330 = tpu.vector_load %arg12[%swap3A_329] {strides = array<i32>} : memref<128xi32, #tpu.memory_space<vmem>>, vector<16xi32>,
      tpu.vector_store %arg12[%swap3A_329], %get3A_328 {strides = array<i32>} : memref<128xi32, #tpu.memory_space<vmem>>, vector<16xi32>,
      %add3A_331 = arith.constant 96 : i32
      %add3A_332 = arith.addi %mul3A_294, %add3A_331 : i32
      %get3A_333 = arith.index_cast %add3A_332 : i32 to index
      %get3A_334 = tpu.vector_load %arg8[%get3A_333] {strides = array<i32>} : memref<5120xi32, #tpu.memory_space<vmem>>, vector<16xi32>,
      %swap3A_335 = arith.constant 96 : index
      %swap3A_336 = tpu.vector_load %arg12[%swap3A_335] {strides = array<i32>} : memref<128xi32, #tpu.memory_space<vmem>>, vector<16xi32>,
      tpu.vector_store %arg12[%swap3A_335], %get3A_334 {strides = array<i32>} : memref<128xi32, #tpu.memory_space<vmem>>, vector<16xi32>,
      %add3A_337 = arith.constant 112 : i32
      %add3A_338 = arith.addi %mul3A_294, %add3A_337 : i32
      %get3A_339 = arith.index_cast %add3A_338 : i32 to index
      %get3A_340 = tpu.vector_load %arg8[%get3A_339] {strides = array<i32>} : memref<5120xi32, #tpu.memory_space<vmem>>, vector<16xi32>,
      %swap3A_341 = arith.constant 112 : index
      %swap3A_342 = tpu.vector_load %arg12[%swap3A_341] {strides = array<i32>} : memref<128xi32, #tpu.memory_space<vmem>>, vector<16xi32>,
      tpu.vector_store %arg12[%swap3A_341], %get3A_340 {strides = array<i32>} : memref<128xi32, #tpu.memory_space<vmem>>, vector<16xi32>,
      %dma_start3A_343 = arith.constant 0 : i32
      %dma_start3A_344 = arith.constant 0 : i32
      %dma_start3A_345 = tpu.memref_slice %arg25[%dma_start3A_343, %dma_start3A_344] : memref<10112x128xbf16, #tpu.memory_space<vmem_shared>> -> memref<10112x128xbf16, #tpu.memory_space<vmem_shared>>
      tpu.enqueue_indirect_dma source(%arg16 : memref<128x128xbf16, #tpu.memory_space<vmem>>) target(%dma_start3A_345 : memref<10112x128xbf16, #tpu.memory_space<vmem_shared>>) offsets(%arg12 : memref<128xi32, #tpu.memory_space<vmem>>) semaphore(%arg24 : memref<!tpu.dma_semaphore, #tpu.memory_space<semaphore_mem>>) {add = true}
      %lt3A_346 = arith.constant 9 : i32
      %lt3A_347 = arith.cmpi slt, %scan3A_71, %lt3A_346 : i32
      %convert_element_type3A_348 = arith.extui %lt3A_347 : i1 to i32
      %cond3A_349 = arith.constant 0 : i32
      %cond3A_350 = arith.cmpi ne, %convert_element_type3A_348, %cond3A_349 : i32
      scf.if %cond3A_350 {
        %dma_wait3A_352 = arith.constant 0 : i32
        %dma_wait3A_353 = arith.constant 0 : i32
        %dma_wait3A_354 = tpu.memref_slice %arg25[%dma_wait3A_352, %dma_wait3A_353] : memref<10112x128xbf16, #tpu.memory_space<vmem_shared>> -> memref<10112x128xbf16, #tpu.memory_space<vmem_shared>>
        tpu.wait_indirect_dma semaphore(%arg22 : memref<!tpu.dma_semaphore, #tpu.memory_space<semaphore_mem>>) src(%arg14 : memref<128x128xbf16, #tpu.memory_space<vmem>>) dst(%dma_wait3A_354 : memref<10112x128xbf16, #tpu.memory_space<vmem_shared>>)
        %add3A_355 = arith.constant 2 : i32
        %add3A_356 = arith.addi %add3A_287, %add3A_355 : i32
        %mul3A_357 = arith.constant 128 : i32
        %mul3A_358 = arith.muli %add3A_356, %mul3A_357 : i32
        %dma_start3A_359 = tpu.memref_slice %arg7[%mul3A_358] : memref<5120xi32, #tpu.memory_space<vmem>> -> memref<128xi32, #tpu.memory_space<vmem>>
        %dma_start3A_360 = arith.constant 0 : i32
        %dma_start3A_361 = arith.constant 0 : i32
        %dma_start3A_362 = tpu.memref_slice %arg2[%dma_start3A_360, %dma_start3A_361] : memref<10240x128xbf16, #tpu.memory_space<hbm>> -> memref<10240x128xbf16, #tpu.memory_space<hbm>>
        tpu.enqueue_indirect_dma source(%dma_start3A_362 : memref<10240x128xbf16, #tpu.memory_space<hbm>>) target(%arg14 : memref<128x128xbf16, #tpu.memory_space<vmem>>) offsets(%dma_start3A_359 : memref<128xi32, #tpu.memory_space<vmem>>) semaphore(%arg18 : memref<!tpu.dma_semaphore, #tpu.memory_space<semaphore_mem>>)
      } else {
      }
      %scan3A_351 = arith.constant 0 : i32
      scf.yield %scan3A_351 : i32
    }
    %scan3A_21 = arith.constant 10 : i32
    %dma_wait3A = arith.constant 0 : i32
    %dma_wait3A_22 = arith.constant 0 : i32
    %dma_wait3A_23 = tpu.memref_slice %arg25[%dma_wait3A, %dma_wait3A_22] : memref<10112x128xbf16, #tpu.memory_space<vmem_shared>> -> memref<10112x128xbf16, #tpu.memory_space<vmem_shared>>
    tpu.wait_indirect_dma semaphore(%arg21 : memref<!tpu.dma_semaphore, #tpu.memory_space<semaphore_mem>>) src(%arg13 : memref<128x128xbf16, #tpu.memory_space<vmem>>) dst(%dma_wait3A_23 : memref<10112x128xbf16, #tpu.memory_space<vmem_shared>>)
    %dma_wait3A_24 = arith.constant 0 : i32
    %dma_wait3A_25 = arith.constant 0 : i32
    %dma_wait3A_26 = tpu.memref_slice %arg25[%dma_wait3A_24, %dma_wait3A_25] : memref<10112x128xbf16, #tpu.memory_space<vmem_shared>> -> memref<10112x128xbf16, #tpu.memory_space<vmem_shared>>
    tpu.wait_indirect_dma semaphore(%arg22 : memref<!tpu.dma_semaphore, #tpu.memory_space<semaphore_mem>>) src(%arg14 : memref<128x128xbf16, #tpu.memory_space<vmem>>) dst(%dma_wait3A_26 : memref<10112x128xbf16, #tpu.memory_space<vmem_shared>>)
    %dma_wait3A_27 = arith.constant 0 : i32
    %dma_wait3A_28 = arith.constant 0 : i32
    %dma_wait3A_29 = tpu.memref_slice %arg25[%dma_wait3A_27, %dma_wait3A_28] : memref<10112x128xbf16, #tpu.memory_space<vmem_shared>> -> memref<10112x128xbf16, #tpu.memory_space<vmem_shared>>
    tpu.wait_indirect_dma semaphore(%arg23 : memref<!tpu.dma_semaphore, #tpu.memory_space<semaphore_mem>>) src(%arg15 : memref<128x128xbf16, #tpu.memory_space<vmem>>) dst(%dma_wait3A_29 : memref<10112x128xbf16, #tpu.memory_space<vmem_shared>>)
    %dma_wait3A_30 = arith.constant 0 : i32
    %dma_wait3A_31 = arith.constant 0 : i32
    %dma_wait3A_32 = tpu.memref_slice %arg25[%dma_wait3A_30, %dma_wait3A_31] : memref<10112x128xbf16, #tpu.memory_space<vmem_shared>> -> memref<10112x128xbf16, #tpu.memory_space<vmem_shared>>
    tpu.wait_indirect_dma semaphore(%arg24 : memref<!tpu.dma_semaphore, #tpu.memory_space<semaphore_mem>>) src(%arg16 : memref<128x128xbf16, #tpu.memory_space<vmem>>) dst(%dma_wait3A_32 : memref<10112x128xbf16, #tpu.memory_space<vmem_shared>>)
    %mul3A_33 = arith.constant 10240 : i32
    %mul3A_34 = arith.muli %add3A, %mul3A_33 : i32
    %add3A_35 = arith.constant 5120 : i32
    %add3A_36 = arith.addi %mul3A_34, %add3A_35 : i32
    "tpu.region"() ({
      %run_scoped3A = tpu.sem_alloc : memref<!tpu.dma_semaphore, #tpu.memory_space<semaphore_mem>>
      %dma_start3A_71 = tpu.memref_slice %arg3[%add3A_36] : memref<327680xi32, #tpu.memory_space<hbm>> -> memref<5120xi32, #tpu.memory_space<hbm>>
      %dma_start3A_72 = tpu.memref_slice %arg3[%add3A_36] : memref<327680xi32, #tpu.memory_space<hbm>> -> memref<5120xi32, #tpu.memory_space<hbm>>
      tpu.enqueue_dma source(%dma_start3A_72 : memref<5120xi32, #tpu.memory_space<hbm>>) target(%arg7 : memref<5120xi32, #tpu.memory_space<vmem>>) target_semaphore(%run_scoped3A : memref<!tpu.dma_semaphore, #tpu.memory_space<semaphore_mem>>)
      %dma_wait3A_73 = tpu.memref_slice %arg3[%add3A_36] : memref<327680xi32, #tpu.memory_space<hbm>> -> memref<5120xi32, #tpu.memory_space<hbm>>
      %dma_wait3A_74 = tpu.memref_slice %arg3[%add3A_36] : memref<327680xi32, #tpu.memory_space<hbm>> -> memref<5120xi32, #tpu.memory_space<hbm>>
      tpu.wait_dma2 semaphore(%run_scoped3A : memref<!tpu.dma_semaphore, #tpu.memory_space<semaphore_mem>>) src(%dma_wait3A_74 : memref<5120xi32, #tpu.memory_space<hbm>>) dst(%arg7 : memref<5120xi32, #tpu.memory_space<vmem>>)
      tpu.yield
    }) : () -> ()
    "tpu.region"() ({
      %run_scoped3A = tpu.sem_alloc : memref<!tpu.dma_semaphore, #tpu.memory_space<semaphore_mem>>
      %dma_start3A_71 = tpu.memref_slice %arg4[%add3A_36] : memref<327680xi32, #tpu.memory_space<hbm>> -> memref<5120xi32, #tpu.memory_space<hbm>>
      %dma_start3A_72 = tpu.memref_slice %arg4[%add3A_36] : memref<327680xi32, #tpu.memory_space<hbm>> -> memref<5120xi32, #tpu.memory_space<hbm>>
      tpu.enqueue_dma source(%dma_start3A_72 : memref<5120xi32, #tpu.memory_space<hbm>>) target(%arg8 : memref<5120xi32, #tpu.memory_space<vmem>>) target_semaphore(%run_scoped3A : memref<!tpu.dma_semaphore, #tpu.memory_space<semaphore_mem>>)
      %dma_wait3A_73 = tpu.memref_slice %arg4[%add3A_36] : memref<327680xi32, #tpu.memory_space<hbm>> -> memref<5120xi32, #tpu.memory_space<hbm>>
      %dma_wait3A_74 = tpu.memref_slice %arg4[%add3A_36] : memref<327680xi32, #tpu.memory_space<hbm>> -> memref<5120xi32, #tpu.memory_space<hbm>>
      tpu.wait_dma2 semaphore(%run_scoped3A : memref<!tpu.dma_semaphore, #tpu.memory_space<semaphore_mem>>) src(%dma_wait3A_74 : memref<5120xi32, #tpu.memory_space<hbm>>) dst(%arg8 : memref<5120xi32, #tpu.memory_space<vmem>>)
      tpu.yield
    }) : () -> ()
    %dma_start3A_37 = arith.constant 0 : i32
    %dma_start3A_38 = tpu.memref_slice %arg7[%dma_start3A_37] : memref<5120xi32, #tpu.memory_space<vmem>> -> memref<128xi32, #tpu.memory_space<vmem>>
    %dma_start3A_39 = arith.constant 0 : i32
    %dma_start3A_40 = arith.constant 0 : i32
    %dma_start3A_41 = tpu.memref_slice %arg2[%dma_start3A_39, %dma_start3A_40] : memref<10240x128xbf16, #tpu.memory_space<hbm>> -> memref<10240x128xbf16, #tpu.memory_space<hbm>>
    tpu.enqueue_indirect_dma source(%dma_start3A_41 : memref<10240x128xbf16, #tpu.memory_space<hbm>>) target(%arg13 : memref<128x128xbf16, #tpu.memory_space<vmem>>) offsets(%dma_start3A_38 : memref<128xi32, #tpu.memory_space<vmem>>) semaphore(%arg17 : memref<!tpu.dma_semaphore, #tpu.memory_space<semaphore_mem>>)
    %dma_start3A_42 = arith.constant 128 : i32
    %dma_start3A_43 = tpu.memref_slice %arg7[%dma_start3A_42] : memref<5120xi32, #tpu.memory_space<vmem>> -> memref<128xi32, #tpu.memory_space<vmem>>
    %dma_start3A_44 = arith.constant 0 : i32
    %dma_start3A_45 = arith.constant 0 : i32
    %dma_start3A_46 = tpu.memref_slice %arg2[%dma_start3A_44, %dma_start3A_45] : memref<10240x128xbf16, #tpu.memory_space<hbm>> -> memref<10240x128xbf16, #tpu.memory_space<hbm>>
    tpu.enqueue_indirect_dma source(%dma_start3A_46 : memref<10240x128xbf16, #tpu.memory_space<hbm>>) target(%arg14 : memref<128x128xbf16, #tpu.memory_space<vmem>>) offsets(%dma_start3A_43 : memref<128xi32, #tpu.memory_space<vmem>>) semaphore(%arg18 : memref<!tpu.dma_semaphore, #tpu.memory_space<semaphore_mem>>)
    %scan3A_47 = arith.constant 0 : i32
    %scan3A_48 = arith.constant 0 : i32
    %scan3A_49 = arith.constant 10 : i32
    %scan3A_50 = arith.addi %scan3A_48, %scan3A_49 : i32
    %scan3A_51 = arith.constant 1 : i32
    %scan3A_52 = scf.for %scan3A_71 = %scan3A_48 to %scan3A_50 step %scan3A_51 iter_args(%scan3A_72 = %scan3A_47) -> (i32)  : i32 {
      %mul3A_73 = arith.constant 4 : i32
      %mul3A_74 = arith.muli %mul3A_73, %scan3A_71 : i32
      %add3A_75 = arith.constant 0 : i32
      %add3A_76 = arith.addi %mul3A_74, %add3A_75 : i32
      %dma_wait3A_77 = arith.constant 0 : i32
      %dma_wait3A_78 = tpu.memref_slice %arg7[%dma_wait3A_77] : memref<5120xi32, #tpu.memory_space<vmem>> -> memref<128xi32, #tpu.memory_space<vmem>>
      %dma_wait3A_79 = arith.constant 0 : i32
      %dma_wait3A_80 = arith.constant 0 : i32
      %dma_wait3A_81 = tpu.memref_slice %arg2[%dma_wait3A_79, %dma_wait3A_80] : memref<10240x128xbf16, #tpu.memory_space<hbm>> -> memref<10240x128xbf16, #tpu.memory_space<hbm>>
      tpu.wait_indirect_dma semaphore(%arg17 : memref<!tpu.dma_semaphore, #tpu.memory_space<semaphore_mem>>) src(%dma_wait3A_81 : memref<10240x128xbf16, #tpu.memory_space<hbm>>) dst(%arg13 : memref<128x128xbf16, #tpu.memory_space<vmem>>)
      %mul3A_82 = arith.constant 128 : i32
      %mul3A_83 = arith.muli %add3A_76, %mul3A_82 : i32
      %add3A_84 = arith.constant 0 : i32
      %add3A_85 = arith.addi %mul3A_83, %add3A_84 : i32
      %get3A = arith.index_cast %add3A_85 : i32 to index
      %get3A_86 = tpu.vector_load %arg8[%get3A] {strides = array<i32>} : memref<5120xi32, #tpu.memory_space<vmem>>, vector<16xi32>,
      %swap3A = arith.constant 0 : index
      %swap3A_87 = tpu.vector_load %arg9[%swap3A] {strides = array<i32>} : memref<128xi32, #tpu.memory_space<vmem>>, vector<16xi32>,
      tpu.vector_store %arg9[%swap3A], %get3A_86 {strides = array<i32>} : memref<128xi32, #tpu.memory_space<vmem>>, vector<16xi32>,
      %add3A_88 = arith.constant 16 : i32
      %add3A_89 = arith.addi %mul3A_83, %add3A_88 : i32
      %get3A_90 = arith.index_cast %add3A_89 : i32 to index
      %get3A_91 = tpu.vector_load %arg8[%get3A_90] {strides = array<i32>} : memref<5120xi32, #tpu.memory_space<vmem>>, vector<16xi32>,
      %swap3A_92 = arith.constant 16 : index
      %swap3A_93 = tpu.vector_load %arg9[%swap3A_92] {strides = array<i32>} : memref<128xi32, #tpu.memory_space<vmem>>, vector<16xi32>,
      tpu.vector_store %arg9[%swap3A_92], %get3A_91 {strides = array<i32>} : memref<128xi32, #tpu.memory_space<vmem>>, vector<16xi32>,
      %add3A_94 = arith.constant 32 : i32
      %add3A_95 = arith.addi %mul3A_83, %add3A_94 : i32
      %get3A_96 = arith.index_cast %add3A_95 : i32 to index
      %get3A_97 = tpu.vector_load %arg8[%get3A_96] {strides = array<i32>} : memref<5120xi32, #tpu.memory_space<vmem>>, vector<16xi32>,
      %swap3A_98 = arith.constant 32 : index
      %swap3A_99 = tpu.vector_load %arg9[%swap3A_98] {strides = array<i32>} : memref<128xi32, #tpu.memory_space<vmem>>, vector<16xi32>,
      tpu.vector_store %arg9[%swap3A_98], %get3A_97 {strides = array<i32>} : memref<128xi32, #tpu.memory_space<vmem>>, vector<16xi32>,
      %add3A_100 = arith.constant 48 : i32
      %add3A_101 = arith.addi %mul3A_83, %add3A_100 : i32
      %get3A_102 = arith.index_cast %add3A_101 : i32 to index
      %get3A_103 = tpu.vector_load %arg8[%get3A_102] {strides = array<i32>} : memref<5120xi32, #tpu.memory_space<vmem>>, vector<16xi32>,
      %swap3A_104 = arith.constant 48 : index
      %swap3A_105 = tpu.vector_load %arg9[%swap3A_104] {strides = array<i32>} : memref<128xi32, #tpu.memory_space<vmem>>, vector<16xi32>,
      tpu.vector_store %arg9[%swap3A_104], %get3A_103 {strides = array<i32>} : memref<128xi32, #tpu.memory_space<vmem>>, vector<16xi32>,
      %add3A_106 = arith.constant 64 : i32
      %add3A_107 = arith.addi %mul3A_83, %add3A_106 : i32
      %get3A_108 = arith.index_cast %add3A_107 : i32 to index
      %get3A_109 = tpu.vector_load %arg8[%get3A_108] {strides = array<i32>} : memref<5120xi32, #tpu.memory_space<vmem>>, vector<16xi32>,
      %swap3A_110 = arith.constant 64 : index
      %swap3A_111 = tpu.vector_load %arg9[%swap3A_110] {strides = array<i32>} : memref<128xi32, #tpu.memory_space<vmem>>, vector<16xi32>,
      tpu.vector_store %arg9[%swap3A_110], %get3A_109 {strides = array<i32>} : memref<128xi32, #tpu.memory_space<vmem>>, vector<16xi32>,
      %add3A_112 = arith.constant 80 : i32
      %add3A_113 = arith.addi %mul3A_83, %add3A_112 : i32
      %get3A_114 = arith.index_cast %add3A_113 : i32 to index
      %get3A_115 = tpu.vector_load %arg8[%get3A_114] {strides = array<i32>} : memref<5120xi32, #tpu.memory_space<vmem>>, vector<16xi32>,
      %swap3A_116 = arith.constant 80 : index
      %swap3A_117 = tpu.vector_load %arg9[%swap3A_116] {strides = array<i32>} : memref<128xi32, #tpu.memory_space<vmem>>, vector<16xi32>,
      tpu.vector_store %arg9[%swap3A_116], %get3A_115 {strides = array<i32>} : memref<128xi32, #tpu.memory_space<vmem>>, vector<16xi32>,
      %add3A_118 = arith.constant 96 : i32
      %add3A_119 = arith.addi %mul3A_83, %add3A_118 : i32
      %get3A_120 = arith.index_cast %add3A_119 : i32 to index
      %get3A_121 = tpu.vector_load %arg8[%get3A_120] {strides = array<i32>} : memref<5120xi32, #tpu.memory_space<vmem>>, vector<16xi32>,
      %swap3A_122 = arith.constant 96 : index
      %swap3A_123 = tpu.vector_load %arg9[%swap3A_122] {strides = array<i32>} : memref<128xi32, #tpu.memory_space<vmem>>, vector<16xi32>,
      tpu.vector_store %arg9[%swap3A_122], %get3A_121 {strides = array<i32>} : memref<128xi32, #tpu.memory_space<vmem>>, vector<16xi32>,
      %add3A_124 = arith.constant 112 : i32
      %add3A_125 = arith.addi %mul3A_83, %add3A_124 : i32
      %get3A_126 = arith.index_cast %add3A_125 : i32 to index
      %get3A_127 = tpu.vector_load %arg8[%get3A_126] {strides = array<i32>} : memref<5120xi32, #tpu.memory_space<vmem>>, vector<16xi32>,
      %swap3A_128 = arith.constant 112 : index
      %swap3A_129 = tpu.vector_load %arg9[%swap3A_128] {strides = array<i32>} : memref<128xi32, #tpu.memory_space<vmem>>, vector<16xi32>,
      tpu.vector_store %arg9[%swap3A_128], %get3A_127 {strides = array<i32>} : memref<128xi32, #tpu.memory_space<vmem>>, vector<16xi32>,
      %dma_start3A_130 = arith.constant 0 : i32
      %dma_start3A_131 = arith.constant 0 : i32
      %dma_start3A_132 = tpu.memref_slice %arg25[%dma_start3A_130, %dma_start3A_131] : memref<10112x128xbf16, #tpu.memory_space<vmem_shared>> -> memref<10112x128xbf16, #tpu.memory_space<vmem_shared>>
      tpu.enqueue_indirect_dma source(%arg13 : memref<128x128xbf16, #tpu.memory_space<vmem>>) target(%dma_start3A_132 : memref<10112x128xbf16, #tpu.memory_space<vmem_shared>>) offsets(%arg9 : memref<128xi32, #tpu.memory_space<vmem>>) semaphore(%arg21 : memref<!tpu.dma_semaphore, #tpu.memory_space<semaphore_mem>>) {add = true}
      %ge3A = arith.constant 1 : i32
      %ge3A_133 = arith.cmpi sge, %scan3A_71, %ge3A : i32
      %convert_element_type3A = arith.extui %ge3A_133 : i1 to i32
      %cond3A = arith.constant 0 : i32
      %cond3A_134 = arith.cmpi ne, %convert_element_type3A, %cond3A : i32
      scf.if %cond3A_134 {
        %dma_wait3A_352 = arith.constant 0 : i32
        %dma_wait3A_353 = arith.constant 0 : i32
        %dma_wait3A_354 = tpu.memref_slice %arg25[%dma_wait3A_352, %dma_wait3A_353] : memref<10112x128xbf16, #tpu.memory_space<vmem_shared>> -> memref<10112x128xbf16, #tpu.memory_space<vmem_shared>>
        tpu.wait_indirect_dma semaphore(%arg23 : memref<!tpu.dma_semaphore, #tpu.memory_space<semaphore_mem>>) src(%arg15 : memref<128x128xbf16, #tpu.memory_space<vmem>>) dst(%dma_wait3A_354 : memref<10112x128xbf16, #tpu.memory_space<vmem_shared>>)
      } else {
      }
      %add3A_135 = arith.constant 2 : i32
      %add3A_136 = arith.addi %add3A_76, %add3A_135 : i32
      %mul3A_137 = arith.constant 128 : i32
      %mul3A_138 = arith.muli %add3A_136, %mul3A_137 : i32
      %dma_start3A_139 = tpu.memref_slice %arg7[%mul3A_138] : memref<5120xi32, #tpu.memory_space<vmem>> -> memref<128xi32, #tpu.memory_space<vmem>>
      %dma_start3A_140 = arith.constant 0 : i32
      %dma_start3A_141 = arith.constant 0 : i32
      %dma_start3A_142 = tpu.memref_slice %arg2[%dma_start3A_140, %dma_start3A_141] : memref<10240x128xbf16, #tpu.memory_space<hbm>> -> memref<10240x128xbf16, #tpu.memory_space<hbm>>
      tpu.enqueue_indirect_dma source(%dma_start3A_142 : memref<10240x128xbf16, #tpu.memory_space<hbm>>) target(%arg15 : memref<128x128xbf16, #tpu.memory_space<vmem>>) offsets(%dma_start3A_139 : memref<128xi32, #tpu.memory_space<vmem>>) semaphore(%arg19 : memref<!tpu.dma_semaphore, #tpu.memory_space<semaphore_mem>>)
      %mul3A_143 = arith.constant 4 : i32
      %mul3A_144 = arith.muli %mul3A_143, %scan3A_71 : i32
      %add3A_145 = arith.constant 1 : i32
      %add3A_146 = arith.addi %mul3A_144, %add3A_145 : i32
      %dma_wait3A_147 = arith.constant 0 : i32
      %dma_wait3A_148 = tpu.memref_slice %arg7[%dma_wait3A_147] : memref<5120xi32, #tpu.memory_space<vmem>> -> memref<128xi32, #tpu.memory_space<vmem>>
      %dma_wait3A_149 = arith.constant 0 : i32
      %dma_wait3A_150 = arith.constant 0 : i32
      %dma_wait3A_151 = tpu.memref_slice %arg2[%dma_wait3A_149, %dma_wait3A_150] : memref<10240x128xbf16, #tpu.memory_space<hbm>> -> memref<10240x128xbf16, #tpu.memory_space<hbm>>
      tpu.wait_indirect_dma semaphore(%arg18 : memref<!tpu.dma_semaphore, #tpu.memory_space<semaphore_mem>>) src(%dma_wait3A_151 : memref<10240x128xbf16, #tpu.memory_space<hbm>>) dst(%arg14 : memref<128x128xbf16, #tpu.memory_space<vmem>>)
      %mul3A_152 = arith.constant 128 : i32
      %mul3A_153 = arith.muli %add3A_146, %mul3A_152 : i32
      %add3A_154 = arith.constant 0 : i32
      %add3A_155 = arith.addi %mul3A_153, %add3A_154 : i32
      %get3A_156 = arith.index_cast %add3A_155 : i32 to index
      %get3A_157 = tpu.vector_load %arg8[%get3A_156] {strides = array<i32>} : memref<5120xi32, #tpu.memory_space<vmem>>, vector<16xi32>,
      %swap3A_158 = arith.constant 0 : index
      %swap3A_159 = tpu.vector_load %arg10[%swap3A_158] {strides = array<i32>} : memref<128xi32, #tpu.memory_space<vmem>>, vector<16xi32>,
      tpu.vector_store %arg10[%swap3A_158], %get3A_157 {strides = array<i32>} : memref<128xi32, #tpu.memory_space<vmem>>, vector<16xi32>,
      %add3A_160 = arith.constant 16 : i32
      %add3A_161 = arith.addi %mul3A_153, %add3A_160 : i32
      %get3A_162 = arith.index_cast %add3A_161 : i32 to index
      %get3A_163 = tpu.vector_load %arg8[%get3A_162] {strides = array<i32>} : memref<5120xi32, #tpu.memory_space<vmem>>, vector<16xi32>,
      %swap3A_164 = arith.constant 16 : index
      %swap3A_165 = tpu.vector_load %arg10[%swap3A_164] {strides = array<i32>} : memref<128xi32, #tpu.memory_space<vmem>>, vector<16xi32>,
      tpu.vector_store %arg10[%swap3A_164], %get3A_163 {strides = array<i32>} : memref<128xi32, #tpu.memory_space<vmem>>, vector<16xi32>,
      %add3A_166 = arith.constant 32 : i32
      %add3A_167 = arith.addi %mul3A_153, %add3A_166 : i32
      %get3A_168 = arith.index_cast %add3A_167 : i32 to index
      %get3A_169 = tpu.vector_load %arg8[%get3A_168] {strides = array<i32>} : memref<5120xi32, #tpu.memory_space<vmem>>, vector<16xi32>,
      %swap3A_170 = arith.constant 32 : index
      %swap3A_171 = tpu.vector_load %arg10[%swap3A_170] {strides = array<i32>} : memref<128xi32, #tpu.memory_space<vmem>>, vector<16xi32>,
      tpu.vector_store %arg10[%swap3A_170], %get3A_169 {strides = array<i32>} : memref<128xi32, #tpu.memory_space<vmem>>, vector<16xi32>,
      %add3A_172 = arith.constant 48 : i32
      %add3A_173 = arith.addi %mul3A_153, %add3A_172 : i32
      %get3A_174 = arith.index_cast %add3A_173 : i32 to index
      %get3A_175 = tpu.vector_load %arg8[%get3A_174] {strides = array<i32>} : memref<5120xi32, #tpu.memory_space<vmem>>, vector<16xi32>,
      %swap3A_176 = arith.constant 48 : index
      %swap3A_177 = tpu.vector_load %arg10[%swap3A_176] {strides = array<i32>} : memref<128xi32, #tpu.memory_space<vmem>>, vector<16xi32>,
      tpu.vector_store %arg10[%swap3A_176], %get3A_175 {strides = array<i32>} : memref<128xi32, #tpu.memory_space<vmem>>, vector<16xi32>,
      %add3A_178 = arith.constant 64 : i32
      %add3A_179 = arith.addi %mul3A_153, %add3A_178 : i32
      %get3A_180 = arith.index_cast %add3A_179 : i32 to index
      %get3A_181 = tpu.vector_load %arg8[%get3A_180] {strides = array<i32>} : memref<5120xi32, #tpu.memory_space<vmem>>, vector<16xi32>,
      %swap3A_182 = arith.constant 64 : index
      %swap3A_183 = tpu.vector_load %arg10[%swap3A_182] {strides = array<i32>} : memref<128xi32, #tpu.memory_space<vmem>>, vector<16xi32>,
      tpu.vector_store %arg10[%swap3A_182], %get3A_181 {strides = array<i32>} : memref<128xi32, #tpu.memory_space<vmem>>, vector<16xi32>,
      %add3A_184 = arith.constant 80 : i32
      %add3A_185 = arith.addi %mul3A_153, %add3A_184 : i32
      %get3A_186 = arith.index_cast %add3A_185 : i32 to index
      %get3A_187 = tpu.vector_load %arg8[%get3A_186] {strides = array<i32>} : memref<5120xi32, #tpu.memory_space<vmem>>, vector<16xi32>,
      %swap3A_188 = arith.constant 80 : index
      %swap3A_189 = tpu.vector_load %arg10[%swap3A_188] {strides = array<i32>} : memref<128xi32, #tpu.memory_space<vmem>>, vector<16xi32>,
      tpu.vector_store %arg10[%swap3A_188], %get3A_187 {strides = array<i32>} : memref<128xi32, #tpu.memory_space<vmem>>, vector<16xi32>,
      %add3A_190 = arith.constant 96 : i32
      %add3A_191 = arith.addi %mul3A_153, %add3A_190 : i32
      %get3A_192 = arith.index_cast %add3A_191 : i32 to index
      %get3A_193 = tpu.vector_load %arg8[%get3A_192] {strides = array<i32>} : memref<5120xi32, #tpu.memory_space<vmem>>, vector<16xi32>,
      %swap3A_194 = arith.constant 96 : index
      %swap3A_195 = tpu.vector_load %arg10[%swap3A_194] {strides = array<i32>} : memref<128xi32, #tpu.memory_space<vmem>>, vector<16xi32>,
      tpu.vector_store %arg10[%swap3A_194], %get3A_193 {strides = array<i32>} : memref<128xi32, #tpu.memory_space<vmem>>, vector<16xi32>,
      %add3A_196 = arith.constant 112 : i32
      %add3A_197 = arith.addi %mul3A_153, %add3A_196 : i32
      %get3A_198 = arith.index_cast %add3A_197 : i32 to index
      %get3A_199 = tpu.vector_load %arg8[%get3A_198] {strides = array<i32>} : memref<5120xi32, #tpu.memory_space<vmem>>, vector<16xi32>,
      %swap3A_200 = arith.constant 112 : index
      %swap3A_201 = tpu.vector_load %arg10[%swap3A_200] {strides = array<i32>} : memref<128xi32, #tpu.memory_space<vmem>>, vector<16xi32>,
      tpu.vector_store %arg10[%swap3A_200], %get3A_199 {strides = array<i32>} : memref<128xi32, #tpu.memory_space<vmem>>, vector<16xi32>,
      %dma_start3A_202 = arith.constant 0 : i32
      %dma_start3A_203 = arith.constant 0 : i32
      %dma_start3A_204 = tpu.memref_slice %arg25[%dma_start3A_202, %dma_start3A_203] : memref<10112x128xbf16, #tpu.memory_space<vmem_shared>> -> memref<10112x128xbf16, #tpu.memory_space<vmem_shared>>
      tpu.enqueue_indirect_dma source(%arg14 : memref<128x128xbf16, #tpu.memory_space<vmem>>) target(%dma_start3A_204 : memref<10112x128xbf16, #tpu.memory_space<vmem_shared>>) offsets(%arg10 : memref<128xi32, #tpu.memory_space<vmem>>) semaphore(%arg22 : memref<!tpu.dma_semaphore, #tpu.memory_space<semaphore_mem>>) {add = true}
      %ge3A_205 = arith.constant 1 : i32
      %ge3A_206 = arith.cmpi sge, %scan3A_71, %ge3A_205 : i32
      %convert_element_type3A_207 = arith.extui %ge3A_206 : i1 to i32
      %cond3A_208 = arith.constant 0 : i32
      %cond3A_209 = arith.cmpi ne, %convert_element_type3A_207, %cond3A_208 : i32
      scf.if %cond3A_209 {
        %dma_wait3A_352 = arith.constant 0 : i32
        %dma_wait3A_353 = arith.constant 0 : i32
        %dma_wait3A_354 = tpu.memref_slice %arg25[%dma_wait3A_352, %dma_wait3A_353] : memref<10112x128xbf16, #tpu.memory_space<vmem_shared>> -> memref<10112x128xbf16, #tpu.memory_space<vmem_shared>>
        tpu.wait_indirect_dma semaphore(%arg24 : memref<!tpu.dma_semaphore, #tpu.memory_space<semaphore_mem>>) src(%arg16 : memref<128x128xbf16, #tpu.memory_space<vmem>>) dst(%dma_wait3A_354 : memref<10112x128xbf16, #tpu.memory_space<vmem_shared>>)
      } else {
      }
      %add3A_210 = arith.constant 2 : i32
      %add3A_211 = arith.addi %add3A_146, %add3A_210 : i32
      %mul3A_212 = arith.constant 128 : i32
      %mul3A_213 = arith.muli %add3A_211, %mul3A_212 : i32
      %dma_start3A_214 = tpu.memref_slice %arg7[%mul3A_213] : memref<5120xi32, #tpu.memory_space<vmem>> -> memref<128xi32, #tpu.memory_space<vmem>>
      %dma_start3A_215 = arith.constant 0 : i32
      %dma_start3A_216 = arith.constant 0 : i32
      %dma_start3A_217 = tpu.memref_slice %arg2[%dma_start3A_215, %dma_start3A_216] : memref<10240x128xbf16, #tpu.memory_space<hbm>> -> memref<10240x128xbf16, #tpu.memory_space<hbm>>
      tpu.enqueue_indirect_dma source(%dma_start3A_217 : memref<10240x128xbf16, #tpu.memory_space<hbm>>) target(%arg16 : memref<128x128xbf16, #tpu.memory_space<vmem>>) offsets(%dma_start3A_214 : memref<128xi32, #tpu.memory_space<vmem>>) semaphore(%arg20 : memref<!tpu.dma_semaphore, #tpu.memory_space<semaphore_mem>>)
      %mul3A_218 = arith.constant 4 : i32
      %mul3A_219 = arith.muli %mul3A_218, %scan3A_71 : i32
      %add3A_220 = arith.constant 2 : i32
      %add3A_221 = arith.addi %mul3A_219, %add3A_220 : i32
      %dma_wait3A_222 = arith.constant 0 : i32
      %dma_wait3A_223 = tpu.memref_slice %arg7[%dma_wait3A_222] : memref<5120xi32, #tpu.memory_space<vmem>> -> memref<128xi32, #tpu.memory_space<vmem>>
      %dma_wait3A_224 = arith.constant 0 : i32
      %dma_wait3A_225 = arith.constant 0 : i32
      %dma_wait3A_226 = tpu.memref_slice %arg2[%dma_wait3A_224, %dma_wait3A_225] : memref<10240x128xbf16, #tpu.memory_space<hbm>> -> memref<10240x128xbf16, #tpu.memory_space<hbm>>
      tpu.wait_indirect_dma semaphore(%arg19 : memref<!tpu.dma_semaphore, #tpu.memory_space<semaphore_mem>>) src(%dma_wait3A_226 : memref<10240x128xbf16, #tpu.memory_space<hbm>>) dst(%arg15 : memref<128x128xbf16, #tpu.memory_space<vmem>>)
      %mul3A_227 = arith.constant 128 : i32
      %mul3A_228 = arith.muli %add3A_221, %mul3A_227 : i32
      %add3A_229 = arith.constant 0 : i32
      %add3A_230 = arith.addi %mul3A_228, %add3A_229 : i32
      %get3A_231 = arith.index_cast %add3A_230 : i32 to index
      %get3A_232 = tpu.vector_load %arg8[%get3A_231] {strides = array<i32>} : memref<5120xi32, #tpu.memory_space<vmem>>, vector<16xi32>,
      %swap3A_233 = arith.constant 0 : index
      %swap3A_234 = tpu.vector_load %arg11[%swap3A_233] {strides = array<i32>} : memref<128xi32, #tpu.memory_space<vmem>>, vector<16xi32>,
      tpu.vector_store %arg11[%swap3A_233], %get3A_232 {strides = array<i32>} : memref<128xi32, #tpu.memory_space<vmem>>, vector<16xi32>,
      %add3A_235 = arith.constant 16 : i32
      %add3A_236 = arith.addi %mul3A_228, %add3A_235 : i32
      %get3A_237 = arith.index_cast %add3A_236 : i32 to index
      %get3A_238 = tpu.vector_load %arg8[%get3A_237] {strides = array<i32>} : memref<5120xi32, #tpu.memory_space<vmem>>, vector<16xi32>,
      %swap3A_239 = arith.constant 16 : index
      %swap3A_240 = tpu.vector_load %arg11[%swap3A_239] {strides = array<i32>} : memref<128xi32, #tpu.memory_space<vmem>>, vector<16xi32>,
      tpu.vector_store %arg11[%swap3A_239], %get3A_238 {strides = array<i32>} : memref<128xi32, #tpu.memory_space<vmem>>, vector<16xi32>,
      %add3A_241 = arith.constant 32 : i32
      %add3A_242 = arith.addi %mul3A_228, %add3A_241 : i32
      %get3A_243 = arith.index_cast %add3A_242 : i32 to index
      %get3A_244 = tpu.vector_load %arg8[%get3A_243] {strides = array<i32>} : memref<5120xi32, #tpu.memory_space<vmem>>, vector<16xi32>,
      %swap3A_245 = arith.constant 32 : index
      %swap3A_246 = tpu.vector_load %arg11[%swap3A_245] {strides = array<i32>} : memref<128xi32, #tpu.memory_space<vmem>>, vector<16xi32>,
      tpu.vector_store %arg11[%swap3A_245], %get3A_244 {strides = array<i32>} : memref<128xi32, #tpu.memory_space<vmem>>, vector<16xi32>,
      %add3A_247 = arith.constant 48 : i32
      %add3A_248 = arith.addi %mul3A_228, %add3A_247 : i32
      %get3A_249 = arith.index_cast %add3A_248 : i32 to index
      %get3A_250 = tpu.vector_load %arg8[%get3A_249] {strides = array<i32>} : memref<5120xi32, #tpu.memory_space<vmem>>, vector<16xi32>,
      %swap3A_251 = arith.constant 48 : index
      %swap3A_252 = tpu.vector_load %arg11[%swap3A_251] {strides = array<i32>} : memref<128xi32, #tpu.memory_space<vmem>>, vector<16xi32>,
      tpu.vector_store %arg11[%swap3A_251], %get3A_250 {strides = array<i32>} : memref<128xi32, #tpu.memory_space<vmem>>, vector<16xi32>,
      %add3A_253 = arith.constant 64 : i32
      %add3A_254 = arith.addi %mul3A_228, %add3A_253 : i32
      %get3A_255 = arith.index_cast %add3A_254 : i32 to index
      %get3A_256 = tpu.vector_load %arg8[%get3A_255] {strides = array<i32>} : memref<5120xi32, #tpu.memory_space<vmem>>, vector<16xi32>,
      %swap3A_257 = arith.constant 64 : index
      %swap3A_258 = tpu.vector_load %arg11[%swap3A_257] {strides = array<i32>} : memref<128xi32, #tpu.memory_space<vmem>>, vector<16xi32>,
      tpu.vector_store %arg11[%swap3A_257], %get3A_256 {strides = array<i32>} : memref<128xi32, #tpu.memory_space<vmem>>, vector<16xi32>,
      %add3A_259 = arith.constant 80 : i32
      %add3A_260 = arith.addi %mul3A_228, %add3A_259 : i32
      %get3A_261 = arith.index_cast %add3A_260 : i32 to index
      %get3A_262 = tpu.vector_load %arg8[%get3A_261] {strides = array<i32>} : memref<5120xi32, #tpu.memory_space<vmem>>, vector<16xi32>,
      %swap3A_263 = arith.constant 80 : index
      %swap3A_264 = tpu.vector_load %arg11[%swap3A_263] {strides = array<i32>} : memref<128xi32, #tpu.memory_space<vmem>>, vector<16xi32>,
      tpu.vector_store %arg11[%swap3A_263], %get3A_262 {strides = array<i32>} : memref<128xi32, #tpu.memory_space<vmem>>, vector<16xi32>,
      %add3A_265 = arith.constant 96 : i32
      %add3A_266 = arith.addi %mul3A_228, %add3A_265 : i32
      %get3A_267 = arith.index_cast %add3A_266 : i32 to index
      %get3A_268 = tpu.vector_load %arg8[%get3A_267] {strides = array<i32>} : memref<5120xi32, #tpu.memory_space<vmem>>, vector<16xi32>,
      %swap3A_269 = arith.constant 96 : index
      %swap3A_270 = tpu.vector_load %arg11[%swap3A_269] {strides = array<i32>} : memref<128xi32, #tpu.memory_space<vmem>>, vector<16xi32>,
      tpu.vector_store %arg11[%swap3A_269], %get3A_268 {strides = array<i32>} : memref<128xi32, #tpu.memory_space<vmem>>, vector<16xi32>,
      %add3A_271 = arith.constant 112 : i32
      %add3A_272 = arith.addi %mul3A_228, %add3A_271 : i32
      %get3A_273 = arith.index_cast %add3A_272 : i32 to index
      %get3A_274 = tpu.vector_load %arg8[%get3A_273] {strides = array<i32>} : memref<5120xi32, #tpu.memory_space<vmem>>, vector<16xi32>,
      %swap3A_275 = arith.constant 112 : index
      %swap3A_276 = tpu.vector_load %arg11[%swap3A_275] {strides = array<i32>} : memref<128xi32, #tpu.memory_space<vmem>>, vector<16xi32>,
      tpu.vector_store %arg11[%swap3A_275], %get3A_274 {strides = array<i32>} : memref<128xi32, #tpu.memory_space<vmem>>, vector<16xi32>,
      %dma_start3A_277 = arith.constant 0 : i32
      %dma_start3A_278 = arith.constant 0 : i32
      %dma_start3A_279 = tpu.memref_slice %arg25[%dma_start3A_277, %dma_start3A_278] : memref<10112x128xbf16, #tpu.memory_space<vmem_shared>> -> memref<10112x128xbf16, #tpu.memory_space<vmem_shared>>
      tpu.enqueue_indirect_dma source(%arg15 : memref<128x128xbf16, #tpu.memory_space<vmem>>) target(%dma_start3A_279 : memref<10112x128xbf16, #tpu.memory_space<vmem_shared>>) offsets(%arg11 : memref<128xi32, #tpu.memory_space<vmem>>) semaphore(%arg23 : memref<!tpu.dma_semaphore, #tpu.memory_space<semaphore_mem>>) {add = true}
      %lt3A = arith.constant 9 : i32
      %lt3A_280 = arith.cmpi slt, %scan3A_71, %lt3A : i32
      %convert_element_type3A_281 = arith.extui %lt3A_280 : i1 to i32
      %cond3A_282 = arith.constant 0 : i32
      %cond3A_283 = arith.cmpi ne, %convert_element_type3A_281, %cond3A_282 : i32
      scf.if %cond3A_283 {
        %dma_wait3A_352 = arith.constant 0 : i32
        %dma_wait3A_353 = arith.constant 0 : i32
        %dma_wait3A_354 = tpu.memref_slice %arg25[%dma_wait3A_352, %dma_wait3A_353] : memref<10112x128xbf16, #tpu.memory_space<vmem_shared>> -> memref<10112x128xbf16, #tpu.memory_space<vmem_shared>>
        tpu.wait_indirect_dma semaphore(%arg21 : memref<!tpu.dma_semaphore, #tpu.memory_space<semaphore_mem>>) src(%arg13 : memref<128x128xbf16, #tpu.memory_space<vmem>>) dst(%dma_wait3A_354 : memref<10112x128xbf16, #tpu.memory_space<vmem_shared>>)
        %add3A_355 = arith.constant 2 : i32
        %add3A_356 = arith.addi %add3A_221, %add3A_355 : i32
        %mul3A_357 = arith.constant 128 : i32
        %mul3A_358 = arith.muli %add3A_356, %mul3A_357 : i32
        %dma_start3A_359 = tpu.memref_slice %arg7[%mul3A_358] : memref<5120xi32, #tpu.memory_space<vmem>> -> memref<128xi32, #tpu.memory_space<vmem>>
        %dma_start3A_360 = arith.constant 0 : i32
        %dma_start3A_361 = arith.constant 0 : i32
        %dma_start3A_362 = tpu.memref_slice %arg2[%dma_start3A_360, %dma_start3A_361] : memref<10240x128xbf16, #tpu.memory_space<hbm>> -> memref<10240x128xbf16, #tpu.memory_space<hbm>>
        tpu.enqueue_indirect_dma source(%dma_start3A_362 : memref<10240x128xbf16, #tpu.memory_space<hbm>>) target(%arg13 : memref<128x128xbf16, #tpu.memory_space<vmem>>) offsets(%dma_start3A_359 : memref<128xi32, #tpu.memory_space<vmem>>) semaphore(%arg17 : memref<!tpu.dma_semaphore, #tpu.memory_space<semaphore_mem>>)
      } else {
      }
      %mul3A_284 = arith.constant 4 : i32
      %mul3A_285 = arith.muli %mul3A_284, %scan3A_71 : i32
      %add3A_286 = arith.constant 3 : i32
      %add3A_287 = arith.addi %mul3A_285, %add3A_286 : i32
      %dma_wait3A_288 = arith.constant 0 : i32
      %dma_wait3A_289 = tpu.memref_slice %arg7[%dma_wait3A_288] : memref<5120xi32, #tpu.memory_space<vmem>> -> memref<128xi32, #tpu.memory_space<vmem>>
      %dma_wait3A_290 = arith.constant 0 : i32
      %dma_wait3A_291 = arith.constant 0 : i32
      %dma_wait3A_292 = tpu.memref_slice %arg2[%dma_wait3A_290, %dma_wait3A_291] : memref<10240x128xbf16, #tpu.memory_space<hbm>> -> memref<10240x128xbf16, #tpu.memory_space<hbm>>
      tpu.wait_indirect_dma semaphore(%arg20 : memref<!tpu.dma_semaphore, #tpu.memory_space<semaphore_mem>>) src(%dma_wait3A_292 : memref<10240x128xbf16, #tpu.memory_space<hbm>>) dst(%arg16 : memref<128x128xbf16, #tpu.memory_space<vmem>>)
      %mul3A_293 = arith.constant 128 : i32
      %mul3A_294 = arith.muli %add3A_287, %mul3A_293 : i32
      %add3A_295 = arith.constant 0 : i32
      %add3A_296 = arith.addi %mul3A_294, %add3A_295 : i32
      %get3A_297 = arith.index_cast %add3A_296 : i32 to index
      %get3A_298 = tpu.vector_load %arg8[%get3A_297] {strides = array<i32>} : memref<5120xi32, #tpu.memory_space<vmem>>, vector<16xi32>,
      %swap3A_299 = arith.constant 0 : index
      %swap3A_300 = tpu.vector_load %arg12[%swap3A_299] {strides = array<i32>} : memref<128xi32, #tpu.memory_space<vmem>>, vector<16xi32>,
      tpu.vector_store %arg12[%swap3A_299], %get3A_298 {strides = array<i32>} : memref<128xi32, #tpu.memory_space<vmem>>, vector<16xi32>,
      %add3A_301 = arith.constant 16 : i32
      %add3A_302 = arith.addi %mul3A_294, %add3A_301 : i32
      %get3A_303 = arith.index_cast %add3A_302 : i32 to index
      %get3A_304 = tpu.vector_load %arg8[%get3A_303] {strides = array<i32>} : memref<5120xi32, #tpu.memory_space<vmem>>, vector<16xi32>,
      %swap3A_305 = arith.constant 16 : index
      %swap3A_306 = tpu.vector_load %arg12[%swap3A_305] {strides = array<i32>} : memref<128xi32, #tpu.memory_space<vmem>>, vector<16xi32>,
      tpu.vector_store %arg12[%swap3A_305], %get3A_304 {strides = array<i32>} : memref<128xi32, #tpu.memory_space<vmem>>, vector<16xi32>,
      %add3A_307 = arith.constant 32 : i32
      %add3A_308 = arith.addi %mul3A_294, %add3A_307 : i32
      %get3A_309 = arith.index_cast %add3A_308 : i32 to index
      %get3A_310 = tpu.vector_load %arg8[%get3A_309] {strides = array<i32>} : memref<5120xi32, #tpu.memory_space<vmem>>, vector<16xi32>,
      %swap3A_311 = arith.constant 32 : index
      %swap3A_312 = tpu.vector_load %arg12[%swap3A_311] {strides = array<i32>} : memref<128xi32, #tpu.memory_space<vmem>>, vector<16xi32>,
      tpu.vector_store %arg12[%swap3A_311], %get3A_310 {strides = array<i32>} : memref<128xi32, #tpu.memory_space<vmem>>, vector<16xi32>,
      %add3A_313 = arith.constant 48 : i32
      %add3A_314 = arith.addi %mul3A_294, %add3A_313 : i32
      %get3A_315 = arith.index_cast %add3A_314 : i32 to index
      %get3A_316 = tpu.vector_load %arg8[%get3A_315] {strides = array<i32>} : memref<5120xi32, #tpu.memory_space<vmem>>, vector<16xi32>,
      %swap3A_317 = arith.constant 48 : index
      %swap3A_318 = tpu.vector_load %arg12[%swap3A_317] {strides = array<i32>} : memref<128xi32, #tpu.memory_space<vmem>>, vector<16xi32>,
      tpu.vector_store %arg12[%swap3A_317], %get3A_316 {strides = array<i32>} : memref<128xi32, #tpu.memory_space<vmem>>, vector<16xi32>,
      %add3A_319 = arith.constant 64 : i32
      %add3A_320 = arith.addi %mul3A_294, %add3A_319 : i32
      %get3A_321 = arith.index_cast %add3A_320 : i32 to index
      %get3A_322 = tpu.vector_load %arg8[%get3A_321] {strides = array<i32>} : memref<5120xi32, #tpu.memory_space<vmem>>, vector<16xi32>,
      %swap3A_323 = arith.constant 64 : index
      %swap3A_324 = tpu.vector_load %arg12[%swap3A_323] {strides = array<i32>} : memref<128xi32, #tpu.memory_space<vmem>>, vector<16xi32>,
      tpu.vector_store %arg12[%swap3A_323], %get3A_322 {strides = array<i32>} : memref<128xi32, #tpu.memory_space<vmem>>, vector<16xi32>,
      %add3A_325 = arith.constant 80 : i32
      %add3A_326 = arith.addi %mul3A_294, %add3A_325 : i32
      %get3A_327 = arith.index_cast %add3A_326 : i32 to index
      %get3A_328 = tpu.vector_load %arg8[%get3A_327] {strides = array<i32>} : memref<5120xi32, #tpu.memory_space<vmem>>, vector<16xi32>,
      %swap3A_329 = arith.constant 80 : index
      %swap3A_330 = tpu.vector_load %arg12[%swap3A_329] {strides = array<i32>} : memref<128xi32, #tpu.memory_space<vmem>>, vector<16xi32>,
      tpu.vector_store %arg12[%swap3A_329], %get3A_328 {strides = array<i32>} : memref<128xi32, #tpu.memory_space<vmem>>, vector<16xi32>,
      %add3A_331 = arith.constant 96 : i32
      %add3A_332 = arith.addi %mul3A_294, %add3A_331 : i32
      %get3A_333 = arith.index_cast %add3A_332 : i32 to index
      %get3A_334 = tpu.vector_load %arg8[%get3A_333] {strides = array<i32>} : memref<5120xi32, #tpu.memory_space<vmem>>, vector<16xi32>,
      %swap3A_335 = arith.constant 96 : index
      %swap3A_336 = tpu.vector_load %arg12[%swap3A_335] {strides = array<i32>} : memref<128xi32, #tpu.memory_space<vmem>>, vector<16xi32>,
      tpu.vector_store %arg12[%swap3A_335], %get3A_334 {strides = array<i32>} : memref<128xi32, #tpu.memory_space<vmem>>, vector<16xi32>,
      %add3A_337 = arith.constant 112 : i32
      %add3A_338 = arith.addi %mul3A_294, %add3A_337 : i32
      %get3A_339 = arith.index_cast %add3A_338 : i32 to index
      %get3A_340 = tpu.vector_load %arg8[%get3A_339] {strides = array<i32>} : memref<5120xi32, #tpu.memory_space<vmem>>, vector<16xi32>,
      %swap3A_341 = arith.constant 112 : index
      %swap3A_342 = tpu.vector_load %arg12[%swap3A_341] {strides = array<i32>} : memref<128xi32, #tpu.memory_space<vmem>>, vector<16xi32>,
      tpu.vector_store %arg12[%swap3A_341], %get3A_340 {strides = array<i32>} : memref<128xi32, #tpu.memory_space<vmem>>, vector<16xi32>,
      %dma_start3A_343 = arith.constant 0 : i32
      %dma_start3A_344 = arith.constant 0 : i32
      %dma_start3A_345 = tpu.memref_slice %arg25[%dma_start3A_343, %dma_start3A_344] : memref<10112x128xbf16, #tpu.memory_space<vmem_shared>> -> memref<10112x128xbf16, #tpu.memory_space<vmem_shared>>
      tpu.enqueue_indirect_dma source(%arg16 : memref<128x128xbf16, #tpu.memory_space<vmem>>) target(%dma_start3A_345 : memref<10112x128xbf16, #tpu.memory_space<vmem_shared>>) offsets(%arg12 : memref<128xi32, #tpu.memory_space<vmem>>) semaphore(%arg24 : memref<!tpu.dma_semaphore, #tpu.memory_space<semaphore_mem>>) {add = true}
      %lt3A_346 = arith.constant 9 : i32
      %lt3A_347 = arith.cmpi slt, %scan3A_71, %lt3A_346 : i32
      %convert_element_type3A_348 = arith.extui %lt3A_347 : i1 to i32
      %cond3A_349 = arith.constant 0 : i32
      %cond3A_350 = arith.cmpi ne, %convert_element_type3A_348, %cond3A_349 : i32
      scf.if %cond3A_350 {
        %dma_wait3A_352 = arith.constant 0 : i32
        %dma_wait3A_353 = arith.constant 0 : i32
        %dma_wait3A_354 = tpu.memref_slice %arg25[%dma_wait3A_352, %dma_wait3A_353] : memref<10112x128xbf16, #tpu.memory_space<vmem_shared>> -> memref<10112x128xbf16, #tpu.memory_space<vmem_shared>>
        tpu.wait_indirect_dma semaphore(%arg22 : memref<!tpu.dma_semaphore, #tpu.memory_space<semaphore_mem>>) src(%arg14 : memref<128x128xbf16, #tpu.memory_space<vmem>>) dst(%dma_wait3A_354 : memref<10112x128xbf16, #tpu.memory_space<vmem_shared>>)
        %add3A_355 = arith.constant 2 : i32
        %add3A_356 = arith.addi %add3A_287, %add3A_355 : i32
        %mul3A_357 = arith.constant 128 : i32
        %mul3A_358 = arith.muli %add3A_356, %mul3A_357 : i32
        %dma_start3A_359 = tpu.memref_slice %arg7[%mul3A_358] : memref<5120xi32, #tpu.memory_space<vmem>> -> memref<128xi32, #tpu.memory_space<vmem>>
        %dma_start3A_360 = arith.constant 0 : i32
        %dma_start3A_361 = arith.constant 0 : i32
        %dma_start3A_362 = tpu.memref_slice %arg2[%dma_start3A_360, %dma_start3A_361] : memref<10240x128xbf16, #tpu.memory_space<hbm>> -> memref<10240x128xbf16, #tpu.memory_space<hbm>>
        tpu.enqueue_indirect_dma source(%dma_start3A_362 : memref<10240x128xbf16, #tpu.memory_space<hbm>>) target(%arg14 : memref<128x128xbf16, #tpu.memory_space<vmem>>) offsets(%dma_start3A_359 : memref<128xi32, #tpu.memory_space<vmem>>) semaphore(%arg18 : memref<!tpu.dma_semaphore, #tpu.memory_space<semaphore_mem>>)
      } else {
      }
      %scan3A_351 = arith.constant 0 : i32
      scf.yield %scan3A_351 : i32
    }
    %scan3A_53 = arith.constant 10 : i32
    %dma_wait3A_54 = arith.constant 0 : i32
    %dma_wait3A_55 = arith.constant 0 : i32
    %dma_wait3A_56 = tpu.memref_slice %arg25[%dma_wait3A_54, %dma_wait3A_55] : memref<10112x128xbf16, #tpu.memory_space<vmem_shared>> -> memref<10112x128xbf16, #tpu.memory_space<vmem_shared>>
    tpu.wait_indirect_dma semaphore(%arg21 : memref<!tpu.dma_semaphore, #tpu.memory_space<semaphore_mem>>) src(%arg13 : memref<128x128xbf16, #tpu.memory_space<vmem>>) dst(%dma_wait3A_56 : memref<10112x128xbf16, #tpu.memory_space<vmem_shared>>)
    %dma_wait3A_57 = arith.constant 0 : i32
    %dma_wait3A_58 = arith.constant 0 : i32
    %dma_wait3A_59 = tpu.memref_slice %arg25[%dma_wait3A_57, %dma_wait3A_58] : memref<10112x128xbf16, #tpu.memory_space<vmem_shared>> -> memref<10112x128xbf16, #tpu.memory_space<vmem_shared>>
    tpu.wait_indirect_dma semaphore(%arg22 : memref<!tpu.dma_semaphore, #tpu.memory_space<semaphore_mem>>) src(%arg14 : memref<128x128xbf16, #tpu.memory_space<vmem>>) dst(%dma_wait3A_59 : memref<10112x128xbf16, #tpu.memory_space<vmem_shared>>)
    %dma_wait3A_60 = arith.constant 0 : i32
    %dma_wait3A_61 = arith.constant 0 : i32
    %dma_wait3A_62 = tpu.memref_slice %arg25[%dma_wait3A_60, %dma_wait3A_61] : memref<10112x128xbf16, #tpu.memory_space<vmem_shared>> -> memref<10112x128xbf16, #tpu.memory_space<vmem_shared>>
    tpu.wait_indirect_dma semaphore(%arg23 : memref<!tpu.dma_semaphore, #tpu.memory_space<semaphore_mem>>) src(%arg15 : memref<128x128xbf16, #tpu.memory_space<vmem>>) dst(%dma_wait3A_62 : memref<10112x128xbf16, #tpu.memory_space<vmem_shared>>)
    %dma_wait3A_63 = arith.constant 0 : i32
    %dma_wait3A_64 = arith.constant 0 : i32
    %dma_wait3A_65 = tpu.memref_slice %arg25[%dma_wait3A_63, %dma_wait3A_64] : memref<10112x128xbf16, #tpu.memory_space<vmem_shared>> -> memref<10112x128xbf16, #tpu.memory_space<vmem_shared>>
    tpu.wait_indirect_dma semaphore(%arg24 : memref<!tpu.dma_semaphore, #tpu.memory_space<semaphore_mem>>) src(%arg16 : memref<128x128xbf16, #tpu.memory_space<vmem>>) dst(%dma_wait3A_65 : memref<10112x128xbf16, #tpu.memory_space<vmem_shared>>)
    %barrier3A_66 = arith.constant 0 : index
    tpu.barrier barrier_id(%barrier3A_66)
    %mul3A_67 = arith.constant 632 : i32
    %mul3A_68 = arith.muli %arg1, %mul3A_67 : i32
    %mul3A_69 = arith.constant 632 : i32
    %mul3A_70 = arith.muli %arg1, %mul3A_69 : i32
    "tpu.region"() ({
      %run_scoped3A = tpu.sem_alloc : memref<!tpu.dma_semaphore, #tpu.memory_space<semaphore_mem>>
      %dma_start3A_71 = arith.constant 0 : i32
      %dma_start3A_72 = tpu.memref_slice %arg6[%arg0, %mul3A_70, %dma_start3A_71] : memref<2x10112x128xbf16, #tpu.memory_space<hbm>> -> memref<1x632x128xbf16, #tpu.memory_space<hbm>>
      %dma_start3A_73 = tpu.memref_squeeze %dma_start3A_72 : memref<1x632x128xbf16, #tpu.memory_space<hbm>> -> memref<632x128xbf16, #tpu.memory_space<hbm>>
      %dma_start3A_74 = arith.constant 0 : i32
      %dma_start3A_75 = tpu.memref_slice %arg25[%mul3A_68, %dma_start3A_74] : memref<10112x128xbf16, #tpu.memory_space<vmem_shared>> -> memref<632x128xbf16, #tpu.memory_space<vmem_shared>>
      tpu.enqueue_dma source(%dma_start3A_75 : memref<632x128xbf16, #tpu.memory_space<vmem_shared>>) target(%dma_start3A_73 : memref<632x128xbf16, #tpu.memory_space<hbm>>) target_semaphore(%run_scoped3A : memref<!tpu.dma_semaphore, #tpu.memory_space<semaphore_mem>>)
      %dma_wait3A_76 = arith.constant 0 : i32
      %dma_wait3A_77 = tpu.memref_slice %arg6[%arg0, %mul3A_70, %dma_wait3A_76] : memref<2x10112x128xbf16, #tpu.memory_space<hbm>> -> memref<1x632x128xbf16, #tpu.memory_space<hbm>>
      %dma_wait3A_78 = tpu.memref_squeeze %dma_wait3A_77 : memref<1x632x128xbf16, #tpu.memory_space<hbm>> -> memref<632x128xbf16, #tpu.memory_space<hbm>>
      %dma_wait3A_79 = arith.constant 0 : i32
      %dma_wait3A_80 = tpu.memref_slice %arg25[%mul3A_68, %dma_wait3A_79] : memref<10112x128xbf16, #tpu.memory_space<vmem_shared>> -> memref<632x128xbf16, #tpu.memory_space<vmem_shared>>
      tpu.wait_dma2 semaphore(%run_scoped3A : memref<!tpu.dma_semaphore, #tpu.memory_space<semaphore_mem>>) src(%dma_wait3A_80 : memref<632x128xbf16, #tpu.memory_space<vmem_shared>>) dst(%dma_wait3A_78 : memref<632x128xbf16, #tpu.memory_space<hbm>>)
      tpu.yield
    }) : () -> ()
    return
  }
}

module attributes {stable_mosaic.version = 14 : i64} {
  func.func @_tc_emb_body(%arg0: memref<10000x128xf32, #tpu.memory_space<vmem>>, %arg1: memref<128x128xf32, #tpu.memory_space<vmem>>, %arg2: memref<1x128xf32, #tpu.memory_space<vmem>>, %arg3: memref<10240x32xf32, #tpu.memory_space<vmem>>, %arg4: memref<10240x128xf32, #tpu.memory_space<vmem>>, %arg5: memref<10240x128xbf16, #tpu.memory_space<vmem>>, %arg6: memref<10240x1xf32, #tpu.memory_space<vmem>>) attributes {dimension_semantics = [], scalar_prefetch = 0 : i64, scratch_operands = 0 : i64, tpu.core_type = #tpu.core_type<tc>} {
    %get3A = arith.constant 0 : index
    %get3A_0 = arith.constant 0 : index
    %get3A_1 = vector.load %arg3[%get3A, %get3A_0] : memref<10240x32xf32, #tpu.memory_space<vmem>>, vector<10240x32xf32>
    %reduce_sum3A = arith.constant dense<0.000000e+00> : vector<10240xf32>
    %reduce_sum3A_2 = vector.multi_reduction <add>, %get3A_1, %reduce_sum3A [1] : vector<10240x32xf32> to vector<10240xf32>
    %broadcast_in_dim3A = vector.shape_cast %reduce_sum3A_2 : vector<10240xf32> to vector<10240x1xf32>
    %add3A = arith.constant 1.000000e+00 : f32
    %add3A_3 = vector.broadcast %add3A : f32 to vector<10240x1xf32>
    %add3A_4 = arith.addf %broadcast_in_dim3A, %add3A_3 : vector<10240x1xf32>
    %rsqrt3A = math.rsqrt %add3A_4 : vector<10240x1xf32>
    %swap3A = arith.constant 0 : index
    %swap3A_5 = arith.constant 0 : index
    %swap3A_6 = vector.load %arg6[%swap3A, %swap3A_5] : memref<10240x1xf32, #tpu.memory_space<vmem>>, vector<10240x1xf32>
    tpu.vector_store %arg6[%swap3A, %swap3A_5], %rsqrt3A {strides = array<i32>} : memref<10240x1xf32, #tpu.memory_space<vmem>>, vector<10240x1xf32>,
    %get3A_7 = arith.constant 0 : index
    %get3A_8 = arith.constant 0 : index
    %get3A_9 = vector.load %arg0[%get3A_7, %get3A_8] : memref<10000x128xf32, #tpu.memory_space<vmem>>, vector<10000x128xf32>
    %get3A_10 = arith.constant 0 : index
    %get3A_11 = arith.constant 0 : index
    %get3A_12 = vector.load %arg1[%get3A_10, %get3A_11] : memref<128x128xf32, #tpu.memory_space<vmem>>, vector<128x128xf32>
    %dot_general3A = arith.constant dense<0.000000e+00> : vector<10000x128xf32>
    %dot_general3A_13 = tpu.matmul %get3A_9, %get3A_12, %dot_general3A {dimension_numbers = #tpu.dot_dimension_numbers<[1], [0], [0], [1], [0, 0, 1, 1], [], []>, transpose_lhs_hint = false} : vector<10000x128xf32>, vector<128x128xf32>, vector<10000x128xf32> -> vector<10000x128xf32>
    %get3A_14 = arith.constant 0 : index
    %get3A_15 = arith.constant 0 : index
    %get3A_16 = vector.load %arg2[%get3A_14, %get3A_15] : memref<1x128xf32, #tpu.memory_space<vmem>>, vector<1x128xf32>
    %add3A_17 = vector.broadcast %get3A_16 : vector<1x128xf32> to vector<10000x128xf32>
    %add3A_18 = arith.addf %dot_general3A_13, %add3A_17 : vector<10000x128xf32>
    %slice3A = vector.extract_strided_slice %rsqrt3A {offsets = [0, 0], sizes = [10000, 1], strides = [1, 1]} : vector<10240x1xf32> to vector<10000x1xf32>
    %mul3A = vector.broadcast %slice3A : vector<10000x1xf32> to vector<10000x128xf32>
    %mul3A_19 = arith.mulf %add3A_18, %mul3A : vector<10000x128xf32>
    %swap3A_20 = arith.constant 0 : index
    %swap3A_21 = arith.constant 0 : index
    %swap3A_22 = vector.load %arg4[%swap3A_20, %swap3A_21] : memref<10240x128xf32, #tpu.memory_space<vmem>>, vector<10000x128xf32>
    tpu.vector_store %arg4[%swap3A_20, %swap3A_21], %mul3A_19 {strides = array<i32>} : memref<10240x128xf32, #tpu.memory_space<vmem>>, vector<10000x128xf32>,
    %broadcast_in_dim3A_23 = arith.constant 0.000000e+00 : f32
    %broadcast_in_dim3A_24 = vector.broadcast %broadcast_in_dim3A_23 : f32 to vector<240x128xf32>
    %swap3A_25 = arith.constant 10000 : index
    %swap3A_26 = arith.constant 0 : index
    %swap3A_27 = vector.load %arg4[%swap3A_25, %swap3A_26] : memref<10240x128xf32, #tpu.memory_space<vmem>>, vector<240x128xf32>
    tpu.vector_store %arg4[%swap3A_25, %swap3A_26], %broadcast_in_dim3A_24 {strides = array<i32>} : memref<10240x128xf32, #tpu.memory_space<vmem>>, vector<240x128xf32>,
    %convert_element_type3A = arith.truncf %mul3A_19 : vector<10000x128xf32> to vector<10000x128xbf16>
    %swap3A_28 = arith.constant 0 : index
    %swap3A_29 = arith.constant 0 : index
    %swap3A_30 = vector.load %arg5[%swap3A_28, %swap3A_29] : memref<10240x128xbf16, #tpu.memory_space<vmem>>, vector<10000x128xbf16>
    tpu.vector_store %arg5[%swap3A_28, %swap3A_29], %convert_element_type3A {strides = array<i32>} : memref<10240x128xbf16, #tpu.memory_space<vmem>>, vector<10000x128xbf16>,
    %broadcast_in_dim3A_31 = arith.constant 0.000000e+00 : bf16
    %broadcast_in_dim3A_32 = vector.broadcast %broadcast_in_dim3A_31 : bf16 to vector<240x128xbf16>
    %swap3A_33 = arith.constant 10000 : index
    %swap3A_34 = arith.constant 0 : index
    %swap3A_35 = vector.load %arg5[%swap3A_33, %swap3A_34] : memref<10240x128xbf16, #tpu.memory_space<vmem>>, vector<240x128xbf16>
    tpu.vector_store %arg5[%swap3A_33, %swap3A_34], %broadcast_in_dim3A_32 {strides = array<i32>} : memref<10240x128xbf16, #tpu.memory_space<vmem>>, vector<240x128xbf16>,
    return
  }
}

module attributes {stable_mosaic.version = 14 : i64} {
  func.func @_tc_fin_body(%arg0: memref<2x10112x128xbf16, #tpu.memory_space<vmem>>, %arg1: memref<10240x128xf32, #tpu.memory_space<vmem>>, %arg2: memref<10240x1xf32, #tpu.memory_space<vmem>>, %arg3: memref<10000x128xf32, #tpu.memory_space<vmem>>) attributes {dimension_semantics = [], scalar_prefetch = 0 : i64, scratch_operands = 0 : i64, tpu.core_type = #tpu.core_type<tc>} {
    %get3A = arith.constant 0 : index
    %get3A_0 = arith.constant 0 : index
    %get3A_1 = arith.constant 0 : index
    %get3A_2 = vector.load %arg0[%get3A, %get3A_0, %get3A_1] : memref<2x10112x128xbf16, #tpu.memory_space<vmem>>, vector<1x10000x128xbf16>
    %get3A_3 = vector.shape_cast %get3A_2 : vector<1x10000x128xbf16> to vector<10000x128xbf16>
    %convert_element_type3A = arith.extf %get3A_3 : vector<10000x128xbf16> to vector<10000x128xf32>
    %get3A_4 = arith.constant 1 : index
    %get3A_5 = arith.constant 0 : index
    %get3A_6 = arith.constant 0 : index
    %get3A_7 = vector.load %arg0[%get3A_4, %get3A_5, %get3A_6] : memref<2x10112x128xbf16, #tpu.memory_space<vmem>>, vector<1x10000x128xbf16>
    %get3A_8 = vector.shape_cast %get3A_7 : vector<1x10000x128xbf16> to vector<10000x128xbf16>
    %convert_element_type3A_9 = arith.extf %get3A_8 : vector<10000x128xbf16> to vector<10000x128xf32>
    %add3A = arith.addf %convert_element_type3A, %convert_element_type3A_9 : vector<10000x128xf32>
    %get3A_10 = arith.constant 0 : index
    %get3A_11 = arith.constant 0 : index
    %get3A_12 = vector.load %arg2[%get3A_10, %get3A_11] : memref<10240x1xf32, #tpu.memory_space<vmem>>, vector<10000x1xf32>
    %get3A_13 = arith.constant 0 : index
    %get3A_14 = arith.constant 0 : index
    %get3A_15 = vector.load %arg1[%get3A_13, %get3A_14] : memref<10240x128xf32, #tpu.memory_space<vmem>>, vector<10000x128xf32>
    %add3A_16 = arith.addf %add3A, %get3A_15 : vector<10000x128xf32>
    %mul3A = vector.broadcast %get3A_12 : vector<10000x1xf32> to vector<10000x128xf32>
    %mul3A_17 = arith.mulf %mul3A, %add3A_16 : vector<10000x128xf32>
    %swap3A = arith.constant 0 : index
    %swap3A_18 = arith.constant 0 : index
    %swap3A_19 = vector.load %arg3[%swap3A, %swap3A_18] : memref<10000x128xf32, #tpu.memory_space<vmem>>, vector<10000x128xf32>
    tpu.vector_store %arg3[%swap3A, %swap3A_18], %mul3A_17 {strides = array<i32>} : memref<10000x128xf32, #tpu.memory_space<vmem>>, vector<10000x128xf32>,
    return
  }
}

module attributes {stable_mosaic.version = 14 : i64} {
  func.func @_tc_mlp_body(%arg0: memref<2048x128xf32, #tpu.memory_space<vmem>>, %arg1: memref<128x256xf32, #tpu.memory_space<vmem>>, %arg2: memref<1x256xf32, #tpu.memory_space<vmem>>, %arg3: memref<256x128xf32, #tpu.memory_space<vmem>>, %arg4: memref<1x128xf32, #tpu.memory_space<vmem>>, %arg5: memref<2000x128xf32, #tpu.memory_space<vmem>>) attributes {dimension_semantics = [], scalar_prefetch = 0 : i64, scratch_operands = 0 : i64, tpu.core_type = #tpu.core_type<tc>} {
    %get3A = arith.constant 0 : index
    %get3A_0 = arith.constant 0 : index
    %get3A_1 = vector.load %arg0[%get3A, %get3A_0] : memref<2048x128xf32, #tpu.memory_space<vmem>>, vector<2000x128xf32>
    %get3A_2 = arith.constant 0 : index
    %get3A_3 = arith.constant 0 : index
    %get3A_4 = vector.load %arg1[%get3A_2, %get3A_3] : memref<128x256xf32, #tpu.memory_space<vmem>>, vector<128x256xf32>
    %dot_general3A = arith.constant dense<0.000000e+00> : vector<2000x256xf32>
    %dot_general3A_5 = tpu.matmul %get3A_1, %get3A_4, %dot_general3A {dimension_numbers = #tpu.dot_dimension_numbers<[1], [0], [0], [1], [0, 0, 1, 1], [], []>, transpose_lhs_hint = false} : vector<2000x128xf32>, vector<128x256xf32>, vector<2000x256xf32> -> vector<2000x256xf32>
    %get3A_6 = arith.constant 0 : index
    %get3A_7 = arith.constant 0 : index
    %get3A_8 = vector.load %arg2[%get3A_6, %get3A_7] : memref<1x256xf32, #tpu.memory_space<vmem>>, vector<1x256xf32>
    %add3A = vector.broadcast %get3A_8 : vector<1x256xf32> to vector<2000x256xf32>
    %add3A_9 = arith.addf %dot_general3A_5, %add3A : vector<2000x256xf32>
    %max3A = arith.constant 0.000000e+00 : f32
    %max3A_10 = vector.broadcast %max3A : f32 to vector<2000x256xf32>
    %max3A_11 = arith.maximumf %add3A_9, %max3A_10 : vector<2000x256xf32>
    %get3A_12 = arith.constant 0 : index
    %get3A_13 = arith.constant 0 : index
    %get3A_14 = vector.load %arg3[%get3A_12, %get3A_13] : memref<256x128xf32, #tpu.memory_space<vmem>>, vector<256x128xf32>
    %dot_general3A_15 = arith.constant dense<0.000000e+00> : vector<2000x128xf32>
    %dot_general3A_16 = tpu.matmul %max3A_11, %get3A_14, %dot_general3A_15 {dimension_numbers = #tpu.dot_dimension_numbers<[1], [0], [0], [1], [0, 0, 1, 1], [], []>, transpose_lhs_hint = false} : vector<2000x256xf32>, vector<256x128xf32>, vector<2000x128xf32> -> vector<2000x128xf32>
    %get3A_17 = arith.constant 0 : index
    %get3A_18 = arith.constant 0 : index
    %get3A_19 = vector.load %arg4[%get3A_17, %get3A_18] : memref<1x128xf32, #tpu.memory_space<vmem>>, vector<1x128xf32>
    %add3A_20 = vector.broadcast %get3A_19 : vector<1x128xf32> to vector<2000x128xf32>
    %add3A_21 = arith.addf %dot_general3A_16, %add3A_20 : vector<2000x128xf32>
    %swap3A = arith.constant 0 : index
    %swap3A_22 = arith.constant 0 : index
    %swap3A_23 = vector.load %arg5[%swap3A, %swap3A_22] : memref<2000x128xf32, #tpu.memory_space<vmem>>, vector<2000x128xf32>
    tpu.vector_store %arg5[%swap3A, %swap3A_22], %add3A_21 {strides = array<i32>} : memref<2000x128xf32, #tpu.memory_space<vmem>>, vector<2000x128xf32>,
    return
  }
}

</mosaic_0001>

<sc_bundles>
// kernel: kernel.11.cloned.1.call-start
scs
__scs_entry_jumppad:
0x0: {  	(pc) =	sbr.rel $0x88, $3  }
0x1: {  	(tag) =	ssettag $0x0;
	lr =	simm.s32 $0x1  }
0x2: {  	[smem:$0x3F97] =	sst lr;
	_ =	strace $0xD0000000  }
0x3: {  	_ = 	snop  }
0x4: {  	_ = 	snop  }
0x5: {  	_ = 	snop  }
0x6: {  	_ = 	snop  }
0x7: {  	_ = 	snop  }
__scs_overlays_trampoline_lowered:
0x8: {  	[smem:$0x3FA6] =	sst s0  }
0x9: {  	[smem:$0x3FA7] =	sst s1  }
0xa: {  	[smem:$0x3FA8] =	sst s2  }
0xb: {  	[smem:$0x3FA9] =	sst s3  }
0xc: {  	[smem:$0x3FAA] =	sst s4  }
0xd: {  	[smem:$0x3FAB] =	sst s5  }
0xe: {  	[smem:$0x3FAC] =	sst s6  }
0xf: {  	[smem:$0x3FAD] =	sst s7  }
0x10: {  	[smem:$0x3FAE] =	sst s8  }
0x11: {  	[smem:$0x3FAF] =	sst s9;
	s0 =	simm.s32 @!p0 $0x0  }
0x12: {  	s1 =	sld [smem:$0x3F95];
	s0 =	simm.s32 @p0 $0x1  }
0x13: {  	[smem:$0x3FB0] =	sst s0;
	s0 =	simm.s32 @!p1 $0x0  }
0x14: {  	s2 =	sld [smem:$0x3F94];
	s0 =	simm.s32 @p1 $0x1  }
0x15: {  	[smem:$0x3FB1] =	sst s0;
	s0 =	simm.s32 @!p2 $0x0  }
0x16: {  	s3 =	sld [smem:$0x3FDB];
	s0 =	simm.s32 @p2 $0x1  }
0x17: {  	s4 =	simm.s32 $0x1BF5;
	[smem:$0x3FB3] =	sst s0  }
0x18: {  	s0 =	sld [smem:$0x3F96];
	_ =	swait.ge [sflag:s4], $0x0  }
0x19: {  	s7 =	sld [smem:$0x3F97]  }
0x1a: {  	s8 =	sadd.s32 $0xFFFFE003, lr  }
0x1b: {  	s9 =	sadd.s32 $0xFFFFFEF7, lr;
	s5 =	simm.s32 $0xFFFFFFFF;
	p2 =	slt.u32 s8, $0xFFFFF086  }
0x1c: {  	p1 =	slt.u32 s9, $0xF7A;
	s5 =	simm.s32 @!p2 $0x0  }
0x1d: {  	s5 =	simm.s32 @p1 $0x1;
	p0 =	seq.s32 s7, s2  }
0x1e: {  	s7 =	smul.u32 @!p0 $0xF7A, s2;
	p2 =	seq.s32 @!p0 s5, $0x0  }
0x1f: {  	s9 =	smul.u32 $0xF7A, s1;
	s8 =	simm.s32 @!p0 $0x1BF5;
	p2 =	por !p2, p0  }
0x20: {  	[sflag:s8] =	ssyncset.s32 @!p0 $0xFFFFF086;
	s6 =	sadd.s32 @!p0 s3, s7;
	s7 =	simm.s32 @!p0 $0x108  }
0x21: {  	s3 =	sadd.s32 s3, s9;
	s6 =	sadd.s32 @!p0 $0x88, s6;
	s7 =	simm.s32 @p2 $0x1082  }
0x22: {  	[simem:s7], [sflag:s8] =	dma.local @!p0 [hbm:s6], $0xF7A  }
0x23: {  	s9 =	sor.u32 $0xD0000000, s2;
	s6 =	simm.s32 $0x108;
	_ =	swait.ge @!p0 [sflag:s8], $0x0  }
0x24: {  	s3 =	sadd.s32 $0x88, s3;
	s6 =	simm.s32 @!p1 $0x1082;
	[sflag:s4] =	ssyncset.s32 $0xFFFFF086  }
0x25: {  	[simem:s6], [sflag:s4] =	dma.local [hbm:s3], $0xF7A  }
0x26: {  	[smem:$0x3F97] =	sst s1;
	(tag) =	ssettag s2;
	_ =	strace s9  }
0x27: {  	s1 =	sld [smem:$0x3FA7]  }
0x28: {  	s2 =	sld [smem:$0x3FA8]  }
0x29: {  	s4 =	sld [smem:$0x3FAA]  }
0x2a: {  	p0 =	seq.s32 s5, $0x0;
	s5 =	sld [smem:$0x3FAB]  }
0x2b: {  	s6 =	sld [smem:$0x3FAC]  }
0x2c: {  	s7 =	sld [smem:$0x3FAD]  }
0x2d: {  	s3 =	simm.s32 $0x108;
	s8 =	sld [smem:$0x3FAE]  }
0x2e: {  	s3 =	simm.s32 @!p0 $0x1082;
	s9 =	sld [smem:$0x3FAF]  }
0x2f: {  	lr =	sadd.s32 s0, s3;
	s0 =	sld [smem:$0x3FA6]  }
0x30: {  	s3 =	sld [smem:$0x3FA9]  }
0x31: {  	[smem:$0x3FB2] =	sst s10  }
0x32: {  	s10 =	sld [smem:$0x3FB0];
	_ =	sdelay $0x3  }
0x33: {  	p0 =	seq.s32 s10, $0x1;
	s10 =	sld [smem:$0x3FB2];
	_ =	sdelay $0x3  }
0x34: {  	[smem:$0x3FB2] =	sst s10  }
0x35: {  	s10 =	sld [smem:$0x3FB1];
	_ =	sdelay $0x3  }
0x36: {  	p1 =	seq.s32 s10, $0x1;
	s10 =	sld [smem:$0x3FB2];
	_ =	sdelay $0x3  }
0x37: {  	[smem:$0x3FB2] =	sst s10  }
0x38: {  	s10 =	sld [smem:$0x3FB3]  }
0x39: {  	_ = 	snop;
	(pc) =	sbr.ind lr, $3  }
0x3a: {  	_ = 	snop  }
0x3b: {  	_ = 	snop  }
0x3c: {  	p2 =	seq.s32 s10, $0x1;
	s10 =	sld [smem:$0x3FB2]  }
0x3d: {  	_ =	shalt  }
0x3e: {  	_ =	shalt  }
0x3f: {  	_ =	shalt  }
0x40: {  	_ =	shalt  }
0x41: {  	_ =	shalt  }
0x42: {  	_ =	shalt  }
0x43: {  	_ =	shalt  }
0x44: {  	_ =	shalt  }
0x45: {  	_ =	shalt  }
0x46: {  	_ =	shalt  }
0x47: {  	_ =	shalt  }
0x48: {  	_ =	shalt  }
0x49: {  	_ =	shalt  }
0x4a: {  	_ =	shalt  }
0x4b: {  	_ =	shalt  }
0x4c: {  	_ =	shalt  }
0x4d: {  	_ =	shalt  }
0x4e: {  	_ =	shalt  }
0x4f: {  	_ =	shalt  }
0x50: {  	_ =	shalt  }
0x51: {  	_ =	shalt  }
0x52: {  	_ =	shalt  }
0x53: {  	_ =	shalt  }
0x54: {  	_ =	shalt  }
0x55: {  	_ =	shalt  }
0x56: {  	_ =	shalt  }
0x57: {  	_ =	shalt  }
0x58: {  	_ =	shalt  }
0x59: {  	_ =	shalt  }
0x5a: {  	_ =	shalt  }
0x5b: {  	_ =	shalt  }
0x5c: {  	_ =	shalt  }
0x5d: {  	_ =	shalt  }
0x5e: {  	_ =	shalt  }
0x5f: {  	_ =	shalt  }
0x60: {  	_ =	shalt  }
0x61: {  	_ =	shalt  }
0x62: {  	_ =	shalt  }
0x63: {  	_ =	shalt  }
0x64: {  	_ =	shalt  }
0x65: {  	_ =	shalt  }
0x66: {  	_ =	shalt  }
0x67: {  	_ =	shalt  }
0x68: {  	_ =	shalt  }
0x69: {  	_ =	shalt  }
0x6a: {  	_ =	shalt  }
0x6b: {  	_ =	shalt  }
0x6c: {  	_ =	shalt  }
0x6d: {  	_ =	shalt  }
0x6e: {  	_ =	shalt  }
0x6f: {  	_ =	shalt  }
0x70: {  	_ =	shalt  }
0x71: {  	_ =	shalt  }
0x72: {  	_ =	shalt  }
0x73: {  	_ =	shalt  }
0x74: {  	_ =	shalt  }
0x75: {  	_ =	shalt  }
0x76: {  	_ =	shalt  }
0x77: {  	_ =	shalt  }
0x78: {  	_ =	shalt  }
0x79: {  	_ =	shalt  }
0x7a: {  	_ =	shalt  }
0x7b: {  	_ =	shalt  }
0x7c: {  	_ =	shalt  }
0x7d: {  	_ =	shalt  }
0x7e: {  	_ =	shalt  }
0x7f: {  	_ =	shalt  }
0x80: {  	_ =	shalt  }
0x81: {  	_ =	shalt  }
0x82: {  	_ =	shalt  }
0x83: {  	_ =	shalt  }
0x84: {  	_ =	shalt  }
0x85: {  	_ =	shalt  }
0x86: {  	_ =	shalt  }
0x87: {  	_ =	shalt  }
.Lfunc_end0:
.L_simem_size_0:
called_computation.1_lowered:
.L_overlay_start_0:
0x88: {  	s2 =	sld [smem:$0x3FD9]  }
0x89: {  	s3 =	sld [smem:$0x3FFE];
	_ =	sdelay $0x1  }
0x8a: {  	s1 =	srdreg.scid  }
0x8b: {  	s0 =	sand.u32 $0x1, s1  }
0x8c: {  	s14 =	sshll.u32 s0, $0xA;
	s2 =	sadd.s32 s3, s2  }
0x8d: {  	s2 =	sadd.s32 s2, s14  }
0x8e: {  	[smem:$0x3FBE] =	sst s2  }
0x8f: {  	_ = 	snop  }
0x90: {  	s2 =	sld [smem:$0x3FD0];
	_ =	sdelay $0x2  }
0x91: {  	s15 =	simm.s32 $0xA;
	s4 =	simm.s32 $0x10  }
0x92: {  	[smem:s4], [sflag:s15] =	dma.local [hbm:s2], $0x1  }
0x93: {  	_ =	swait.eq [sflag:s15], $0x1  }
0x94: {  	[sflag:s15] =	ssyncset.done $0x0  }
0x95: {  	s16 =	sld [smem:$0x10];
	[sflag:s15] =	ssyncadd.s32 $0xFFFFFFFF  }
0x96: {  	s17 =	sld [smem:$0x11];
	(tm) =	ssettm $0x1  }
0x97: {  	s18 =	sld [smem:$0x3FFB];
	_ =	sdelay $0x3  }
0x98: {  	_ =	strace s18  }
0x99: {  	s4 =	sld [smem:$0x3FFC];
	_ =	sdelay $0x3  }
0x9a: {  	_ =	strace s4  }
0x9b: {  	s4 =	sld [smem:$0x3FFD];
	_ =	sdelay $0x3  }
0x9c: {  	_ =	strace s4  }
0x9d: {  	_ =	strace $0x8FFFFFFF  }
0x9e: {  	s19 =	sld [smem:$0x3FDB];
	_ =	sdelay $0x1  }
0x9f: {  	s5 =	simm.s32 $_scs_section_size  }
0xa0: {  	s6 =	simm.s32 $_size__tile_overlayer_lowered;
	s7 =	simm.s32 $_tile_overlayer_lowered  }
0xa1: {  	s22 =	simm.s32 $0x1BFF;
	s21 =	sshll.u32 s7, $0x1;
	s4 =	sadd.s32 s5, s19  }
0xa2: {  	s8 =	simm.s32 $0x0;
	s20 =	sshll.u32 s6, $0x1;
	s6 =	sadd.s32 s21, s4  }
0xa3: {  	[timem:s8], [sflag:s22] =	dma.local [hbm:s6], s20  }
0xa4: {  	_ =	swait.ge [sflag:s22], s20  }
0xa5: {  	s5 =	ssub.s32 $0x0, s20;
	[sflag:s22] =	ssyncset.done $0x0  }
0xa6: {  	[sflag:s22] =	ssyncadd.s32 s5;
	_ =	sdelay $0x1  }
0xa7: {  	s23 =	simm.s32 $0x1B8B  }
0xa8: {  	_ =	swait.ge [sflag:s23], $0x1  }
0xa9: {  	[sflag:s23] =	ssyncset.done $0x0  }
0xaa: {  	s25 =	simm.s32 $0x1B8E;
	s24 =	sld [smem:$0x3FFE];
	[sflag:s23] =	ssyncadd.s32 $0xFFFFFFFF  }
0xab: {  	s26 =	simm.s32 $execute0_lowered;
	[smem:$0x3FD2] =	sst s25  }
0xac: {  	s6 =	sshll.u32 s26, $0x1;
	_ =	strace $0x80000049;
	[dreg:$0x1] =	wrdreg $0xFFFFFFFF  }
0xad: {  	s28 =	simm.s32 $_size_execute0_lowered;
	s4 =	sadd.s32 s4, s6;
	[dreg:$0x0] =	wrdreg $0x0  }
0xae: {  	s6 =	sshll.u32 s28, $0x1;
	[dreg:$0x2] =	wrdreg s4  }
0xaf: {  	[dreg:$0x3] =	wrdreg s6  }
0xb0: {  	[dreg:$0x4] =	wrdreg $0xC0  }
0xb1: {  	_ =	task [dreg:s8], $0x5FFFF  }
0xb2: {  	[dreg:$0x1] =	wrdreg $0xFFFFFFFF  }
0xb3: {  	[dreg:$0x0] =	wrdreg $0x60  }
0xb4: {  	[dreg:$0x2] =	wrdreg s16  }
0xb5: {  	[dreg:$0x3] =	wrdreg s24  }
0xb6: {  	[dreg:$0x4] =	wrdreg s17  }
0xb7: {  	[dreg:$0x5] =	wrdreg $0xAA000  }
0xb8: {  	[dreg:$0x6] =	wrdreg $0x9  }
0xb9: {  	_ =	task.clear_ibuf [dreg:s8], $0x7FFFF;
	_ =	strace $0x90000049  }
0xba: {  	s29 =	simm.s32 $0x9;
	_ =	strace $0x8000004B  }
0xbb: {  	_ =	swait.ge [sflag:s29], $0x1  }
0xbc: {  	[sflag:s29] =	ssyncadd.s32 $0xFFFFFFFF  }
0xbd: {  	_ =	strace $0x9000004B  }
0xbe: {  	_ =	sfence  }
0xbf: {  	s30 =	sld [smem:$0x0];
	_ =	sdelay $0x2  }
0xc0: {  	s31 =	sshll.u32 s1, $0xD;
	s1 =	sshrl.u32 s1, $0x2  }
0xc1: {  	s3 =	sand.u32 $0x4000, s31;
	s1 =	sadd.s32 s1, s30  }
0xc2: {  	s0 =	sor.u32 s3, s0;
	s1 =	sshll.u32 s1, $0x11  }
0xc3: {  	s0 =	sor.u32 s1, s0  }
0xc4: {  	s0 =	sadd.s32 $0x8F2B, s0  }
0xc5: {  	[sflag:s0] =	ssyncadd.remote.s32 $0x1  }
0xc6: {  	_ =	sfence.sel $0xFFFF  }
0xc7: {  	[dreg:$0x0] =	wrdreg $0xFFFFFFFF;
	(pc) =	sbr.abs _section_cstart, $3  }
0xc8: {  	[dreg:$0x1] =	wrdreg $0xFFFFFFFF  }
0xc9: {  	_ =	task.clear_ibuf [dreg:s8], $0x2FFFF;
	_ =	strace $0x9FFFFFFF  }
0xca: {  	(tm) =	ssettm $0x7FFFFFFF  }
0xcb: {  	_ =	shalt  }
tec
execute0_lowered:
.L_overlay_start_1:
0x0: {  	(tag) =	ssettag $0x1  }
0x1: {  	s1 =	rddreg [dreg:$0x0]  }
0x2: {  	s0 =	rddreg [dreg:$0x1]  }
0x3: {  	s4 =	rddreg [dreg:$0x3]  }
0x4: {  	s2 =	srdreg.scid;
	s11 =	stileid.u32  }
0x5: {  	s5 =	simm.s32 $0x0;
	s14 =	simm.s32 $0x9;
	s16 =	simm.s32 $0x80  }
0x6: {  	s17 =	simm.s32 $0x2A00;
	s18 =	simm.s32 $0x4A00;
	s19 =	simm.s32 $0x1  }
0x7: {  	s20 =	simm.s32 $0x2800;
	s28 =	simm.s32 $0x4;
	s29 =	simm.s32 $0x2980  }
0x8: {  	s30 =	simm.s32 $0x5;
	s31 =	simm.s32 $0x6;
	s2 =	sand.u32 $0x1, s2  }
0x9: {  	s3 =	smul.u32 $0x13C00, s11;
	[smem:$0x7FF] =	sst s5;
	s7 =	sadd.s32 $0x1800, s0  }
0xa: {  	s8 =	sshll.u32 s11, $0x1;
	s10 =	sadd.s32 $0xB800, s0;
	s22 =	sshll.u32 s11, $0x6  }
0xb: {  	s6 =	smul.u32 $0x13C000, s2;
	s9 =	ssub.s32 $0x2, s2;
	s2 =	sor.u32 s2, s8  }
0xc: {  	_ =	strace $0x8000004A;
	s21 =	sshrl.u32 s9, $0x1;
	s2 =	smul.u32 $0x2800, s2  }
0xd: {  	s6 =	sadd.s32 s3, s6;
	s8 =	ssub.s32 s9, s21;
	s3 =	sshrl.u32 s3, $0x1  }
0xe: {  	s21 =	simm.s32 $0x6A00;
	s6 =	sshrl.u32 s6, $0x4;
	s2 =	sshrl.u32 s2, $0x3  }
0xf: {  	s3 =	sadd.s32 s3, s4;
	s12 =	smax.u32 s8, $0x1;
	s0 =	sadd.s32 s6, s0  }
0x10: {  	s6 =	sor.u32 $0x1C09, s22;
	s23 =	sadd.s32 $0x280, s2;
	s24 =	sadd.s32 s7, s2  }
0x11: {  	s2 =	sadd.s32 s10, s2;
	s13 =	sshrl.u32 s3, $0x3;
	s22 =	simm.s32 $0x2  }
.Ltmp0:
0x12: {  	s3 =	simm.s32 $0x0;
	[dreg:$0x5] =	wrdreg s24;
	(pc) =	sbr.rel .LBB2_1-.Ltmp0, $4  }
0x13: {  	[dreg:$0x6] =	wrdreg s2;
	s25 =	sadd.s32 s7, s23;
	s26 =	sadd.s32 s10, s23  }
0x14: {  	s11 =	sadd.s32 $0x15800, s0;
	s23 =	simm.s32 $0x2880;
	s24 =	simm.s32 $0x8A00  }
0x15: {  	s0 =	simm.s32 $0x7;
	s2 =	simm.s32 $0x8;
	[dreg:$0x7] =	wrdreg s25  }
0x16: {  	[dreg:$0x8] =	wrdreg s26;
	s25 =	simm.s32 $0x3;
	s26 =	simm.s32 $0x2900  }
.LBB2_7:
0x17: {  	_ =	swait.ge [sflag:s30], $0x2000  }
0x18: {  	[sflag:s30] =	ssyncset.done $0x0  }
0x19: {  	[sflag:s30] =	ssyncadd.s32 $0xFFFFE000  }
0x1a: {  	_ =	swait.ge [sflag:s31], $0x2000  }
0x1b: {  	[sflag:s31] =	ssyncset.done $0x0  }
0x1c: {  	[sflag:s31] =	ssyncadd.s32 $0xFFFFE000  }
0x1d: {  	_ =	swait.ge [sflag:s0], $0x2000  }
0x1e: {  	[sflag:s0] =	ssyncset.done $0x0  }
0x1f: {  	[sflag:s0] =	ssyncadd.s32 $0xFFFFE000  }
0x20: {  	_ =	swait.ge [sflag:s2], $0x2000  }
0x21: {  	s3 =	sadd.s32 $0x1, s3;
	[sflag:s2] =	ssyncset.done $0x0  }
0x22: {  	p0 =	sne.s32 s3, s12;
	[sflag:s2] =	ssyncadd.s32 $0xFFFFE000  }
.Ltmp1:
0x23: {  	[bflag:$0x0] =	sbarrier.arrive $0xFFFF;
	(pc) =	sbr.rel @!p0 .LBB2_8-.Ltmp1, $4  }
0x24: {  	[hbm:s11], [sflag:s6] =	dma.local [spmem:s13], $0x13C0  }
0x25: {  	_ =	swait.ge [sflag:s14], $0x13C0  }
0x26: {  	[sflag:s14] =	ssyncset.done $0x0  }
0x27: {  	[sflag:s14] =	ssyncadd.s32 $0xFFFFEC40  }
.LBB2_1:
0x28: {  	s7 =	rddreg [dreg:$0x2]  }
0x29: {  	[spmem:s13], [sflag:s6] =	dma.local [hbm:s7], $0x13C0  }
0x2a: {  	_ =	swait.ge [sflag:s14], $0x13C0  }
0x2b: {  	[sflag:s14] =	ssyncset.done $0x0  }
0x2c: {  	[sflag:s14] =	ssyncadd.s32 $0xFFFFEC40  }
0x2d: {  	[bflag:$0x0] =	sbarrier.arrive $0xFFFF  }
0x2e: {  	s10 =	rddreg [dreg:$0x5]  }
0x2f: {  	[tilespmem:s5], [sflag:$0x9] =	stream.linear.gather [hbm4b:s10+s5], $0x1400, $0x38;
	[tilespmem:$0x14800] =	vst v63  }
0x30: {  	_ =	swait.ge [sflag:s14], $0x1400  }
0x31: {  	[sflag:s14] =	ssyncset.done $0x0  }
0x32: {  	s8 =	simm.s32 $0x1400;
	s15 =	rddreg [dreg:$0x6];
	[sflag:s14] =	ssyncadd.s32 $0xFFFFEC00  }
0x33: {  	[tilespmem:s8], [sflag:$0x9] =	stream.linear.gather [hbm4b:s15+s5], $0x1400, $0x38;
	[tilespmem:$0x14800] =	vst v63  }
0x34: {  	_ =	swait.ge [sflag:s14], $0x1400  }
0x35: {  	[sflag:s14] =	ssyncset.done $0x0  }
0x36: {  	[sflag:s14] =	ssyncadd.s32 $0xFFFFEC00  }
0x37: {  	[tilespmem:s17], [sflag:$0x1] =	stream.indirect.gather [hbm4b:s1+s16], $0x40, s5, s16, $0xb8;
	[tilespmem:$0x14800] =	vst v63  }
0x38: {  	s7 =	simm.s32 $0x0  }
0x39: {  	[tilespmem:s18], [sflag:$0x2] =	stream.indirect.gather [hbm4b:s1+s16], $0x40, s16, s16, $0xb8;
	[tilespmem:$0x14800] =	vst v63  }
.LBB2_2:
0x3a: {  	_ =	swait.ge [sflag:s19], $0x2000  }
0x3b: {  	[sflag:s19] =	ssyncset.done $0x0  }
0x3c: {  	s8 =	sshra.s32 s7, $0x2;
	[sflag:s19] =	ssyncadd.s32 $0xFFFFE000  }
0x3d: {  	v0 =	vld [tilespmem:s8+$0x1400];
	_ =	sdelay $0x4  }
0x3e: {  	[tilespmem:$0x2800] =	vst v0  }
0x3f: {  	v0 =	vld [tilespmem:s8+$0x1410];
	_ =	sdelay $0x4  }
0x40: {  	[tilespmem:$0x2810] =	vst v0  }
0x41: {  	v0 =	vld [tilespmem:s8+$0x1420];
	_ =	sdelay $0x4  }
0x42: {  	[tilespmem:$0x2820] =	vst v0  }
0x43: {  	v0 =	vld [tilespmem:s8+$0x1430];
	_ =	sdelay $0x4  }
0x44: {  	[tilespmem:$0x2830] =	vst v0  }
0x45: {  	v0 =	vld [tilespmem:s8+$0x1440];
	_ =	sdelay $0x4  }
0x46: {  	[tilespmem:$0x2840] =	vst v0  }
0x47: {  	v0 =	vld [tilespmem:s8+$0x1450];
	_ =	sdelay $0x4  }
0x48: {  	[tilespmem:$0x2850] =	vst v0  }
0x49: {  	v0 =	vld [tilespmem:s8+$0x1460];
	_ =	sdelay $0x4  }
0x4a: {  	[tilespmem:$0x2860] =	vst v0  }
0x4b: {  	v0 =	vld [tilespmem:s8+$0x1470];
	_ =	sdelay $0x3  }
0x4c: {  	p0 =	seq.s32 s7, $0x0  }
0x4d: {  	s9 =	simm.s32 @!p0 $0x7;
	[tilespmem:$0x2870] =	vst v0  }
0x4e: {  	[spmem:s4] =	stream.indirect.scatter.add.bf16 [tilespmem:s17], [sflag:$0x5], $0x40, s20, s16, $0xb8;
	[tilespmem:$0x14800] =	vst v63  }
0x4f: {  	_ =	swait.ge @!p0 [sflag:s9], $0x2000  }
0x50: {  	[sflag:s9] =	ssyncset.done @!p0 $0x0  }
0x51: {  	s10 =	sadd.s32 $0x100, s8;
	[sflag:s9] =	ssyncadd.s32 @!p0 $0xFFFFE000  }
0x52: {  	[tilespmem:s21], [sflag:$0x3] =	stream.indirect.gather [hbm4b:s1+s16], $0x40, s10, s16, $0xb8;
	[tilespmem:$0x14800] =	vst v63  }
0x53: {  	_ =	swait.ge [sflag:s22], $0x2000  }
0x54: {  	[sflag:s22] =	ssyncset.done $0x0  }
0x55: {  	[sflag:s22] =	ssyncadd.s32 $0xFFFFE000  }
0x56: {  	v61 =	vld [tilespmem:s8+$0x1480];
	_ =	sdelay $0x4  }
0x57: {  	[tilespmem:$0x2880] =	vst v61  }
0x58: {  	v0 =	vld [tilespmem:s8+$0x1490];
	_ =	sdelay $0x4  }
0x59: {  	[tilespmem:$0x2890] =	vst v0  }
0x5a: {  	v0 =	vld [tilespmem:s8+$0x14A0];
	_ =	sdelay $0x4  }
0x5b: {  	[tilespmem:$0x28A0] =	vst v0  }
0x5c: {  	v0 =	vld [tilespmem:s8+$0x14B0];
	_ =	sdelay $0x4  }
0x5d: {  	[tilespmem:$0x28B0] =	vst v0  }
0x5e: {  	v0 =	vld [tilespmem:s8+$0x14C0];
	_ =	sdelay $0x4  }
0x5f: {  	[tilespmem:$0x28C0] =	vst v0  }
0x60: {  	v0 =	vld [tilespmem:s8+$0x14D0];
	_ =	sdelay $0x4  }
0x61: {  	[tilespmem:$0x28D0] =	vst v0  }
0x62: {  	v0 =	vld [tilespmem:s8+$0x14E0];
	_ =	sdelay $0x4  }
0x63: {  	[tilespmem:$0x28E0] =	vst v0  }
0x64: {  	v0 =	vld [tilespmem:s8+$0x14F0];
	_ =	sdelay $0x4  }
0x65: {  	s9 =	simm.s32 @!p0 $0x8;
	[tilespmem:$0x28F0] =	vst v0  }
0x66: {  	[spmem:s4] =	stream.indirect.scatter.add.bf16 [tilespmem:s18], [sflag:$0x6], $0x40, s23, s16, $0xb8;
	[tilespmem:$0x14800] =	vst v63  }
0x67: {  	_ =	swait.ge @!p0 [sflag:s9], $0x2000  }
0x68: {  	[sflag:s9] =	ssyncset.done @!p0 $0x0  }
0x69: {  	s15 =	sadd.s32 $0x180, s8;
	[sflag:s9] =	ssyncadd.s32 @!p0 $0xFFFFE000  }
0x6a: {  	[tilespmem:s24], [sflag:$0x4] =	stream.indirect.gather [hbm4b:s1+s16], $0x40, s15, s16, $0xb8;
	[tilespmem:$0x14800] =	vst v63  }
0x6b: {  	_ =	swait.ge [sflag:s25], $0x2000  }
0x6c: {  	[sflag:s25] =	ssyncset.done $0x0  }
0x6d: {  	[sflag:s25] =	ssyncadd.s32 $0xFFFFE000  }
0x6e: {  	v62 =	vld [tilespmem:s8+$0x1500];
	_ =	sdelay $0x4  }
0x6f: {  	[tilespmem:$0x2900] =	vst v62  }
0x70: {  	v0 =	vld [tilespmem:s8+$0x1510];
	_ =	sdelay $0x4  }
0x71: {  	[tilespmem:$0x2910] =	vst v0  }
0x72: {  	v0 =	vld [tilespmem:s8+$0x1520];
	_ =	sdelay $0x4  }
0x73: {  	[tilespmem:$0x2920] =	vst v0  }
0x74: {  	v0 =	vld [tilespmem:s8+$0x1530];
	_ =	sdelay $0x4  }
0x75: {  	[tilespmem:$0x2930] =	vst v0  }
0x76: {  	v0 =	vld [tilespmem:s8+$0x1540];
	_ =	sdelay $0x4  }
0x77: {  	[tilespmem:$0x2940] =	vst v0  }
0x78: {  	v0 =	vld [tilespmem:s8+$0x1550];
	_ =	sdelay $0x4  }
0x79: {  	[tilespmem:$0x2950] =	vst v0  }
0x7a: {  	v0 =	vld [tilespmem:s8+$0x1560];
	_ =	sdelay $0x4  }
0x7b: {  	[tilespmem:$0x2960] =	vst v0  }
0x7c: {  	v0 =	vld [tilespmem:s8+$0x1570];
	_ =	sdelay $0x3  }
0x7d: {  	p0 =	seq.s32 s7, $0x4800  }
0x7e: {  	s9 =	simm.s32 @!p0 $0x5;
	[tilespmem:$0x2970] =	vst v0  }
0x7f: {  	[spmem:s4] =	stream.indirect.scatter.add.bf16 [tilespmem:s21], [sflag:$0x7], $0x40, s26, s16, $0xb8;
	[tilespmem:$0x14800] =	vst v63  }
0x80: {  	_ =	swait.ge @!p0 [sflag:s9], $0x2000  }
0x81: {  	[sflag:s9] =	ssyncset.done @!p0 $0x0  }
0x82: {  	[sflag:s9] =	ssyncadd.s32 @!p0 $0xFFFFE000;
	s9 =	sshra.s32 @!p0 s7, $0x2  }
0x83: {  	s15 =	simm.s32 @!p0 $0x80;
	s10 =	simm.s32 @!p0 $0x2A00;
	s9 =	sadd.s32 @!p0 $0x200, s9  }
0x84: {  	[tilespmem:s10], [sflag:$0x1] =	stream.indirect.gather @!p0 [hbm4b:s1+s15], $0x40, s9, s15, $0xb8;
	[tilespmem:$0x14800] =	vst v63  }
0x85: {  	_ =	swait.ge [sflag:s28], $0x2000  }
0x86: {  	[sflag:s28] =	ssyncset.done $0x0  }
0x87: {  	[sflag:s28] =	ssyncadd.s32 $0xFFFFE000  }
0x88: {  	v63 =	vld [tilespmem:s8+$0x1580];
	_ =	sdelay $0x4  }
0x89: {  	[tilespmem:$0x2980] =	vst v63  }
0x8a: {  	v0 =	vld [tilespmem:s8+$0x1590];
	_ =	sdelay $0x4  }
0x8b: {  	[tilespmem:$0x2990] =	vst v0  }
0x8c: {  	v0 =	vld [tilespmem:s8+$0x15A0];
	_ =	sdelay $0x4  }
0x8d: {  	[tilespmem:$0x29A0] =	vst v0  }
0x8e: {  	v0 =	vld [tilespmem:s8+$0x15B0];
	_ =	sdelay $0x4  }
0x8f: {  	[tilespmem:$0x29B0] =	vst v0  }
0x90: {  	v0 =	vld [tilespmem:s8+$0x15C0];
	_ =	sdelay $0x4  }
0x91: {  	[tilespmem:$0x29C0] =	vst v0  }
0x92: {  	v0 =	vld [tilespmem:s8+$0x15D0];
	_ =	sdelay $0x4  }
0x93: {  	[tilespmem:$0x29D0] =	vst v0  }
0x94: {  	v0 =	vld [tilespmem:s8+$0x15E0];
	_ =	sdelay $0x4  }
0x95: {  	[tilespmem:$0x29E0] =	vst v0  }
0x96: {  	v0 =	vld [tilespmem:s8+$0x15F0];
	_ =	sdelay $0x1  }
.Ltmp2:
0x97: {  	_ = 	snop;
	(pc) =	sbr.rel @p0 .LBB2_4-.Ltmp2, $3  }
0x98: {  	_ =	sdelay $0x1  }
0x99: {  	[tilespmem:$0x29F0] =	vst v0  }
0x9a: {  	[spmem:s4] =	stream.indirect.scatter.add.bf16 [tilespmem:s24], [sflag:$0x8], $0x40, s29, s16, $0xb8;
	[tilespmem:$0x14800] =	vst v63  }
.Ltmp3:
0x9b: {  	(pc) =	sbr.rel .LBB2_2-.Ltmp3, $4  }
0x9c: {  	_ =	swait.ge [sflag:s31], $0x2000  }
0x9d: {  	[sflag:s31] =	ssyncset.done $0x0  }
0x9e: {  	s8 =	sadd.s32 $0x280, s8;
	s7 =	sadd.s32 $0x800, s7;
	[sflag:s31] =	ssyncadd.s32 $0xFFFFE000  }
0x9f: {  	[tilespmem:s18], [sflag:$0x2] =	stream.indirect.gather [hbm4b:s1+s16], $0x40, s8, s16, $0xb8;
	[tilespmem:$0x14800] =	vst v63  }
.LBB2_4:
0xa0: {  	_ =	swait.ge [sflag:s30], $0x2000  }
0xa1: {  	[sflag:s30] =	ssyncset.done $0x0  }
0xa2: {  	[sflag:s30] =	ssyncadd.s32 $0xFFFFE000  }
0xa3: {  	_ =	swait.ge [sflag:s31], $0x2000  }
0xa4: {  	[sflag:s31] =	ssyncset.done $0x0  }
0xa5: {  	[sflag:s31] =	ssyncadd.s32 $0xFFFFE000  }
0xa6: {  	_ =	swait.ge [sflag:s0], $0x2000  }
0xa7: {  	[sflag:s0] =	ssyncset.done $0x0  }
0xa8: {  	[sflag:s0] =	ssyncadd.s32 $0xFFFFE000  }
0xa9: {  	_ =	swait.ge [sflag:s2], $0x2000  }
0xaa: {  	[sflag:s2] =	ssyncset.done $0x0  }
0xab: {  	s7 =	simm.s32 $0x0;
	s8 =	rddreg [dreg:$0x7];
	[sflag:s2] =	ssyncadd.s32 $0xFFFFE000  }
0xac: {  	[tilespmem:s7], [sflag:$0x9] =	stream.linear.gather [hbm4b:s8+s7], $0x1400, $0x38;
	[tilespmem:$0x14800] =	vst v63  }
0xad: {  	_ =	swait.ge [sflag:s14], $0x1400  }
0xae: {  	[sflag:s14] =	ssyncset.done $0x0  }
0xaf: {  	s9 =	simm.s32 $0x1400;
	s15 =	rddreg [dreg:$0x8];
	[sflag:s14] =	ssyncadd.s32 $0xFFFFEC00  }
0xb0: {  	[tilespmem:s9], [sflag:$0x9] =	stream.linear.gather [hbm4b:s15+s7], $0x1400, $0x38;
	[tilespmem:$0x14800] =	vst v63  }
0xb1: {  	_ =	swait.ge [sflag:s14], $0x1400  }
0xb2: {  	[sflag:s14] =	ssyncset.done $0x0  }
0xb3: {  	[sflag:s14] =	ssyncadd.s32 $0xFFFFEC00  }
0xb4: {  	[tilespmem:s17], [sflag:$0x1] =	stream.indirect.gather [hbm4b:s1+s16], $0x40, s7, s16, $0xb8;
	[tilespmem:$0x14800] =	vst v63  }
0xb5: {  	_ = 	snop  }
0xb6: {  	[tilespmem:s18], [sflag:$0x2] =	stream.indirect.gather [hbm4b:s1+s16], $0x40, s16, s16, $0xb8;
	[tilespmem:$0x14800] =	vst v63  }
.LBB2_5:
0xb7: {  	_ =	swait.ge [sflag:s19], $0x2000  }
0xb8: {  	[sflag:s19] =	ssyncset.done $0x0  }
0xb9: {  	s8 =	sshra.s32 s7, $0x2;
	[sflag:s19] =	ssyncadd.s32 $0xFFFFE000  }
0xba: {  	v0 =	vld [tilespmem:s8+$0x1400];
	_ =	sdelay $0x4  }
0xbb: {  	[tilespmem:$0x2800] =	vst v0  }
0xbc: {  	v0 =	vld [tilespmem:s8+$0x1410];
	_ =	sdelay $0x4  }
0xbd: {  	[tilespmem:$0x2810] =	vst v0  }
0xbe: {  	v0 =	vld [tilespmem:s8+$0x1420];
	_ =	sdelay $0x4  }
0xbf: {  	[tilespmem:$0x2820] =	vst v0  }
0xc0: {  	v0 =	vld [tilespmem:s8+$0x1430];
	_ =	sdelay $0x4  }
0xc1: {  	[tilespmem:$0x2830] =	vst v0  }
0xc2: {  	v0 =	vld [tilespmem:s8+$0x1440];
	_ =	sdelay $0x4  }
0xc3: {  	[tilespmem:$0x2840] =	vst v0  }
0xc4: {  	v0 =	vld [tilespmem:s8+$0x1450];
	_ =	sdelay $0x4  }
0xc5: {  	[tilespmem:$0x2850] =	vst v0  }
0xc6: {  	v0 =	vld [tilespmem:s8+$0x1460];
	_ =	sdelay $0x4  }
0xc7: {  	[tilespmem:$0x2860] =	vst v0  }
0xc8: {  	v0 =	vld [tilespmem:s8+$0x1470];
	_ =	sdelay $0x3  }
0xc9: {  	p0 =	seq.s32 s7, $0x0  }
0xca: {  	s9 =	simm.s32 @!p0 $0x7;
	[tilespmem:$0x2870] =	vst v0  }
0xcb: {  	[spmem:s4] =	stream.indirect.scatter.add.bf16 [tilespmem:s17], [sflag:$0x5], $0x40, s20, s16, $0xb8;
	[tilespmem:$0x14800] =	vst v63  }
0xcc: {  	_ =	swait.ge @!p0 [sflag:s9], $0x2000  }
0xcd: {  	[sflag:s9] =	ssyncset.done @!p0 $0x0  }
0xce: {  	s10 =	sadd.s32 $0x100, s8;
	[sflag:s9] =	ssyncadd.s32 @!p0 $0xFFFFE000  }
0xcf: {  	[tilespmem:s21], [sflag:$0x3] =	stream.indirect.gather [hbm4b:s1+s16], $0x40, s10, s16, $0xb8;
	[tilespmem:$0x14800] =	vst v63  }
0xd0: {  	_ =	swait.ge [sflag:s22], $0x2000  }
0xd1: {  	[sflag:s22] =	ssyncset.done $0x0  }
0xd2: {  	[sflag:s22] =	ssyncadd.s32 $0xFFFFE000  }
0xd3: {  	v61 =	vld [tilespmem:s8+$0x1480];
	_ =	sdelay $0x4  }
0xd4: {  	[tilespmem:$0x2880] =	vst v61  }
0xd5: {  	v0 =	vld [tilespmem:s8+$0x1490];
	_ =	sdelay $0x4  }
0xd6: {  	[tilespmem:$0x2890] =	vst v0  }
0xd7: {  	v0 =	vld [tilespmem:s8+$0x14A0];
	_ =	sdelay $0x4  }
0xd8: {  	[tilespmem:$0x28A0] =	vst v0  }
0xd9: {  	v0 =	vld [tilespmem:s8+$0x14B0];
	_ =	sdelay $0x4  }
0xda: {  	[tilespmem:$0x28B0] =	vst v0  }
0xdb: {  	v0 =	vld [tilespmem:s8+$0x14C0];
	_ =	sdelay $0x4  }
0xdc: {  	[tilespmem:$0x28C0] =	vst v0  }
0xdd: {  	v0 =	vld [tilespmem:s8+$0x14D0];
	_ =	sdelay $0x4  }
0xde: {  	[tilespmem:$0x28D0] =	vst v0  }
0xdf: {  	v0 =	vld [tilespmem:s8+$0x14E0];
	_ =	sdelay $0x4  }
0xe0: {  	[tilespmem:$0x28E0] =	vst v0  }
0xe1: {  	v0 =	vld [tilespmem:s8+$0x14F0];
	_ =	sdelay $0x4  }
0xe2: {  	s9 =	simm.s32 @!p0 $0x8;
	[tilespmem:$0x28F0] =	vst v0  }
0xe3: {  	[spmem:s4] =	stream.indirect.scatter.add.bf16 [tilespmem:s18], [sflag:$0x6], $0x40, s23, s16, $0xb8;
	[tilespmem:$0x14800] =	vst v63  }
0xe4: {  	_ =	swait.ge @!p0 [sflag:s9], $0x2000  }
0xe5: {  	[sflag:s9] =	ssyncset.done @!p0 $0x0  }
0xe6: {  	s15 =	sadd.s32 $0x180, s8;
	[sflag:s9] =	ssyncadd.s32 @!p0 $0xFFFFE000  }
0xe7: {  	[tilespmem:s24], [sflag:$0x4] =	stream.indirect.gather [hbm4b:s1+s16], $0x40, s15, s16, $0xb8;
	[tilespmem:$0x14800] =	vst v63  }
0xe8: {  	_ =	swait.ge [sflag:s25], $0x2000  }
0xe9: {  	[sflag:s25] =	ssyncset.done $0x0  }
0xea: {  	[sflag:s25] =	ssyncadd.s32 $0xFFFFE000  }
0xeb: {  	v62 =	vld [tilespmem:s8+$0x1500];
	_ =	sdelay $0x4  }
0xec: {  	[tilespmem:$0x2900] =	vst v62  }
0xed: {  	v0 =	vld [tilespmem:s8+$0x1510];
	_ =	sdelay $0x4  }
0xee: {  	[tilespmem:$0x2910] =	vst v0  }
0xef: {  	v0 =	vld [tilespmem:s8+$0x1520];
	_ =	sdelay $0x4  }
0xf0: {  	[tilespmem:$0x2920] =	vst v0  }
0xf1: {  	v0 =	vld [tilespmem:s8+$0x1530];
	_ =	sdelay $0x4  }
0xf2: {  	[tilespmem:$0x2930] =	vst v0  }
0xf3: {  	v0 =	vld [tilespmem:s8+$0x1540];
	_ =	sdelay $0x4  }
0xf4: {  	[tilespmem:$0x2940] =	vst v0  }
0xf5: {  	v0 =	vld [tilespmem:s8+$0x1550];
	_ =	sdelay $0x4  }
0xf6: {  	[tilespmem:$0x2950] =	vst v0  }
0xf7: {  	v0 =	vld [tilespmem:s8+$0x1560];
	_ =	sdelay $0x4  }
0xf8: {  	[tilespmem:$0x2960] =	vst v0  }
0xf9: {  	v0 =	vld [tilespmem:s8+$0x1570];
	_ =	sdelay $0x3  }
0xfa: {  	p0 =	seq.s32 s7, $0x4800  }
0xfb: {  	s9 =	simm.s32 @!p0 $0x5;
	[tilespmem:$0x2970] =	vst v0  }
0xfc: {  	[spmem:s4] =	stream.indirect.scatter.add.bf16 [tilespmem:s21], [sflag:$0x7], $0x40, s26, s16, $0xb8;
	[tilespmem:$0x14800] =	vst v63  }
0xfd: {  	_ =	swait.ge @!p0 [sflag:s9], $0x2000  }
0xfe: {  	[sflag:s9] =	ssyncset.done @!p0 $0x0  }
0xff: {  	[sflag:s9] =	ssyncadd.s32 @!p0 $0xFFFFE000;
	s9 =	sshra.s32 @!p0 s7, $0x2  }
0x100: {  	s10 =	simm.s32 @!p0 $0x80;
	s15 =	simm.s32 @!p0 $0x2A00;
	s9 =	sadd.s32 @!p0 $0x200, s9  }
0x101: {  	[tilespmem:s15], [sflag:$0x1] =	stream.indirect.gather @!p0 [hbm4b:s1+s10], $0x40, s9, s10, $0xb8;
	[tilespmem:$0x14800] =	vst v63  }
0x102: {  	_ =	swait.ge [sflag:s28], $0x2000  }
0x103: {  	[sflag:s28] =	ssyncset.done $0x0  }
0x104: {  	[sflag:s28] =	ssyncadd.s32 $0xFFFFE000  }
0x105: {  	v63 =	vld [tilespmem:s8+$0x1580];
	_ =	sdelay $0x4  }
0x106: {  	[tilespmem:$0x2980] =	vst v63  }
0x107: {  	v0 =	vld [tilespmem:s8+$0x1590];
	_ =	sdelay $0x4  }
0x108: {  	[tilespmem:$0x2990] =	vst v0  }
0x109: {  	v0 =	vld [tilespmem:s8+$0x15A0];
	_ =	sdelay $0x4  }
0x10a: {  	[tilespmem:$0x29A0] =	vst v0  }
0x10b: {  	v0 =	vld [tilespmem:s8+$0x15B0];
	_ =	sdelay $0x4  }
0x10c: {  	[tilespmem:$0x29B0] =	vst v0  }
0x10d: {  	v0 =	vld [tilespmem:s8+$0x15C0];
	_ =	sdelay $0x4  }
0x10e: {  	[tilespmem:$0x29C0] =	vst v0  }
0x10f: {  	v0 =	vld [tilespmem:s8+$0x15D0];
	_ =	sdelay $0x4  }
0x110: {  	[tilespmem:$0x29D0] =	vst v0  }
0x111: {  	v0 =	vld [tilespmem:s8+$0x15E0];
	_ =	sdelay $0x4  }
0x112: {  	[tilespmem:$0x29E0] =	vst v0  }
0x113: {  	v0 =	vld [tilespmem:s8+$0x15F0];
	_ =	sdelay $0x1  }
.Ltmp4:
0x114: {  	_ = 	snop;
	(pc) =	sbr.rel @p0 .LBB2_7-.Ltmp4, $3  }
0x115: {  	_ =	sdelay $0x1  }
0x116: {  	[tilespmem:$0x29F0] =	vst v0  }
0x117: {  	[spmem:s4] =	stream.indirect.scatter.add.bf16 [tilespmem:s24], [sflag:$0x8], $0x40, s29, s16, $0xb8;
	[tilespmem:$0x14800] =	vst v63  }
.Ltmp5:
0x118: {  	(pc) =	sbr.rel .LBB2_5-.Ltmp5, $4  }
0x119: {  	_ =	swait.ge [sflag:s31], $0x2000  }
0x11a: {  	[sflag:s31] =	ssyncset.done $0x0  }
0x11b: {  	s8 =	sadd.s32 $0x280, s8;
	s7 =	sadd.s32 $0x800, s7;
	[sflag:s31] =	ssyncadd.s32 $0xFFFFE000  }
0x11c: {  	[tilespmem:s18], [sflag:$0x2] =	stream.indirect.gather [hbm4b:s1+s16], $0x40, s8, s16, $0xb8;
	[tilespmem:$0x14800] =	vst v63  }
.LBB2_8:
0x11d: {  	_ =	sfence.sel $0x180000  }
0x11e: {  	[bflag:$0x0] =	sbarrier.arrive $0xFFFF  }
0x11f: {  	_ =	strace $0x9000004A  }
0x120: {  	s0 =	stileid.u32;
	[bflag:$0x2] =	sbarrier.arrive $0xFFFF  }
0x121: {  	p0 =	sne.s32 s0, $0x0;
	s0 =	rddreg [dreg:$0x4]  }
0x122: {  	s0 =	sadd.s32 @!p0 $0x100000, s0  }
0x123: {  	[sflag:s0] =	ssyncadd.tile.s32 @!p0 $0x1;
	_ =	shalt  }
.Lfunc_end2:
_tile_overlayer_lowered:
.L_overlay_start_2:
0x124: {  	(tag) =	ssettag $0x2  }
0x125: {  	s0 =	rddreg [dreg:$0x0];
	s2 =	stileid.u32  }
0x126: {  	s1 =	rddreg [dreg:$0x1];
	p0 =	sne.s32 s2, $0x0  }
0x127: {  	s3 =	rddreg [dreg:$0x2];
	[bflag:$0x3] =	sbarrier.arrive $0xFFFF;
	s2 =	simm.s32 @!p0 $0x1C09  }
0x128: {  	[timem:s3], [sflag:s2] =	dma.local @!p0 [hbm:s0], s1  }
0x129: {  	s0 =	simm.s32 @!p0 $0x9  }
0x12a: {  	_ =	swait.ge @!p0 [sflag:s0], s1  }
0x12b: {  	s1 =	ssub.s32 @!p0 $0x0, s1;
	[sflag:s0] =	ssyncset.done @!p0 $0x0  }
0x12c: {  	[sflag:s0] =	ssyncadd.s32 @!p0 s1  }
0x12d: {  	[bflag:$0x3] =	sbarrier.arrive $0xFFFF  }
0x12e: {  	_ =	shalt  }

// kernel: kernel.14.cloned.1.call-start
scs
__scs_entry_jumppad:
0x0: {  	(pc) =	sbr.rel $0x88, $3  }
0x1: {  	(tag) =	ssettag $0x0;
	lr =	simm.s32 $0x1  }
0x2: {  	[smem:$0x3F97] =	sst lr;
	_ =	strace $0xD0000000  }
0x3: {  	_ = 	snop  }
0x4: {  	_ = 	snop  }
0x5: {  	_ = 	snop  }
0x6: {  	_ = 	snop  }
0x7: {  	_ = 	snop  }
__scs_overlays_trampoline_lowered:
0x8: {  	[smem:$0x3FA6] =	sst s0  }
0x9: {  	[smem:$0x3FA7] =	sst s1  }
0xa: {  	[smem:$0x3FA8] =	sst s2  }
0xb: {  	[smem:$0x3FA9] =	sst s3  }
0xc: {  	[smem:$0x3FAA] =	sst s4  }
0xd: {  	[smem:$0x3FAB] =	sst s5  }
0xe: {  	[smem:$0x3FAC] =	sst s6  }
0xf: {  	[smem:$0x3FAD] =	sst s7  }
0x10: {  	[smem:$0x3FAE] =	sst s8  }
0x11: {  	[smem:$0x3FAF] =	sst s9;
	s0 =	simm.s32 @!p0 $0x0  }
0x12: {  	s1 =	sld [smem:$0x3F95];
	s0 =	simm.s32 @p0 $0x1  }
0x13: {  	[smem:$0x3FB0] =	sst s0;
	s0 =	simm.s32 @!p1 $0x0  }
0x14: {  	s2 =	sld [smem:$0x3F94];
	s0 =	simm.s32 @p1 $0x1  }
0x15: {  	[smem:$0x3FB1] =	sst s0;
	s0 =	simm.s32 @!p2 $0x0  }
0x16: {  	s3 =	sld [smem:$0x3FDB];
	s0 =	simm.s32 @p2 $0x1  }
0x17: {  	s4 =	simm.s32 $0x1BF5;
	[smem:$0x3FB3] =	sst s0  }
0x18: {  	s0 =	sld [smem:$0x3F96];
	_ =	swait.ge [sflag:s4], $0x0  }
0x19: {  	s7 =	sld [smem:$0x3F97]  }
0x1a: {  	s8 =	sadd.s32 $0xFFFFE003, lr  }
0x1b: {  	s9 =	sadd.s32 $0xFFFFFEF7, lr;
	s5 =	simm.s32 $0xFFFFFFFF;
	p2 =	slt.u32 s8, $0xFFFFF086  }
0x1c: {  	p1 =	slt.u32 s9, $0xF7A;
	s5 =	simm.s32 @!p2 $0x0  }
0x1d: {  	s5 =	simm.s32 @p1 $0x1;
	p0 =	seq.s32 s7, s2  }
0x1e: {  	s7 =	smul.u32 @!p0 $0xF7A, s2;
	p2 =	seq.s32 @!p0 s5, $0x0  }
0x1f: {  	s9 =	smul.u32 $0xF7A, s1;
	s8 =	simm.s32 @!p0 $0x1BF5;
	p2 =	por !p2, p0  }
0x20: {  	[sflag:s8] =	ssyncset.s32 @!p0 $0xFFFFF086;
	s6 =	sadd.s32 @!p0 s3, s7;
	s7 =	simm.s32 @!p0 $0x108  }
0x21: {  	s3 =	sadd.s32 s3, s9;
	s6 =	sadd.s32 @!p0 $0x88, s6;
	s7 =	simm.s32 @p2 $0x1082  }
0x22: {  	[simem:s7], [sflag:s8] =	dma.local @!p0 [hbm:s6], $0xF7A  }
0x23: {  	s9 =	sor.u32 $0xD0000000, s2;
	s6 =	simm.s32 $0x108;
	_ =	swait.ge @!p0 [sflag:s8], $0x0  }
0x24: {  	s3 =	sadd.s32 $0x88, s3;
	s6 =	simm.s32 @!p1 $0x1082;
	[sflag:s4] =	ssyncset.s32 $0xFFFFF086  }
0x25: {  	[simem:s6], [sflag:s4] =	dma.local [hbm:s3], $0xF7A  }
0x26: {  	[smem:$0x3F97] =	sst s1;
	(tag) =	ssettag s2;
	_ =	strace s9  }
0x27: {  	s1 =	sld [smem:$0x3FA7]  }
0x28: {  	s2 =	sld [smem:$0x3FA8]  }
0x29: {  	s4 =	sld [smem:$0x3FAA]  }
0x2a: {  	p0 =	seq.s32 s5, $0x0;
	s5 =	sld [smem:$0x3FAB]  }
0x2b: {  	s6 =	sld [smem:$0x3FAC]  }
0x2c: {  	s7 =	sld [smem:$0x3FAD]  }
0x2d: {  	s3 =	simm.s32 $0x108;
	s8 =	sld [smem:$0x3FAE]  }
0x2e: {  	s3 =	simm.s32 @!p0 $0x1082;
	s9 =	sld [smem:$0x3FAF]  }
0x2f: {  	lr =	sadd.s32 s0, s3;
	s0 =	sld [smem:$0x3FA6]  }
0x30: {  	s3 =	sld [smem:$0x3FA9]  }
0x31: {  	[smem:$0x3FB2] =	sst s10  }
0x32: {  	s10 =	sld [smem:$0x3FB0];
	_ =	sdelay $0x3  }
0x33: {  	p0 =	seq.s32 s10, $0x1;
	s10 =	sld [smem:$0x3FB2];
	_ =	sdelay $0x3  }
0x34: {  	[smem:$0x3FB2] =	sst s10  }
0x35: {  	s10 =	sld [smem:$0x3FB1];
	_ =	sdelay $0x3  }
0x36: {  	p1 =	seq.s32 s10, $0x1;
	s10 =	sld [smem:$0x3FB2];
	_ =	sdelay $0x3  }
0x37: {  	[smem:$0x3FB2] =	sst s10  }
0x38: {  	s10 =	sld [smem:$0x3FB3]  }
0x39: {  	_ = 	snop;
	(pc) =	sbr.ind lr, $3  }
0x3a: {  	_ = 	snop  }
0x3b: {  	_ = 	snop  }
0x3c: {  	p2 =	seq.s32 s10, $0x1;
	s10 =	sld [smem:$0x3FB2]  }
0x3d: {  	_ =	shalt  }
0x3e: {  	_ =	shalt  }
0x3f: {  	_ =	shalt  }
0x40: {  	_ =	shalt  }
0x41: {  	_ =	shalt  }
0x42: {  	_ =	shalt  }
0x43: {  	_ =	shalt  }
0x44: {  	_ =	shalt  }
0x45: {  	_ =	shalt  }
0x46: {  	_ =	shalt  }
0x47: {  	_ =	shalt  }
0x48: {  	_ =	shalt  }
0x49: {  	_ =	shalt  }
0x4a: {  	_ =	shalt  }
0x4b: {  	_ =	shalt  }
0x4c: {  	_ =	shalt  }
0x4d: {  	_ =	shalt  }
0x4e: {  	_ =	shalt  }
0x4f: {  	_ =	shalt  }
0x50: {  	_ =	shalt  }
0x51: {  	_ =	shalt  }
0x52: {  	_ =	shalt  }
0x53: {  	_ =	shalt  }
0x54: {  	_ =	shalt  }
0x55: {  	_ =	shalt  }
0x56: {  	_ =	shalt  }
0x57: {  	_ =	shalt  }
0x58: {  	_ =	shalt  }
0x59: {  	_ =	shalt  }
0x5a: {  	_ =	shalt  }
0x5b: {  	_ =	shalt  }
0x5c: {  	_ =	shalt  }
0x5d: {  	_ =	shalt  }
0x5e: {  	_ =	shalt  }
0x5f: {  	_ =	shalt  }
0x60: {  	_ =	shalt  }
0x61: {  	_ =	shalt  }
0x62: {  	_ =	shalt  }
0x63: {  	_ =	shalt  }
0x64: {  	_ =	shalt  }
0x65: {  	_ =	shalt  }
0x66: {  	_ =	shalt  }
0x67: {  	_ =	shalt  }
0x68: {  	_ =	shalt  }
0x69: {  	_ =	shalt  }
0x6a: {  	_ =	shalt  }
0x6b: {  	_ =	shalt  }
0x6c: {  	_ =	shalt  }
0x6d: {  	_ =	shalt  }
0x6e: {  	_ =	shalt  }
0x6f: {  	_ =	shalt  }
0x70: {  	_ =	shalt  }
0x71: {  	_ =	shalt  }
0x72: {  	_ =	shalt  }
0x73: {  	_ =	shalt  }
0x74: {  	_ =	shalt  }
0x75: {  	_ =	shalt  }
0x76: {  	_ =	shalt  }
0x77: {  	_ =	shalt  }
0x78: {  	_ =	shalt  }
0x79: {  	_ =	shalt  }
0x7a: {  	_ =	shalt  }
0x7b: {  	_ =	shalt  }
0x7c: {  	_ =	shalt  }
0x7d: {  	_ =	shalt  }
0x7e: {  	_ =	shalt  }
0x7f: {  	_ =	shalt  }
0x80: {  	_ =	shalt  }
0x81: {  	_ =	shalt  }
0x82: {  	_ =	shalt  }
0x83: {  	_ =	shalt  }
0x84: {  	_ =	shalt  }
0x85: {  	_ =	shalt  }
0x86: {  	_ =	shalt  }
0x87: {  	_ =	shalt  }
.Lfunc_end0:
.L_simem_size_0:
called_computation.2_lowered:
.L_overlay_start_0:
0x88: {  	s2 =	sld [smem:$0x3FD9]  }
0x89: {  	s3 =	sld [smem:$0x3FFE];
	_ =	sdelay $0x1  }
0x8a: {  	s1 =	srdreg.scid  }
0x8b: {  	s0 =	sand.u32 $0x1, s1  }
0x8c: {  	s14 =	sshll.u32 s0, $0xA;
	s2 =	sadd.s32 s3, s2  }
0x8d: {  	s2 =	sadd.s32 s2, s14  }
0x8e: {  	[smem:$0x3FBE] =	sst s2  }
0x8f: {  	_ = 	snop  }
0x90: {  	s2 =	sld [smem:$0x3FD0];
	_ =	sdelay $0x2  }
0x91: {  	s15 =	simm.s32 $0xA;
	s4 =	simm.s32 $0x10  }
0x92: {  	[smem:s4], [sflag:s15] =	dma.local [hbm:s2], $0x1  }
0x93: {  	_ =	swait.eq [sflag:s15], $0x1  }
0x94: {  	[sflag:s15] =	ssyncset.done $0x0  }
0x95: {  	s16 =	sld [smem:$0x10];
	[sflag:s15] =	ssyncadd.s32 $0xFFFFFFFF  }
0x96: {  	s17 =	sld [smem:$0x11];
	(tm) =	ssettm $0x1  }
0x97: {  	s18 =	sld [smem:$0x3FFB];
	_ =	sdelay $0x3  }
0x98: {  	_ =	strace s18  }
0x99: {  	s4 =	sld [smem:$0x3FFC];
	_ =	sdelay $0x3  }
0x9a: {  	_ =	strace s4  }
0x9b: {  	s4 =	sld [smem:$0x3FFD];
	_ =	sdelay $0x3  }
0x9c: {  	_ =	strace s4  }
0x9d: {  	_ =	strace $0x8FFFFFFF  }
0x9e: {  	s19 =	sld [smem:$0x3FDB];
	_ =	sdelay $0x1  }
0x9f: {  	s5 =	simm.s32 $_scs_section_size  }
0xa0: {  	s6 =	simm.s32 $_size__tile_overlayer_lowered;
	s7 =	simm.s32 $_tile_overlayer_lowered  }
0xa1: {  	s22 =	simm.s32 $0x1BFF;
	s21 =	sshll.u32 s7, $0x1;
	s4 =	sadd.s32 s5, s19  }
0xa2: {  	s8 =	simm.s32 $0x0;
	s20 =	sshll.u32 s6, $0x1;
	s6 =	sadd.s32 s21, s4  }
0xa3: {  	[timem:s8], [sflag:s22] =	dma.local [hbm:s6], s20  }
0xa4: {  	_ =	swait.ge [sflag:s22], s20  }
0xa5: {  	s5 =	ssub.s32 $0x0, s20;
	[sflag:s22] =	ssyncset.done $0x0  }
0xa6: {  	[sflag:s22] =	ssyncadd.s32 s5;
	_ =	sdelay $0x1  }
0xa7: {  	s23 =	simm.s32 $0x1B8B  }
0xa8: {  	_ =	swait.ge [sflag:s23], $0x1  }
0xa9: {  	[sflag:s23] =	ssyncset.done $0x0  }
0xaa: {  	s25 =	simm.s32 $0x1B8E;
	s24 =	sld [smem:$0x3FFE];
	[sflag:s23] =	ssyncadd.s32 $0xFFFFFFFF  }
0xab: {  	s26 =	simm.s32 $execute0_lowered;
	[smem:$0x3FD2] =	sst s25  }
0xac: {  	s6 =	sshll.u32 s26, $0x1;
	_ =	strace $0x8000004C;
	[dreg:$0x1] =	wrdreg $0xFFFFFFFF  }
0xad: {  	s28 =	simm.s32 $_size_execute0_lowered;
	s4 =	sadd.s32 s4, s6;
	[dreg:$0x0] =	wrdreg $0x0  }
0xae: {  	s6 =	sshll.u32 s28, $0x1;
	[dreg:$0x2] =	wrdreg s4  }
0xaf: {  	[dreg:$0x3] =	wrdreg s6  }
0xb0: {  	[dreg:$0x4] =	wrdreg $0xC0  }
0xb1: {  	_ =	task [dreg:s8], $0x5FFFF  }
0xb2: {  	[dreg:$0x1] =	wrdreg $0xFFFFFFFF  }
0xb3: {  	[dreg:$0x0] =	wrdreg $0x60  }
0xb4: {  	[dreg:$0x2] =	wrdreg s16  }
0xb5: {  	[dreg:$0x3] =	wrdreg s24  }
0xb6: {  	[dreg:$0x4] =	wrdreg s17  }
0xb7: {  	[dreg:$0x5] =	wrdreg $0x8A000  }
0xb8: {  	[dreg:$0x6] =	wrdreg $0xCA000  }
0xb9: {  	[dreg:$0x7] =	wrdreg $0x9  }
0xba: {  	_ =	task.clear_ibuf [dreg:s8], $0x8FFFF;
	_ =	strace $0x9000004C  }
0xbb: {  	s29 =	simm.s32 $0x9;
	_ =	strace $0x8000004E  }
0xbc: {  	_ =	swait.ge [sflag:s29], $0x1  }
0xbd: {  	[sflag:s29] =	ssyncadd.s32 $0xFFFFFFFF  }
0xbe: {  	_ =	strace $0x9000004E  }
0xbf: {  	_ =	sfence  }
0xc0: {  	s30 =	sld [smem:$0x0];
	_ =	sdelay $0x2  }
0xc1: {  	s31 =	sshll.u32 s1, $0xD;
	s1 =	sshrl.u32 s1, $0x2  }
0xc2: {  	s3 =	sand.u32 $0x4000, s31;
	s1 =	sadd.s32 s1, s30  }
0xc3: {  	s0 =	sor.u32 s3, s0;
	s1 =	sshll.u32 s1, $0x11  }
0xc4: {  	s0 =	sor.u32 s1, s0  }
0xc5: {  	s0 =	sadd.s32 $0x8F2B, s0  }
0xc6: {  	[sflag:s0] =	ssyncadd.remote.s32 $0x1  }
0xc7: {  	_ =	sfence.sel $0xFFFF  }
0xc8: {  	[dreg:$0x0] =	wrdreg $0xFFFFFFFF;
	(pc) =	sbr.abs _section_cstart, $3  }
0xc9: {  	[dreg:$0x1] =	wrdreg $0xFFFFFFFF  }
0xca: {  	_ =	task.clear_ibuf [dreg:s8], $0x2FFFF;
	_ =	strace $0x9FFFFFFF  }
0xcb: {  	(tm) =	ssettm $0x7FFFFFFF  }
tec
execute0_lowered:
.L_overlay_start_1:
0x0: {  	(tag) =	ssettag $0x1  }
0x1: {  	s1 =	srdreg.scid  }
0x2: {  	s15 =	rddreg [dreg:$0x0];
	s1 =	sand.u32 $0x1, s1  }
0x3: {  	s2 =	rddreg [dreg:$0x1];
	p0 =	seq.s32 s1, $0x1  }
.Ltmp0:
0x4: {  	s8 =	rddreg [dreg:$0x2];
	(pc) =	sbr.rel @p0 .LBB2_2-.Ltmp0, $4  }
0x5: {  	s7 =	rddreg [dreg:$0x3]  }
0x6: {  	s3 =	rddreg [dreg:$0x4];
	s9 =	simm.s32 $0x0  }
0x7: {  	[smem:$0x7FF] =	sst s9  }
0x8: {  	s0 =	rddreg [dreg:$0x5];
	_ =	strace $0x8000004D;
	s1 =	stileid.u32  }
0x9: {  	s6 =	sshll.u32 s1, $0xE  }
0xa: {  	s10 =	sshll.u32 s1, $0x6;
	s5 =	sadd.s32 s6, s7  }
0xb: {  	s4 =	sor.u32 $0x1C03, s10;
	s5 =	sshrl.u32 s5, $0x3  }
0xc: {  	[spmem:s5], [sflag:s4] =	dma.local [hbm:s8], $0x800  }
0xd: {  	s5 =	simm.s32 $0x3  }
0xe: {  	_ =	swait.ge [sflag:s5], $0x800  }
0xf: {  	s6 =	sadd.s32 s6, s3;
	[sflag:s5] =	ssyncset.done $0x0  }
0x10: {  	s6 =	sshrl.u32 s6, $0x3;
	[sflag:s5] =	ssyncadd.s32 $0xFFFFF800  }
0x11: {  	[spmem:s6], [sflag:s4] =	dma.local [hbm:s8], $0x800  }
0x12: {  	s13 =	smul.u32 $0x50, s1;
	_ =	swait.ge [sflag:s5], $0x800  }
0x13: {  	s11 =	sadd.s32 $0x3DE00, s2;
	[sflag:s5] =	ssyncset.done $0x0  }
0x14: {  	s11 =	sadd.s32 s11, s13;
	[sflag:s5] =	ssyncadd.s32 $0xFFFFF800  }
0x15: {  	[tilespmem:s9], [sflag:$0x3] =	stream.linear.gather [hbm4b:s11+s9], $0x280, $0x38;
	[tilespmem:$0x10A00] =	vst v63  }
0x16: {  	_ =	swait.ge [sflag:s5], $0x280  }
0x17: {  	s14 =	sadd.s32 $0x3D800, s2;
	[sflag:s5] =	ssyncset.done $0x0  }
0x18: {  	s16 =	simm.s32 $0x280;
	s8 =	sadd.s32 s14, s13;
	[sflag:s5] =	ssyncadd.s32 $0xFFFFFD80  }
0x19: {  	[tilespmem:s16], [sflag:$0x3] =	stream.linear.gather [hbm4b:s8+s9], $0x280, $0x38;
	[tilespmem:$0x10A00] =	vst v63  }
0x1a: {  	_ =	swait.ge [sflag:s5], $0x280  }
0x1b: {  	s17 =	sadd.s32 $0x3D000, s2;
	[sflag:s5] =	ssyncset.done $0x0  }
0x1c: {  	s8 =	sadd.s32 s17, s10;
	s16 =	simm.s32 $0x500;
	[sflag:s5] =	ssyncadd.s32 $0xFFFFFD80  }
0x1d: {  	[tilespmem:s16], [sflag:$0x3] =	stream.linear.gather [hbm4b:s8+s9], $0x200, $0x38;
	[tilespmem:$0x10A00] =	vst v63  }
0x1e: {  	_ =	swait.ge [sflag:s5], $0x200  }
0x1f: {  	s18 =	sadd.s32 $0x3D400, s2;
	[sflag:s5] =	ssyncset.done $0x0  }
0x20: {  	s19 =	simm.s32 $0x700;
	s8 =	sadd.s32 s18, s10;
	[sflag:s5] =	ssyncadd.s32 $0xFFFFFE00  }
0x21: {  	[tilespmem:s19], [sflag:$0x3] =	stream.linear.gather [hbm4b:s8+s9], $0x200, $0x38;
	[tilespmem:$0x10A00] =	vst v63  }
0x22: {  	_ =	swait.ge [sflag:s5], $0x200  }
0x23: {  	[sflag:s5] =	ssyncset.done $0x0  }
0x24: {  	[sflag:s5] =	ssyncadd.s32 $0xFFFFFE00  }
0x25: {  	s20 =	simm.s32 $0x80;
	s21 =	simm.s32 $0xA00;
	[bflag:$0x0] =	sbarrier.arrive $0xFFFF  }
0x26: {  	[tilespmem:s21], [sflag:$0x1] =	stream.indirect.gather [hbm4b:s15+s20], $0x80, s9, s20, $0xb8;
	[tilespmem:$0x10A00] =	vst v63  }
0x27: {  	s22 =	simm.s32 $0x4A00;
	s23 =	simm.s32 $0x1  }
0x28: {  	[tilespmem:s22], [sflag:$0x2] =	stream.indirect.gather [hbm4b:s15+s20], $0x80, s20, s20, $0xb8;
	[tilespmem:$0x10A00] =	vst v63  }
0x29: {  	_ =	swait.ge [sflag:s23], $0x4000  }
0x2a: {  	[sflag:s23] =	ssyncset.done $0x0  }
0x2b: {  	[sflag:s23] =	ssyncadd.s32 $0xFFFFC000  }
0x2c: {  	v0 =	vld [tilespmem:$0x280]  }
0x2d: {  	v1 =	vld [tilespmem:$0x290]  }
0x2e: {  	v2 =	vld [tilespmem:$0x2A0]  }
0x2f: {  	v3 =	vld [tilespmem:$0x2B0]  }
0x30: {  	v4 =	vld [tilespmem:$0x2C0]  }
0x31: {  	v56 =	vld [tilespmem:$0x2D0];
	[tilespmem:$0x900] =	vst v0  }
0x32: {  	v57 =	vld [tilespmem:$0x2E0];
	[tilespmem:$0x910] =	vst v1  }
0x33: {  	v58 =	vld [tilespmem:$0x2F0];
	[tilespmem:$0x920] =	vst v2  }
0x34: {  	[tilespmem:$0x930] =	vst v3  }
0x35: {  	[tilespmem:$0x940] =	vst v4  }
0x36: {  	[tilespmem:$0x950] =	vst v56  }
0x37: {  	[tilespmem:$0x960] =	vst v57  }
0x38: {  	s12 =	simm.s32 $0x900;
	[tilespmem:$0x970] =	vst v58  }
0x39: {  	[spmem:s7] =	stream.indirect.scatter.add.f32 [tilespmem:s21], [sflag:$0x3], $0x80, s12, s20, $0xb8;
	[tilespmem:$0x10A00] =	vst v63  }
0x3a: {  	_ =	swait.ge [sflag:s5], $0x4000  }
0x3b: {  	[sflag:s5] =	ssyncset.done $0x0  }
0x3c: {  	s24 =	simm.s32 $0x2;
	s13 =	simm.s32 $0x100;
	[sflag:s5] =	ssyncadd.s32 $0xFFFFC000  }
0x3d: {  	[tilespmem:s21], [sflag:$0x1] =	stream.indirect.gather [hbm4b:s15+s20], $0x80, s13, s20, $0xb8;
	[tilespmem:$0x10A00] =	vst v63  }
0x3e: {  	_ =	swait.ge [sflag:s24], $0x4000  }
0x3f: {  	[sflag:s24] =	ssyncset.done $0x0  }
0x40: {  	[sflag:s24] =	ssyncadd.s32 $0xFFFFC000  }
0x41: {  	v59 =	vld [tilespmem:$0x300]  }
0x42: {  	v60 =	vld [tilespmem:$0x310]  }
0x43: {  	v61 =	vld [tilespmem:$0x320]  }
0x44: {  	v62 =	vld [tilespmem:$0x330]  }
0x45: {  	v63 =	vld [tilespmem:$0x340]  }
0x46: {  	v5 =	vld [tilespmem:$0x350];
	[tilespmem:$0x980] =	vst v59  }
0x47: {  	v6 =	vld [tilespmem:$0x360];
	[tilespmem:$0x990] =	vst v60  }
0x48: {  	v7 =	vld [tilespmem:$0x370];
	[tilespmem:$0x9A0] =	vst v61  }
0x49: {  	[tilespmem:$0x9B0] =	vst v62  }
0x4a: {  	[tilespmem:$0x9C0] =	vst v63  }
0x4b: {  	[tilespmem:$0x9D0] =	vst v5  }
0x4c: {  	[tilespmem:$0x9E0] =	vst v6  }
0x4d: {  	s14 =	simm.s32 $0x980;
	[tilespmem:$0x9F0] =	vst v7  }
0x4e: {  	[spmem:s7] =	stream.indirect.scatter.add.f32 [tilespmem:s22], [sflag:$0x3], $0x80, s14, s20, $0xb8;
	[tilespmem:$0x10A00] =	vst v63  }
0x4f: {  	_ =	swait.ge [sflag:s5], $0x4000  }
0x50: {  	[sflag:s5] =	ssyncset.done $0x0  }
0x51: {  	s17 =	simm.s32 $0x180;
	[sflag:s5] =	ssyncadd.s32 $0xFFFFC000  }
0x52: {  	[tilespmem:s22], [sflag:$0x2] =	stream.indirect.gather [hbm4b:s15+s20], $0x80, s17, s20, $0xb8;
	[tilespmem:$0x10A00] =	vst v63  }
0x53: {  	_ =	swait.ge [sflag:s23], $0x4000  }
0x54: {  	[sflag:s23] =	ssyncset.done $0x0  }
0x55: {  	[sflag:s23] =	ssyncadd.s32 $0xFFFFC000  }
0x56: {  	v8 =	vld [tilespmem:$0x380]  }
0x57: {  	v9 =	vld [tilespmem:$0x390]  }
0x58: {  	v10 =	vld [tilespmem:$0x3A0]  }
0x59: {  	v11 =	vld [tilespmem:$0x3B0]  }
0x5a: {  	v12 =	vld [tilespmem:$0x3C0]  }
0x5b: {  	v13 =	vld [tilespmem:$0x3D0];
	[tilespmem:$0x900] =	vst v8  }
0x5c: {  	v14 =	vld [tilespmem:$0x3E0];
	[tilespmem:$0x910] =	vst v9  }
0x5d: {  	v15 =	vld [tilespmem:$0x3F0];
	[tilespmem:$0x920] =	vst v10  }
0x5e: {  	[tilespmem:$0x930] =	vst v11  }
0x5f: {  	[tilespmem:$0x940] =	vst v12  }
0x60: {  	[tilespmem:$0x950] =	vst v13  }
0x61: {  	[tilespmem:$0x960] =	vst v14  }
0x62: {  	[tilespmem:$0x970] =	vst v15  }
0x63: {  	[spmem:s7] =	stream.indirect.scatter.add.f32 [tilespmem:s21], [sflag:$0x3], $0x80, s12, s20, $0xb8;
	[tilespmem:$0x10A00] =	vst v63  }
0x64: {  	_ =	swait.ge [sflag:s5], $0x4000  }
0x65: {  	[sflag:s5] =	ssyncset.done $0x0  }
0x66: {  	s25 =	simm.s32 $0x200;
	[sflag:s5] =	ssyncadd.s32 $0xFFFFC000  }
0x67: {  	[tilespmem:s21], [sflag:$0x1] =	stream.indirect.gather [hbm4b:s15+s20], $0x80, s25, s20, $0xb8;
	[tilespmem:$0x10A00] =	vst v63  }
0x68: {  	_ =	swait.ge [sflag:s24], $0x4000  }
0x69: {  	[sflag:s24] =	ssyncset.done $0x0  }
0x6a: {  	[sflag:s24] =	ssyncadd.s32 $0xFFFFC000  }
0x6b: {  	v16 =	vld [tilespmem:$0x400]  }
0x6c: {  	v17 =	vld [tilespmem:$0x410]  }
0x6d: {  	v18 =	vld [tilespmem:$0x420]  }
0x6e: {  	v19 =	vld [tilespmem:$0x430]  }
0x6f: {  	v20 =	vld [tilespmem:$0x440]  }
0x70: {  	v21 =	vld [tilespmem:$0x450];
	[tilespmem:$0x980] =	vst v16  }
0x71: {  	v22 =	vld [tilespmem:$0x460];
	[tilespmem:$0x990] =	vst v17  }
0x72: {  	v23 =	vld [tilespmem:$0x470];
	[tilespmem:$0x9A0] =	vst v18  }
0x73: {  	[tilespmem:$0x9B0] =	vst v19  }
0x74: {  	[tilespmem:$0x9C0] =	vst v20  }
0x75: {  	[tilespmem:$0x9D0] =	vst v21  }
0x76: {  	[tilespmem:$0x9E0] =	vst v22  }
0x77: {  	[tilespmem:$0x9F0] =	vst v23  }
0x78: {  	[spmem:s7] =	stream.indirect.scatter.add.f32 [tilespmem:s22], [sflag:$0x3], $0x80, s14, s20, $0xb8;
	[tilespmem:$0x10A00] =	vst v63  }
0x79: {  	_ =	swait.ge [sflag:s5], $0x4000  }
0x7a: {  	[sflag:s5] =	ssyncset.done $0x0  }
0x7b: {  	[sflag:s5] =	ssyncadd.s32 $0xFFFFC000  }
0x7c: {  	_ =	swait.ge [sflag:s23], $0x4000  }
0x7d: {  	[sflag:s23] =	ssyncset.done $0x0  }
0x7e: {  	[sflag:s23] =	ssyncadd.s32 $0xFFFFC000  }
0x7f: {  	v24 =	vld [tilespmem:$0x480]  }
0x80: {  	v25 =	vld [tilespmem:$0x490]  }
0x81: {  	v26 =	vld [tilespmem:$0x4A0]  }
0x82: {  	v27 =	vld [tilespmem:$0x4B0]  }
0x83: {  	v28 =	vld [tilespmem:$0x4C0]  }
0x84: {  	v29 =	vld [tilespmem:$0x4D0];
	[tilespmem:$0x900] =	vst v24  }
0x85: {  	v30 =	vld [tilespmem:$0x4E0];
	[tilespmem:$0x910] =	vst v25  }
0x86: {  	v31 =	vld [tilespmem:$0x4F0];
	[tilespmem:$0x920] =	vst v26  }
0x87: {  	[tilespmem:$0x930] =	vst v27  }
0x88: {  	[tilespmem:$0x940] =	vst v28  }
0x89: {  	[tilespmem:$0x950] =	vst v29  }
0x8a: {  	[tilespmem:$0x960] =	vst v30  }
0x8b: {  	[tilespmem:$0x970] =	vst v31  }
0x8c: {  	[spmem:s7] =	stream.indirect.scatter.add.f32 [tilespmem:s21], [sflag:$0x3], $0x80, s12, s20, $0xb8;
	[tilespmem:$0x10A00] =	vst v63  }
0x8d: {  	_ =	swait.ge [sflag:s5], $0x4000  }
0x8e: {  	[sflag:s5] =	ssyncset.done $0x0  }
0x8f: {  	[sflag:s5] =	ssyncadd.s32 $0xFFFFC000  }
0x90: {  	[bflag:$0x0] =	sbarrier.arrive $0xFFFF  }
0x91: {  	[tilespmem:s21], [sflag:$0x1] =	stream.indirect.gather [spmem:s7], $0x80, s16, s20, $0xb8;
	[tilespmem:$0x10A00] =	vst v63  }
0x92: {  	s26 =	simm.s32 $0x580  }
0x93: {  	[tilespmem:s22], [sflag:$0x2] =	stream.indirect.gather [spmem:s7], $0x80, s26, s20, $0xb8;
	[tilespmem:$0x10A00] =	vst v63  }
0x94: {  	_ =	swait.ge [sflag:s23], $0x4000  }
0x95: {  	[sflag:s23] =	ssyncset.done $0x0  }
0x96: {  	[sflag:s23] =	ssyncadd.s32 $0xFFFFC000  }
0x97: {  	v32 =	vld [tilespmem:$0x700]  }
0x98: {  	v33 =	vld [tilespmem:$0x710]  }
0x99: {  	v34 =	vld [tilespmem:$0x720]  }
0x9a: {  	v35 =	vld [tilespmem:$0x730]  }
0x9b: {  	v36 =	vld [tilespmem:$0x740]  }
0x9c: {  	v37 =	vld [tilespmem:$0x750];
	[tilespmem:$0x900] =	vst v32  }
0x9d: {  	v38 =	vld [tilespmem:$0x760];
	[tilespmem:$0x910] =	vst v33  }
0x9e: {  	v39 =	vld [tilespmem:$0x770];
	[tilespmem:$0x920] =	vst v34  }
0x9f: {  	[tilespmem:$0x930] =	vst v35  }
0xa0: {  	[tilespmem:$0x940] =	vst v36  }
0xa1: {  	[tilespmem:$0x950] =	vst v37  }
0xa2: {  	[tilespmem:$0x960] =	vst v38  }
0xa3: {  	[tilespmem:$0x970] =	vst v39  }
0xa4: {  	[spmem:s3] =	stream.indirect.scatter.add.f32 [tilespmem:s21], [sflag:$0x3], $0x80, s12, s20, $0xb8;
	[tilespmem:$0x10A00] =	vst v63  }
0xa5: {  	_ =	swait.ge [sflag:s5], $0x4000  }
0xa6: {  	[sflag:s5] =	ssyncset.done $0x0  }
0xa7: {  	s28 =	simm.s32 $0x600;
	[sflag:s5] =	ssyncadd.s32 $0xFFFFC000  }
0xa8: {  	[tilespmem:s21], [sflag:$0x1] =	stream.indirect.gather [spmem:s7], $0x80, s28, s20, $0xb8;
	[tilespmem:$0x10A00] =	vst v63  }
0xa9: {  	_ =	swait.ge [sflag:s24], $0x4000  }
0xaa: {  	[sflag:s24] =	ssyncset.done $0x0  }
0xab: {  	[sflag:s24] =	ssyncadd.s32 $0xFFFFC000  }
0xac: {  	v40 =	vld [tilespmem:$0x780]  }
0xad: {  	v41 =	vld [tilespmem:$0x790]  }
0xae: {  	v42 =	vld [tilespmem:$0x7A0]  }
0xaf: {  	v43 =	vld [tilespmem:$0x7B0]  }
0xb0: {  	v44 =	vld [tilespmem:$0x7C0]  }
0xb1: {  	v45 =	vld [tilespmem:$0x7D0];
	[tilespmem:$0x980] =	vst v40  }
0xb2: {  	v46 =	vld [tilespmem:$0x7E0];
	[tilespmem:$0x990] =	vst v41  }
0xb3: {  	v47 =	vld [tilespmem:$0x7F0];
	[tilespmem:$0x9A0] =	vst v42  }
0xb4: {  	[tilespmem:$0x9B0] =	vst v43  }
0xb5: {  	[tilespmem:$0x9C0] =	vst v44  }
0xb6: {  	[tilespmem:$0x9D0] =	vst v45  }
0xb7: {  	[tilespmem:$0x9E0] =	vst v46  }
0xb8: {  	[tilespmem:$0x9F0] =	vst v47  }
0xb9: {  	[spmem:s3] =	stream.indirect.scatter.add.f32 [tilespmem:s22], [sflag:$0x3], $0x80, s14, s20, $0xb8;
	[tilespmem:$0x10A00] =	vst v63  }
0xba: {  	_ =	swait.ge [sflag:s5], $0x4000  }
0xbb: {  	[sflag:s5] =	ssyncset.done $0x0  }
0xbc: {  	s29 =	simm.s32 $0x680;
	[sflag:s5] =	ssyncadd.s32 $0xFFFFC000  }
0xbd: {  	[tilespmem:s22], [sflag:$0x2] =	stream.indirect.gather [spmem:s7], $0x80, s29, s20, $0xb8;
	[tilespmem:$0x10A00] =	vst v63  }
0xbe: {  	_ =	swait.ge [sflag:s23], $0x4000  }
0xbf: {  	[sflag:s23] =	ssyncset.done $0x0  }
0xc0: {  	[sflag:s23] =	ssyncadd.s32 $0xFFFFC000  }
0xc1: {  	v48 =	vld [tilespmem:$0x800]  }
0xc2: {  	v49 =	vld [tilespmem:$0x810]  }
0xc3: {  	v50 =	vld [tilespmem:$0x820]  }
0xc4: {  	v51 =	vld [tilespmem:$0x830]  }
0xc5: {  	v52 =	vld [tilespmem:$0x840]  }
0xc6: {  	v53 =	vld [tilespmem:$0x850];
	[tilespmem:$0x900] =	vst v48  }
0xc7: {  	v54 =	vld [tilespmem:$0x860];
	[tilespmem:$0x910] =	vst v49  }
0xc8: {  	v55 =	vld [tilespmem:$0x870];
	[tilespmem:$0x920] =	vst v50  }
0xc9: {  	[tilespmem:$0x930] =	vst v51  }
0xca: {  	[tilespmem:$0x940] =	vst v52  }
0xcb: {  	[tilespmem:$0x950] =	vst v53  }
0xcc: {  	[tilespmem:$0x960] =	vst v54  }
0xcd: {  	[tilespmem:$0x970] =	vst v55  }
0xce: {  	[spmem:s3] =	stream.indirect.scatter.add.f32 [tilespmem:s21], [sflag:$0x3], $0x80, s12, s20, $0xb8;
	[tilespmem:$0x10A00] =	vst v63  }
0xcf: {  	_ =	swait.ge [sflag:s5], $0x4000  }
0xd0: {  	[sflag:s5] =	ssyncset.done $0x0  }
0xd1: {  	[sflag:s5] =	ssyncadd.s32 $0xFFFFC000  }
0xd2: {  	_ =	swait.ge [sflag:s24], $0x4000  }
0xd3: {  	[sflag:s24] =	ssyncset.done $0x0  }
0xd4: {  	[sflag:s24] =	ssyncadd.s32 $0xFFFFC000  }
0xd5: {  	v56 =	vld [tilespmem:$0x880]  }
0xd6: {  	v57 =	vld [tilespmem:$0x890]  }
0xd7: {  	v58 =	vld [tilespmem:$0x8A0]  }
0xd8: {  	v59 =	vld [tilespmem:$0x8B0]  }
0xd9: {  	v60 =	vld [tilespmem:$0x8C0]  }
0xda: {  	v61 =	vld [tilespmem:$0x8D0];
	[tilespmem:$0x980] =	vst v56  }
0xdb: {  	v62 =	vld [tilespmem:$0x8E0];
	[tilespmem:$0x990] =	vst v57  }
0xdc: {  	v63 =	vld [tilespmem:$0x8F0];
	[tilespmem:$0x9A0] =	vst v58  }
0xdd: {  	[tilespmem:$0x9B0] =	vst v59  }
0xde: {  	[tilespmem:$0x9C0] =	vst v60  }
0xdf: {  	[tilespmem:$0x9D0] =	vst v61  }
0xe0: {  	[tilespmem:$0x9E0] =	vst v62  }
0xe1: {  	[tilespmem:$0x9F0] =	vst v63  }
0xe2: {  	[spmem:s3] =	stream.indirect.scatter.add.f32 [tilespmem:s22], [sflag:$0x3], $0x80, s14, s20, $0xb8;
	[tilespmem:$0x10A00] =	vst v63  }
0xe3: {  	_ =	swait.ge [sflag:s5], $0x4000  }
0xe4: {  	[sflag:s5] =	ssyncset.done $0x0  }
0xe5: {  	s30 =	sadd.s32 $0x1800, s2;
	s31 =	sshll.u32 s1, $0xB;
	[sflag:s5] =	ssyncadd.s32 $0xFFFFC000  }
0xe6: {  	s2 =	sadd.s32 s30, s31;
	[bflag:$0x0] =	sbarrier.arrive $0xFFFF  }
0xe7: {  	[hbm:s2], [sflag:s4] =	dma.local [spmem:s6], $0x800  }
0xe8: {  	_ =	swait.ge [sflag:s5], $0x800  }
0xe9: {  	[sflag:s5] =	ssyncset.done $0x0  }
0xea: {  	[sflag:s5] =	ssyncadd.s32 $0xFFFFF800  }
.LBB2_2:
0xeb: {  	_ =	sfence.sel $0x180000  }
0xec: {  	[bflag:$0x0] =	sbarrier.arrive $0xFFFF  }
0xed: {  	p0 =	sne.s32 s1, $0x0;
	_ =	strace $0x9000004D  }
0xee: {  	s0 =	sadd.s32 @!p0 $0x100000, s0;
	[bflag:$0x2] =	sbarrier.arrive $0xFFFF  }
0xef: {  	[sflag:s0] =	ssyncadd.tile.s32 @!p0 $0x1;
	_ =	shalt  }
.Lfunc_end2:
_tile_overlayer_lowered:
.L_overlay_start_2:
0xf0: {  	(tag) =	ssettag $0x2  }
0xf1: {  	s0 =	rddreg [dreg:$0x0];
	s2 =	stileid.u32  }
0xf2: {  	s1 =	rddreg [dreg:$0x1];
	p0 =	sne.s32 s2, $0x0  }
0xf3: {  	s3 =	rddreg [dreg:$0x2];
	[bflag:$0x3] =	sbarrier.arrive $0xFFFF;
	s2 =	simm.s32 @!p0 $0x1C03  }
0xf4: {  	[timem:s3], [sflag:s2] =	dma.local @!p0 [hbm:s0], s1  }
0xf5: {  	s0 =	simm.s32 @!p0 $0x3  }
0xf6: {  	_ =	swait.ge @!p0 [sflag:s0], s1  }
0xf7: {  	s1 =	ssub.s32 @!p0 $0x0, s1;
	[sflag:s0] =	ssyncset.done @!p0 $0x0  }
0xf8: {  	[sflag:s0] =	ssyncadd.s32 @!p0 s1  }
0xf9: {  	[bflag:$0x3] =	sbarrier.arrive $0xFFFF  }
0xfa: {  	_ =	shalt  }

// kernel: kernel.8.cloned.1.call-start
scs
__scs_entry_jumppad:
0x0: {  	(pc) =	sbr.rel $0x88, $3  }
0x1: {  	(tag) =	ssettag $0x0;
	lr =	simm.s32 $0x1  }
0x2: {  	[smem:$0x3F97] =	sst lr;
	_ =	strace $0xD0000000  }
0x3: {  	_ = 	snop  }
0x4: {  	_ = 	snop  }
0x5: {  	_ = 	snop  }
0x6: {  	_ = 	snop  }
0x7: {  	_ = 	snop  }
__scs_overlays_trampoline_lowered:
0x8: {  	[smem:$0x3FA6] =	sst s0  }
0x9: {  	[smem:$0x3FA7] =	sst s1  }
0xa: {  	[smem:$0x3FA8] =	sst s2  }
0xb: {  	[smem:$0x3FA9] =	sst s3  }
0xc: {  	[smem:$0x3FAA] =	sst s4  }
0xd: {  	[smem:$0x3FAB] =	sst s5  }
0xe: {  	[smem:$0x3FAC] =	sst s6  }
0xf: {  	[smem:$0x3FAD] =	sst s7  }
0x10: {  	[smem:$0x3FAE] =	sst s8  }
0x11: {  	[smem:$0x3FAF] =	sst s9;
	s0 =	simm.s32 @!p0 $0x0  }
0x12: {  	s1 =	sld [smem:$0x3F95];
	s0 =	simm.s32 @p0 $0x1  }
0x13: {  	[smem:$0x3FB0] =	sst s0;
	s0 =	simm.s32 @!p1 $0x0  }
0x14: {  	s2 =	sld [smem:$0x3F94];
	s0 =	simm.s32 @p1 $0x1  }
0x15: {  	[smem:$0x3FB1] =	sst s0;
	s0 =	simm.s32 @!p2 $0x0  }
0x16: {  	s3 =	sld [smem:$0x3FDB];
	s0 =	simm.s32 @p2 $0x1  }
0x17: {  	s4 =	simm.s32 $0x1BF5;
	[smem:$0x3FB3] =	sst s0  }
0x18: {  	s0 =	sld [smem:$0x3F96];
	_ =	swait.ge [sflag:s4], $0x0  }
0x19: {  	s7 =	sld [smem:$0x3F97]  }
0x1a: {  	s8 =	sadd.s32 $0xFFFFE003, lr  }
0x1b: {  	s9 =	sadd.s32 $0xFFFFFEF7, lr;
	s5 =	simm.s32 $0xFFFFFFFF;
	p2 =	slt.u32 s8, $0xFFFFF086  }
0x1c: {  	p1 =	slt.u32 s9, $0xF7A;
	s5 =	simm.s32 @!p2 $0x0  }
0x1d: {  	s5 =	simm.s32 @p1 $0x1;
	p0 =	seq.s32 s7, s2  }
0x1e: {  	s7 =	smul.u32 @!p0 $0xF7A, s2;
	p2 =	seq.s32 @!p0 s5, $0x0  }
0x1f: {  	s9 =	smul.u32 $0xF7A, s1;
	s8 =	simm.s32 @!p0 $0x1BF5;
	p2 =	por !p2, p0  }
0x20: {  	[sflag:s8] =	ssyncset.s32 @!p0 $0xFFFFF086;
	s6 =	sadd.s32 @!p0 s3, s7;
	s7 =	simm.s32 @!p0 $0x108  }
0x21: {  	s3 =	sadd.s32 s3, s9;
	s6 =	sadd.s32 @!p0 $0x88, s6;
	s7 =	simm.s32 @p2 $0x1082  }
0x22: {  	[simem:s7], [sflag:s8] =	dma.local @!p0 [hbm:s6], $0xF7A  }
0x23: {  	s9 =	sor.u32 $0xD0000000, s2;
	s6 =	simm.s32 $0x108;
	_ =	swait.ge @!p0 [sflag:s8], $0x0  }
0x24: {  	s3 =	sadd.s32 $0x88, s3;
	s6 =	simm.s32 @!p1 $0x1082;
	[sflag:s4] =	ssyncset.s32 $0xFFFFF086  }
0x25: {  	[simem:s6], [sflag:s4] =	dma.local [hbm:s3], $0xF7A  }
0x26: {  	[smem:$0x3F97] =	sst s1;
	(tag) =	ssettag s2;
	_ =	strace s9  }
0x27: {  	s1 =	sld [smem:$0x3FA7]  }
0x28: {  	s2 =	sld [smem:$0x3FA8]  }
0x29: {  	s4 =	sld [smem:$0x3FAA]  }
0x2a: {  	p0 =	seq.s32 s5, $0x0;
	s5 =	sld [smem:$0x3FAB]  }
0x2b: {  	s6 =	sld [smem:$0x3FAC]  }
0x2c: {  	s7 =	sld [smem:$0x3FAD]  }
0x2d: {  	s3 =	simm.s32 $0x108;
	s8 =	sld [smem:$0x3FAE]  }
0x2e: {  	s3 =	simm.s32 @!p0 $0x1082;
	s9 =	sld [smem:$0x3FAF]  }
0x2f: {  	lr =	sadd.s32 s0, s3;
	s0 =	sld [smem:$0x3FA6]  }
0x30: {  	s3 =	sld [smem:$0x3FA9]  }
0x31: {  	[smem:$0x3FB2] =	sst s10  }
0x32: {  	s10 =	sld [smem:$0x3FB0];
	_ =	sdelay $0x3  }
0x33: {  	p0 =	seq.s32 s10, $0x1;
	s10 =	sld [smem:$0x3FB2];
	_ =	sdelay $0x3  }
0x34: {  	[smem:$0x3FB2] =	sst s10  }
0x35: {  	s10 =	sld [smem:$0x3FB1];
	_ =	sdelay $0x3  }
0x36: {  	p1 =	seq.s32 s10, $0x1;
	s10 =	sld [smem:$0x3FB2];
	_ =	sdelay $0x3  }
0x37: {  	[smem:$0x3FB2] =	sst s10  }
0x38: {  	s10 =	sld [smem:$0x3FB3]  }
0x39: {  	_ = 	snop;
	(pc) =	sbr.ind lr, $3  }
0x3a: {  	_ = 	snop  }
0x3b: {  	_ = 	snop  }
0x3c: {  	p2 =	seq.s32 s10, $0x1;
	s10 =	sld [smem:$0x3FB2]  }
0x3d: {  	_ =	shalt  }
0x3e: {  	_ =	shalt  }
0x3f: {  	_ =	shalt  }
0x40: {  	_ =	shalt  }
0x41: {  	_ =	shalt  }
0x42: {  	_ =	shalt  }
0x43: {  	_ =	shalt  }
0x44: {  	_ =	shalt  }
0x45: {  	_ =	shalt  }
0x46: {  	_ =	shalt  }
0x47: {  	_ =	shalt  }
0x48: {  	_ =	shalt  }
0x49: {  	_ =	shalt  }
0x4a: {  	_ =	shalt  }
0x4b: {  	_ =	shalt  }
0x4c: {  	_ =	shalt  }
0x4d: {  	_ =	shalt  }
0x4e: {  	_ =	shalt  }
0x4f: {  	_ =	shalt  }
0x50: {  	_ =	shalt  }
0x51: {  	_ =	shalt  }
0x52: {  	_ =	shalt  }
0x53: {  	_ =	shalt  }
0x54: {  	_ =	shalt  }
0x55: {  	_ =	shalt  }
0x56: {  	_ =	shalt  }
0x57: {  	_ =	shalt  }
0x58: {  	_ =	shalt  }
0x59: {  	_ =	shalt  }
0x5a: {  	_ =	shalt  }
0x5b: {  	_ =	shalt  }
0x5c: {  	_ =	shalt  }
0x5d: {  	_ =	shalt  }
0x5e: {  	_ =	shalt  }
0x5f: {  	_ =	shalt  }
0x60: {  	_ =	shalt  }
0x61: {  	_ =	shalt  }
0x62: {  	_ =	shalt  }
0x63: {  	_ =	shalt  }
0x64: {  	_ =	shalt  }
0x65: {  	_ =	shalt  }
0x66: {  	_ =	shalt  }
0x67: {  	_ =	shalt  }
0x68: {  	_ =	shalt  }
0x69: {  	_ =	shalt  }
0x6a: {  	_ =	shalt  }
0x6b: {  	_ =	shalt  }
0x6c: {  	_ =	shalt  }
0x6d: {  	_ =	shalt  }
0x6e: {  	_ =	shalt  }
0x6f: {  	_ =	shalt  }
0x70: {  	_ =	shalt  }
0x71: {  	_ =	shalt  }
0x72: {  	_ =	shalt  }
0x73: {  	_ =	shalt  }
0x74: {  	_ =	shalt  }
0x75: {  	_ =	shalt  }
0x76: {  	_ =	shalt  }
0x77: {  	_ =	shalt  }
0x78: {  	_ =	shalt  }
0x79: {  	_ =	shalt  }
0x7a: {  	_ =	shalt  }
0x7b: {  	_ =	shalt  }
0x7c: {  	_ =	shalt  }
0x7d: {  	_ =	shalt  }
0x7e: {  	_ =	shalt  }
0x7f: {  	_ =	shalt  }
0x80: {  	_ =	shalt  }
0x81: {  	_ =	shalt  }
0x82: {  	_ =	shalt  }
0x83: {  	_ =	shalt  }
0x84: {  	_ =	shalt  }
0x85: {  	_ =	shalt  }
0x86: {  	_ =	shalt  }
0x87: {  	_ =	shalt  }
.Lfunc_end0:
.L_simem_size_0:
called_computation_lowered:
.L_overlay_start_0:
0x88: {  	s2 =	sld [smem:$0x3FD9]  }
0x89: {  	s3 =	sld [smem:$0x3FFE];
	_ =	sdelay $0x1  }
0x8a: {  	s1 =	srdreg.scid  }
0x8b: {  	s0 =	sand.u32 $0x1, s1  }
0x8c: {  	s14 =	sshll.u32 s0, $0xA;
	s2 =	sadd.s32 s3, s2  }
0x8d: {  	s2 =	sadd.s32 s2, s14  }
0x8e: {  	[smem:$0x3FBE] =	sst s2  }
0x8f: {  	_ = 	snop  }
0x90: {  	s2 =	sld [smem:$0x3FD0];
	_ =	sdelay $0x2  }
0x91: {  	s15 =	simm.s32 $0xA;
	s4 =	simm.s32 $0x10  }
0x92: {  	[smem:s4], [sflag:s15] =	dma.local [hbm:s2], $0x1  }
0x93: {  	_ =	swait.eq [sflag:s15], $0x1  }
0x94: {  	[sflag:s15] =	ssyncset.done $0x0  }
0x95: {  	[sflag:s15] =	ssyncadd.s32 $0xFFFFFFFF  }
0x96: {  	s16 =	sld [smem:$0x10];
	(tm) =	ssettm $0x1  }
0x97: {  	s17 =	sld [smem:$0x3FFB];
	_ =	sdelay $0x3  }
0x98: {  	_ =	strace s17  }
0x99: {  	s3 =	sld [smem:$0x3FFC];
	_ =	sdelay $0x3  }
0x9a: {  	_ =	strace s3  }
0x9b: {  	s3 =	sld [smem:$0x3FFD];
	_ =	sdelay $0x3  }
0x9c: {  	_ =	strace s3  }
0x9d: {  	_ =	strace $0x8FFFFFFF  }
0x9e: {  	s18 =	sld [smem:$0x3FDB];
	_ =	sdelay $0x1  }
0x9f: {  	s19 =	simm.s32 $_scs_section_size  }
0xa0: {  	s5 =	simm.s32 $_size__tile_overlayer_lowered;
	s6 =	simm.s32 $_tile_overlayer_lowered  }
0xa1: {  	s22 =	simm.s32 $0x1BFF;
	s21 =	sshll.u32 s6, $0x1;
	s3 =	sadd.s32 s19, s18  }
0xa2: {  	s7 =	simm.s32 $0x0;
	s20 =	sshll.u32 s5, $0x1;
	s5 =	sadd.s32 s21, s3  }
0xa3: {  	[timem:s7], [sflag:s22] =	dma.local [hbm:s5], s20  }
0xa4: {  	_ =	swait.ge [sflag:s22], s20  }
0xa5: {  	s4 =	ssub.s32 $0x0, s20;
	[sflag:s22] =	ssyncset.done $0x0  }
0xa6: {  	[sflag:s22] =	ssyncadd.s32 s4;
	_ =	sdelay $0x1  }
0xa7: {  	s23 =	simm.s32 $0x1B8B  }
0xa8: {  	_ =	swait.ge [sflag:s23], $0x1  }
0xa9: {  	[sflag:s23] =	ssyncset.done $0x0  }
0xaa: {  	s25 =	simm.s32 $0x1B8E;
	s24 =	sld [smem:$0x3FFE];
	[sflag:s23] =	ssyncadd.s32 $0xFFFFFFFF  }
0xab: {  	s26 =	simm.s32 $execute0_lowered;
	[smem:$0x3FD2] =	sst s25  }
0xac: {  	s5 =	sshll.u32 s26, $0x1;
	_ =	strace $0x80000046;
	[dreg:$0x1] =	wrdreg $0xFFFFFFFF  }
0xad: {  	s28 =	simm.s32 $_size_execute0_lowered;
	s3 =	sadd.s32 s3, s5;
	[dreg:$0x0] =	wrdreg $0x0  }
0xae: {  	s5 =	sshll.u32 s28, $0x1;
	[dreg:$0x2] =	wrdreg s3  }
0xaf: {  	[dreg:$0x3] =	wrdreg s5  }
0xb0: {  	[dreg:$0x4] =	wrdreg $0xC0  }
0xb1: {  	_ =	task [dreg:s7], $0x5FFFF  }
0xb2: {  	[dreg:$0x1] =	wrdreg $0xFFFFFFFF  }
0xb3: {  	[dreg:$0x0] =	wrdreg $0x60  }
0xb4: {  	[dreg:$0x2] =	wrdreg s24  }
0xb5: {  	[dreg:$0x3] =	wrdreg s16  }
0xb6: {  	[dreg:$0x4] =	wrdreg $0x9  }
0xb7: {  	_ =	task.clear_ibuf [dreg:s7], $0x5FFFF;
	_ =	strace $0x90000046  }
0xb8: {  	s29 =	simm.s32 $0x9;
	_ =	strace $0x80000048  }
0xb9: {  	_ =	swait.ge [sflag:s29], $0x1  }
0xba: {  	[sflag:s29] =	ssyncadd.s32 $0xFFFFFFFF  }
0xbb: {  	_ =	strace $0x90000048  }
0xbc: {  	_ =	sfence  }
0xbd: {  	s30 =	sld [smem:$0x0];
	_ =	sdelay $0x2  }
0xbe: {  	s31 =	sshll.u32 s1, $0xD;
	s1 =	sshrl.u32 s1, $0x2  }
0xbf: {  	s3 =	sand.u32 $0x4000, s31;
	s1 =	sadd.s32 s1, s30  }
0xc0: {  	s0 =	sor.u32 s3, s0;
	s1 =	sshll.u32 s1, $0x11  }
0xc1: {  	s0 =	sor.u32 s1, s0  }
0xc2: {  	s0 =	sadd.s32 $0x8F2B, s0  }
0xc3: {  	[sflag:s0] =	ssyncadd.remote.s32 $0x1  }
0xc4: {  	_ =	sfence.sel $0xFFFF  }
0xc5: {  	[dreg:$0x0] =	wrdreg $0xFFFFFFFF;
	(pc) =	sbr.abs _section_cstart, $3  }
0xc6: {  	[dreg:$0x1] =	wrdreg $0xFFFFFFFF  }
0xc7: {  	_ =	task.clear_ibuf [dreg:s7], $0x2FFFF;
	_ =	strace $0x9FFFFFFF  }
0xc8: {  	(tm) =	ssettm $0x7FFFFFFF  }
0xc9: {  	_ =	shalt  }
tec
execute0_lowered:
.L_overlay_start_1:
0x0: {  	(tag) =	ssettag $0x1  }
0x1: {  	s3 =	rddreg [dreg:$0x0];
	s1 =	srdreg.scid  }
0x2: {  	s0 =	stileid.u32;
	s4 =	rddreg [dreg:$0x1]  }
0x3: {  	s8 =	simm.s32 $0x0;
	s5 =	sand.u32 $0x1, s1;
	s2 =	sshll.u32 s0, $0x1  }
0x4: {  	s6 =	sor.u32 s5, s2;
	s2 =	simm.s32 $0x0;
	s5 =	ssub.s32 $0x2, s5  }
0x5: {  	s6 =	smul.u32 $0x500, s6;
	[smem:$0x7FF] =	sst s2;
	s7 =	sshrl.u32 s5, $0x1  }
0x6: {  	s1 =	rddreg [dreg:$0x2];
	_ =	strace $0x80000047;
	s5 =	ssub.s32 s5, s7  }
0x7: {  	s7 =	simm.s32 $0x2800;
	s3 =	sadd.s32 s6, s3;
	s4 =	sadd.s32 s4, s6  }
0x8: {  	v0 =	vimm.f32 $0.0e+00;
	v1 =	vimm.f32 $1.000000000e+00;
	s5 =	smax.u32 s5, $0x1;
	s6 =	simm.s32 $0x1;
	s3 =	sadd.s32 $0x1800, s3  }
.LBB2_1:
0x9: {  	[tilespmem:s2], [sflag:$0x1] =	stream.linear.gather [hbm4b:s3+s2], $0x2800, $0x38;
	[tilespmem:$0x5000] =	vst v63  }
0xa: {  	_ =	swait.ge [sflag:s6], $0x2800  }
0xb: {  	[sflag:s6] =	ssyncset.done $0x0  }
0xc: {  	s9 =	simm.s32 $0x0;
	[sflag:s6] =	ssyncadd.s32 $0xFFFFD800  }
.LBB2_2:
0xd: {  	p0 =	sne.s32 s9, $0x9FC0  }
.Ltmp0:
0xe: {  	_ = 	snop;
	(pc) =	sbr.rel @p0 .LBB2_2-.Ltmp0, $3  }
0xf: {  	_ =	sdelay $0x1  }
0x10: {  	s10 =	sshra.s32 s9, $0x2  }
0x11: {  	s9 =	sadd.s32 $0x40, s9;
	[tilespmem:s10+$0x2800] =	vst v0  }
0x12: {  	s10 =	simm.s32 $0x0;
	s9 =	simm.s32 $0x40  }
.LBB2_4:
0x13: {  	p0 =	sne.s32 s9, $0x9FC0;
	v2 =	vld [tilespmem:s10+$0x0];
	_ =	sdelay $0x3  }
.Ltmp1:
0x14: {  	(pc) =	sbr.rel @p0 .LBB2_4-.Ltmp1, $2  }
0x15: {  	_ =	sdelay $0x2  }
0x16: {  	s10 =	sshra.s32 s9, $0x2;
	s9 =	sadd.s32 $0x40, s9;
	[tilespmem:v2+s7+$0x0] =	vst.idx.add.f32.msk $0xffff, v1  }
0x17: {  	v2 =	vld [tilespmem:s10+$0x0];
	_ =	sdelay $0x5  }
0x18: {  	s8 =	sadd.s32 $0x1, s8  }
0x19: {  	p0 =	sne.s32 s8, s5  }
.Ltmp2:
0x1a: {  	[tilespmem:v2+s7+$0x0] =	vst.idx.add.f32.msk $0xffff, v1;
	(pc) =	sbr.rel @p0 .LBB2_1-.Ltmp2, $4  }
0x1b: {  	[hbm4b:s4+s2] =	stream.linear.scatter [tilespmem:s7], [sflag:$0x1], $0x2800, $0x38;
	[tilespmem:$0x5000] =	vst v63  }
0x1c: {  	_ =	swait.ge [sflag:s6], $0x2800  }
0x1d: {  	[sflag:s6] =	ssyncset.done $0x0  }
0x1e: {  	[sflag:s6] =	ssyncadd.s32 $0xFFFFD800  }
0x1f: {  	_ =	sfence.sel $0x180000  }
0x20: {  	[bflag:$0x0] =	sbarrier.arrive $0xFFFF  }
0x21: {  	p0 =	sne.s32 s0, $0x0;
	_ =	strace $0x90000047  }
0x22: {  	s0 =	sadd.s32 @!p0 $0x100000, s1;
	[bflag:$0x2] =	sbarrier.arrive $0xFFFF  }
0x23: {  	[sflag:s0] =	ssyncadd.tile.s32 @!p0 $0x1;
	_ =	shalt  }
.Lfunc_end2:
_tile_overlayer_lowered:
.L_overlay_start_2:
0x24: {  	(tag) =	ssettag $0x2  }
0x25: {  	s0 =	rddreg [dreg:$0x0];
	s2 =	stileid.u32  }
0x26: {  	s1 =	rddreg [dreg:$0x1];
	p0 =	sne.s32 s2, $0x0  }
0x27: {  	s3 =	rddreg [dreg:$0x2];
	[bflag:$0x3] =	sbarrier.arrive $0xFFFF;
	s2 =	simm.s32 @!p0 $0x1C01  }
0x28: {  	[timem:s3], [sflag:s2] =	dma.local @!p0 [hbm:s0], s1  }
0x29: {  	s0 =	simm.s32 @!p0 $0x1  }
0x2a: {  	_ =	swait.ge @!p0 [sflag:s0], s1  }
0x2b: {  	s1 =	ssub.s32 @!p0 $0x0, s1;
	[sflag:s0] =	ssyncset.done @!p0 $0x0  }
0x2c: {  	[sflag:s0] =	ssyncadd.s32 @!p0 s1  }
0x2d: {  	[bflag:$0x3] =	sbarrier.arrive $0xFFFF  }
0x2e: {  	_ =	shalt  }

</sc_bundles>
